<compile_context>
chip_gen: v7x
topology: tpu7x:2x2x1
jax: 0.10.2.dev20260603
libtpu: 0.0.44.dev20260713+nightly
codegen_flags: <defaults>
</compile_context>

<pallas_src>
import functools
import math

import jax
import jax.numpy as jnp
import numpy as np
from jax import lax
from jax.experimental import pallas as pl
from jax.experimental.pallas import tpu as pltpu
from jax.experimental.pallas import tpu_sc as plsc

N_NODES = 10000
N_EDGES = 320000
IN_DIM = 128
HIDDEN = 256
TDIM = 64
N_GRAPHS = 16

NC = 2
NS = 16
HALF = HIDDEN // 2

N_PAD = 10240
NPT = N_PAD // NS
EPT = N_EDGES // NS
CH = 160
ROWS = 5000
GRID = N_NODES // ROWS

_mesh = plsc.VectorSubcoreMesh(core_axis_name="c", subcore_axis_name="s")



@functools.partial(
    pl.kernel,
    out_type=jax.ShapeDtypeStruct((NC, N_PAD, HALF), jnp.float32),
    mesh=_mesh,
    scratch_types=[
        pltpu.VMEM((CH,), jnp.int32),
        pltpu.VMEM((CH,), jnp.int32),
        pltpu.VMEM((CH,), jnp.int32),
        pltpu.VMEM((CH,), jnp.int32),
        pltpu.VMEM((CH, HALF), jnp.float32),
        pltpu.VMEM((CH, HALF), jnp.float32),
        pltpu.VMEM((16,), jnp.int32),
        pltpu.VMEM_SHARED((N_PAD, HALF), jnp.float32),
        pltpu.SemaphoreType.DMA,
        pltpu.SemaphoreType.DMA,
    ],
)
def _conv_kernel(y_hbm, src_hbm, dst_hbm, rng_hbm, out_hbm, src_v0, dst_v0,
                 src_v1, dst_v1, rows_v0, rows_v1, rng_v, acc_sh, sem0, sem1):
    c = lax.axis_index("c")
    s = lax.axis_index("s")
    w = c * NS + s
    nbase = s * NPT
    pltpu.sync_copy(y_hbm.at[c, pl.ds(nbase, NPT)], acc_sh.at[pl.ds(nbase, NPT)])
    pltpu.sync_copy(rng_hbm.at[pl.ds(w * 16, 16)], rng_v)
    plsc.subcore_barrier()
    rng = rng_v[...]
    gbase = rng[0]
    n_it = rng[1]

    def load_idx(i, sv, dv):
        e0 = (gbase + i) * CH
        pltpu.sync_copy(src_hbm.at[pl.ds(e0, CH)], sv)
        pltpu.sync_copy(dst_hbm.at[pl.ds(e0, CH)], dv)

    load_idx(0, src_v0, dst_v0)
    pltpu.async_copy(y_hbm.at[c].at[src_v0], rows_v0, sem0)

    def body(i, carry):
        @pl.when(i % 2 == 0)
        def _():
            load_idx(i + 1, src_v1, dst_v1)
            pltpu.async_copy(y_hbm.at[c].at[src_v1], rows_v1, sem1)
            pltpu.make_async_copy(y_hbm.at[c].at[src_v0], rows_v0, sem0).wait()
            pltpu.sync_copy(rows_v0, acc_sh.at[dst_v0], add=True)

        @pl.when(i % 2 == 1)
        def _():
            load_idx(i + 1, src_v0, dst_v0)
            pltpu.async_copy(y_hbm.at[c].at[src_v0], rows_v0, sem0)
            pltpu.make_async_copy(y_hbm.at[c].at[src_v1], rows_v1, sem1).wait()
            pltpu.sync_copy(rows_v1, acc_sh.at[dst_v1], add=True)

        return carry

    lax.fori_loop(0, n_it - 1, body, 0)

    @pl.when((n_it - 1) % 2 == 0)
    def _():
        pltpu.make_async_copy(y_hbm.at[c].at[src_v0], rows_v0, sem0).wait()
        pltpu.sync_copy(rows_v0, acc_sh.at[dst_v0], add=True)

    @pl.when((n_it - 1) % 2 == 1)
    def _():
        pltpu.make_async_copy(y_hbm.at[c].at[src_v1], rows_v1, sem1).wait()
        pltpu.sync_copy(rows_v1, acc_sh.at[dst_v1], add=True)

    plsc.subcore_barrier()
    pltpu.sync_copy(acc_sh.at[pl.ds(nbase, NPT)], out_hbm.at[c, pl.ds(nbase, NPT)])



def _t1a_body(x_ref, w1_ref, xw_ref):
    xw = jnp.dot(x_ref[...], w1_ref[...], preferred_element_type=jnp.float32)
    xw_ref[0] = xw[:, :HALF]
    xw_ref[1] = xw[:, HALF:]


_t1a = pl.pallas_call(
    _t1a_body,
    grid=(GRID,),
    in_specs=[
        pl.BlockSpec((ROWS, IN_DIM), lambda i: (i, 0)),
        pl.BlockSpec((IN_DIM, HIDDEN), lambda i: (0, 0)),
    ],
    out_specs=pl.BlockSpec((NC, ROWS, HALF), lambda i: (0, i, 0)),
    out_shape=jax.ShapeDtypeStruct((NC, N_PAD, HALF), jnp.float32),
)


def _t1b_body(xw_ref, degp_ref, y_ref, dinv_ref):
    dinv = lax.rsqrt(degp_ref[0, :, 0:1] + degp_ref[1, :, 0:1] - 1.0)
    y_ref[0] = xw_ref[0] * dinv
    y_ref[1] = xw_ref[1] * dinv
    dinv_ref[...] = dinv


_t1b = pl.pallas_call(
    _t1b_body,
    grid=(GRID,),
    in_specs=[
        pl.BlockSpec((NC, ROWS, HALF), lambda i: (0, i, 0)),
        pl.BlockSpec((NC, ROWS, HALF), lambda i: (0, i, 0)),
    ],
    out_specs=[
        pl.BlockSpec((NC, ROWS, HALF), lambda i: (0, i, 0)),
        pl.BlockSpec((ROWS, 1), lambda i: (i, 0)),
    ],
    out_shape=[
        jax.ShapeDtypeStruct((NC, N_PAD, HALF), jnp.float32),
        jax.ShapeDtypeStruct((N_NODES, 1), jnp.float32),
    ],
)


def _t2_body(acc_ref, dinv_ref, b1_ref, w2_ref, y2_ref):
    acc = jnp.concatenate([acc_ref[0], acc_ref[1]], axis=1)
    dinv = dinv_ref[...]
    h = jnp.maximum(acc * dinv + b1_ref[...], 0.0)
    xw = jnp.dot(h, w2_ref[...], preferred_element_type=jnp.float32)
    y2 = xw * dinv
    y2_ref[0] = y2[:, :HALF]
    y2_ref[1] = y2[:, HALF:]


_t2 = pl.pallas_call(
    _t2_body,
    grid=(GRID,),
    in_specs=[
        pl.BlockSpec((NC, ROWS, HALF), lambda i: (0, i, 0)),
        pl.BlockSpec((ROWS, 1), lambda i: (i, 0)),
        pl.BlockSpec((1, HIDDEN), lambda i: (0, 0)),
        pl.BlockSpec((HIDDEN, HIDDEN), lambda i: (0, 0)),
    ],
    out_specs=pl.BlockSpec((NC, ROWS, HALF), lambda i: (0, i, 0)),
    out_shape=jax.ShapeDtypeStruct((NC, N_PAD, HALF), jnp.float32),
)


def _t3_body(acc_ref, dinv_ref, b2_ref, t_ref, tw_ref, tb_ref, bv_ref,
             mw1_ref, mb1_ref, mw2_ref, mb2_ref, out_ref):
    half = TDIM // 2
    k = lax.broadcasted_iota(jnp.int32, (1, half), 1).astype(jnp.float32)
    freqs = jnp.exp(k * (-math.log(10000.0) / half))
    args = t_ref[...] * freqs
    temb = jnp.concatenate([jnp.sin(args), jnp.cos(args)], axis=1)
    a = jnp.dot(temb, tw_ref[...], preferred_element_type=jnp.float32) + tb_ref[...]
    gemb = a * (1.0 / (1.0 + jnp.exp(-a)))
    acc = jnp.concatenate([acc_ref[0], acc_ref[1]], axis=1)
    h = jnp.maximum(acc * dinv_ref[...] + b2_ref[...], 0.0)
    gid = lax.broadcasted_iota(jnp.int32, (1, N_GRAPHS), 1)
    onehot = (bv_ref[...] == gid).astype(jnp.float32)
    h = h + jnp.dot(onehot, gemb, preferred_element_type=jnp.float32)
    a1 = jnp.dot(h, mw1_ref[...], preferred_element_type=jnp.float32) + mb1_ref[...]
    h3 = a1 * (1.0 / (1.0 + jnp.exp(-a1)))
    out_ref[...] = jnp.dot(h3, mw2_ref[...], preferred_element_type=jnp.float32) + mb2_ref[...]


_t3 = pl.pallas_call(
    _t3_body,
    grid=(GRID,),
    in_specs=[
        pl.BlockSpec((NC, ROWS, HALF), lambda i: (0, i, 0)),
        pl.BlockSpec((ROWS, 1), lambda i: (i, 0)),
        pl.BlockSpec((1, HIDDEN), lambda i: (0, 0)),
        pl.BlockSpec((N_GRAPHS, 1), lambda i: (0, 0)),
        pl.BlockSpec((TDIM, HIDDEN), lambda i: (0, 0)),
        pl.BlockSpec((1, HIDDEN), lambda i: (0, 0)),
        pl.BlockSpec((ROWS, 1), lambda i: (i, 0)),
        pl.BlockSpec((HIDDEN, HIDDEN), lambda i: (0, 0)),
        pl.BlockSpec((1, HIDDEN), lambda i: (0, 0)),
        pl.BlockSpec((HIDDEN, IN_DIM), lambda i: (0, 0)),
        pl.BlockSpec((1, IN_DIM), lambda i: (0, 0)),
    ],
    out_specs=pl.BlockSpec((ROWS, IN_DIM), lambda i: (i, 0)),
    out_shape=jax.ShapeDtypeStruct((N_NODES, IN_DIM), jnp.float32),
)


def kernel(x, W1, b1, W2, b2, tW, tb, mW1, mb1, mW2, mb2, edge_index, t_graph, batch_vec):
    src = edge_index[0]
    dst = edge_index[1]

    n_chunks = N_EDGES // CH
    cpt = n_chunks // NS
    rng_conv = np.zeros((NC * NS, 16), np.int32)
    for cc in range(NC):
        for ss in range(NS):
            rng_conv[cc * NS + ss, 0] = ss * cpt
            rng_conv[cc * NS + ss, 1] = cpt
    rng_deg = np.zeros((NC * NS, 16), np.int32)
    base = 0
    for ww in range(NC * NS):
        nit = n_chunks // (NC * NS) + (1 if ww < n_chunks % (NC * NS) else 0)
        rng_deg[ww, 0] = base
        rng_deg[ww, 1] = nit
        base += nit
    rng_conv = jnp.asarray(rng_conv.reshape(-1))
    rng_deg = jnp.asarray(rng_deg.reshape(-1))

    src_seq = jnp.asarray(np.arange(N_EDGES, dtype=np.int32) % N_PAD)
    degp = _conv_kernel(jnp.ones((NC, N_PAD, HALF), jnp.float32), src_seq,
                        dst, rng_deg)
    y1, dinv = _t1b(_t1a(x, W1), degp)
    acc1 = _conv_kernel(y1, src, dst, rng_conv)
    y2 = _t2(acc1, dinv, b1.reshape(1, HIDDEN), W2)
    acc2 = _conv_kernel(y2, src, dst, rng_conv)
    return _t3(acc2, dinv, b2.reshape(1, HIDDEN),
               t_graph.astype(jnp.float32).reshape(N_GRAPHS, 1), tW,
               tb.reshape(1, HIDDEN), batch_vec.reshape(N_NODES, 1), mW1,
               mb1.reshape(1, HIDDEN), mW2, mb2.reshape(1, IN_DIM))

# --- scband reference (transcript-rebuilt; emitter-appended) ---
"""Pipeline reference for scband-gcn-ddpm-52690658787985 (READ-ONLY COPY).

The authoritative reference and input builder live on the scoring server;
editing this copy changes nothing except your own understanding.
"""

import jax, jax.numpy as jnp
import numpy as np
import math

N_NODES = 10000
N_EDGES = 320000
IN_DIM = 128
HIDDEN = 256
TDIM = 64
N_GRAPHS = 16


def time_embed(t, dim):
    half = dim // 2
    freqs = jnp.exp(jnp.arange(half, dtype=jnp.float32) * (-math.log(10000.0) / half))
    args = t[:, None].astype(jnp.float32) * freqs[None, :]
    return jnp.concatenate([jnp.sin(args), jnp.cos(args)], axis=-1)


def gcn_conv(x, edge_index, W, b):
    n = x.shape[0]
    src = edge_index[0]
    dst = edge_index[1]
    loop = jnp.arange(n, dtype=src.dtype)
    src = jnp.concatenate([src, loop])
    dst = jnp.concatenate([dst, loop])
    deg = jnp.zeros((n,), dtype=jnp.float32).at[dst].add(1.0)
    dinv = jnp.where(deg > 0, deg ** -0.5, 0.0)
    norm = dinv[src] * dinv[dst]
    xw = x @ W
    msg = xw[src] * norm[:, None]
    out = jnp.zeros((n, xw.shape[1]), dtype=xw.dtype).at[dst].add(msg)
    return out + b


def setup_inputs(seed: int = 0) -> dict:
    key = jax.random.key(seed)
    ks = jax.random.split(key, 16)
    x = jax.random.normal(ks[0], (N_NODES, IN_DIM), dtype=jnp.float32)
    edge_index = jax.random.randint(ks[1], (2, N_EDGES), 0, N_NODES, dtype=jnp.int32)
    t_graph = jax.random.randint(ks[2], (N_GRAPHS,), 0, 1000, dtype=jnp.int32)
    batch_vec = jnp.sort(jax.random.randint(ks[3], (N_NODES,), 0, N_GRAPHS, dtype=jnp.int32))
    W1 = jax.random.normal(ks[4], (IN_DIM, HIDDEN), dtype=jnp.float32) * (1.0 / math.sqrt(IN_DIM))
    b1 = jnp.zeros((HIDDEN,), dtype=jnp.float32)
    W2 = jax.random.normal(ks[5], (HIDDEN, HIDDEN), dtype=jnp.float32) * (1.0 / math.sqrt(HIDDEN))
    b2 = jnp.zeros((HIDDEN,), dtype=jnp.float32)
    tW = jax.random.normal(ks[6], (TDIM, HIDDEN), dtype=jnp.float32) * (1.0 / math.sqrt(TDIM))
    tb = jnp.zeros((HIDDEN,), dtype=jnp.float32)
    mW1 = jax.random.normal(ks[7], (HIDDEN, HIDDEN), dtype=jnp.float32) * (1.0 / math.sqrt(HIDDEN))
    mb1 = jnp.zeros((HIDDEN,), dtype=jnp.float32)
    mW2 = jax.random.normal(ks[8], (HIDDEN, IN_DIM), dtype=jnp.float32) * (1.0 / math.sqrt(HIDDEN))
    mb2 = jnp.zeros((IN_DIM,), dtype=jnp.float32)
    return {"x": x, "W1": W1, "b1": b1, "W2": W2, "b2": b2, "tW": tW, "tb": tb,
            "mW1": mW1, "mb1": mb1, "mW2": mW2, "mb2": mb2,
            "edge_index": edge_index, "t_graph": t_graph, "batch_vec": batch_vec}


def reference(x, W1, b1, W2, b2, tW, tb, mW1, mb1, mW2, mb2, edge_index, t_graph, batch_vec):
    h = jax.nn.relu(gcn_conv(x, edge_index, W1, b1))
    h = jax.nn.relu(gcn_conv(h, edge_index, W2, b2))
    temb = jax.nn.silu(time_embed(t_graph, TDIM) @ tW + tb)
    h = h + temb[batch_vec]
    h = jax.nn.silu(h @ mW1 + mb1)
    return h @ mW2 + mb2

if __name__ == "__main__":
    import jax
    _d = setup_inputs()
    print(jax.jit(kernel)(*tuple(_d.values())))

</pallas_src>

<mosaic_0001>
#map = affine_map<(d0, d1) -> (0, 0, 0)>
#map1 = affine_map<(d0, d1) -> (0)>
module attributes {stable_mosaic.version = 14 : i64} {
  func.func @_conv_kernel(%arg0: i32, %arg1: i32, %arg2: memref<2x10240x128xf32, #tpu.memory_space<hbm>>, %arg3: memref<320000xi32, #tpu.memory_space<hbm>>, %arg4: memref<320000xi32, #tpu.memory_space<hbm>>, %arg5: memref<512xi32, #tpu.memory_space<hbm>>, %arg6: memref<2x10240x128xf32, #tpu.memory_space<hbm>>, %arg7: memref<160xi32, #tpu.memory_space<vmem>>, %arg8: memref<160xi32, #tpu.memory_space<vmem>>, %arg9: memref<160xi32, #tpu.memory_space<vmem>>, %arg10: memref<160xi32, #tpu.memory_space<vmem>>, %arg11: memref<160x128xf32, #tpu.memory_space<vmem>>, %arg12: memref<160x128xf32, #tpu.memory_space<vmem>>, %arg13: memref<16xi32, #tpu.memory_space<vmem>>, %arg14: memref<10240x128xf32, #tpu.memory_space<vmem_shared>>, %arg15: memref<!tpu.dma_semaphore, #tpu.memory_space<semaphore_mem>>, %arg16: memref<!tpu.dma_semaphore, #tpu.memory_space<semaphore_mem>>) attributes {dimension_semantics = [#tpu.dimension_semantics<core_parallel>, #tpu.dimension_semantics<subcore_parallel>], iteration_bounds = array<i64: 2, 16>, scalar_prefetch = 0 : i64, scratch_operands = 10 : i64, tpu.core_type = #tpu.core_type<sc_vector_subcore>, window_params = [{transform_indices = #map}, {transform_indices = #map1}, {transform_indices = #map1}, {transform_indices = #map1}, {transform_indices = #map}]} {
    %mul3A = arith.constant 16 : i32
    %mul3A_0 = arith.muli %arg0, %mul3A : i32
    %add3A = arith.addi %mul3A_0, %arg1 : i32
    %mul3A_1 = arith.constant 640 : i32
    %mul3A_2 = arith.muli %arg1, %mul3A_1 : i32
    "tpu.region"() ({
      %run_scoped3A = tpu.sem_alloc : memref<!tpu.dma_semaphore, #tpu.memory_space<semaphore_mem>>
      %dma_start3A_67 = arith.constant 0 : i32
      %dma_start3A_68 = tpu.memref_slice %arg14[%mul3A_2, %dma_start3A_67] : memref<10240x128xf32, #tpu.memory_space<vmem_shared>> -> memref<640x128xf32, #tpu.memory_space<vmem_shared>>
      %dma_start3A_69 = arith.constant 0 : i32
      %dma_start3A_70 = tpu.memref_slice %arg2[%arg0, %mul3A_2, %dma_start3A_69] : memref<2x10240x128xf32, #tpu.memory_space<hbm>> -> memref<1x640x128xf32, #tpu.memory_space<hbm>>
      %dma_start3A_71 = tpu.memref_squeeze %dma_start3A_70 : memref<1x640x128xf32, #tpu.memory_space<hbm>> -> memref<640x128xf32, #tpu.memory_space<hbm>>
      tpu.enqueue_dma source(%dma_start3A_71 : memref<640x128xf32, #tpu.memory_space<hbm>>) target(%dma_start3A_68 : memref<640x128xf32, #tpu.memory_space<vmem_shared>>) target_semaphore(%run_scoped3A : memref<!tpu.dma_semaphore, #tpu.memory_space<semaphore_mem>>)
      %dma_wait3A = arith.constant 0 : i32
      %dma_wait3A_72 = tpu.memref_slice %arg14[%mul3A_2, %dma_wait3A] : memref<10240x128xf32, #tpu.memory_space<vmem_shared>> -> memref<640x128xf32, #tpu.memory_space<vmem_shared>>
      %dma_wait3A_73 = arith.constant 0 : i32
      %dma_wait3A_74 = tpu.memref_slice %arg2[%arg0, %mul3A_2, %dma_wait3A_73] : memref<2x10240x128xf32, #tpu.memory_space<hbm>> -> memref<1x640x128xf32, #tpu.memory_space<hbm>>
      %dma_wait3A_75 = tpu.memref_squeeze %dma_wait3A_74 : memref<1x640x128xf32, #tpu.memory_space<hbm>> -> memref<640x128xf32, #tpu.memory_space<hbm>>
      tpu.wait_dma2 semaphore(%run_scoped3A : memref<!tpu.dma_semaphore, #tpu.memory_space<semaphore_mem>>) src(%dma_wait3A_75 : memref<640x128xf32, #tpu.memory_space<hbm>>) dst(%dma_wait3A_72 : memref<640x128xf32, #tpu.memory_space<vmem_shared>>)
      tpu.yield
    }) : () -> ()
    %mul3A_3 = arith.constant 16 : i32
    %mul3A_4 = arith.muli %add3A, %mul3A_3 : i32
    "tpu.region"() ({
      %run_scoped3A = tpu.sem_alloc : memref<!tpu.dma_semaphore, #tpu.memory_space<semaphore_mem>>
      %dma_start3A_67 = tpu.memref_slice %arg5[%mul3A_4] : memref<512xi32, #tpu.memory_space<hbm>> -> memref<16xi32, #tpu.memory_space<hbm>>
      %dma_start3A_68 = tpu.memref_slice %arg5[%mul3A_4] : memref<512xi32, #tpu.memory_space<hbm>> -> memref<16xi32, #tpu.memory_space<hbm>>
      tpu.enqueue_dma source(%dma_start3A_68 : memref<16xi32, #tpu.memory_space<hbm>>) target(%arg13 : memref<16xi32, #tpu.memory_space<vmem>>) target_semaphore(%run_scoped3A : memref<!tpu.dma_semaphore, #tpu.memory_space<semaphore_mem>>)
      %dma_wait3A = tpu.memref_slice %arg5[%mul3A_4] : memref<512xi32, #tpu.memory_space<hbm>> -> memref<16xi32, #tpu.memory_space<hbm>>
      %dma_wait3A_69 = tpu.memref_slice %arg5[%mul3A_4] : memref<512xi32, #tpu.memory_space<hbm>> -> memref<16xi32, #tpu.memory_space<hbm>>
      tpu.wait_dma2 semaphore(%run_scoped3A : memref<!tpu.dma_semaphore, #tpu.memory_space<semaphore_mem>>) src(%dma_wait3A_69 : memref<16xi32, #tpu.memory_space<hbm>>) dst(%arg13 : memref<16xi32, #tpu.memory_space<vmem>>)
      tpu.yield
    }) : () -> ()
    %barrier3A = arith.constant 0 : index
    tpu.barrier barrier_id(%barrier3A)
    %get3A = arith.constant 0 : index
    %get3A_5 = tpu.vector_load %arg13[%get3A] {strides = array<i32>} : memref<16xi32, #tpu.memory_space<vmem>>, vector<16xi32>,
    %get3A_6 = vector.shape_cast %get3A_5 : vector<16xi32> to vector<16xi32>
    %slice3A = vector.extract_strided_slice %get3A_6 {offsets = [0], sizes = [1], strides = [1]} : vector<16xi32> to vector<1xi32>
    %squeeze3A = vector.extract %slice3A[0] : i32 from vector<1xi32>
    %slice3A_7 = vector.extract_strided_slice %get3A_6 {offsets = [1], sizes = [1], strides = [1]} : vector<16xi32> to vector<1xi32>
    %squeeze3A_8 = vector.extract %slice3A_7[0] : i32 from vector<1xi32>
    %add3A_9 = arith.constant 0 : i32
    %add3A_10 = arith.addi %squeeze3A, %add3A_9 : i32
    %mul3A_11 = arith.constant 160 : i32
    %mul3A_12 = arith.muli %add3A_10, %mul3A_11 : i32
    "tpu.region"() ({
      %run_scoped3A = tpu.sem_alloc : memref<!tpu.dma_semaphore, #tpu.memory_space<semaphore_mem>>
      %dma_start3A_67 = tpu.memref_slice %arg3[%mul3A_12] : memref<320000xi32, #tpu.memory_space<hbm>> -> memref<160xi32, #tpu.memory_space<hbm>>
      %dma_start3A_68 = tpu.memref_slice %arg3[%mul3A_12] : memref<320000xi32, #tpu.memory_space<hbm>> -> memref<160xi32, #tpu.memory_space<hbm>>
      tpu.enqueue_dma source(%dma_start3A_68 : memref<160xi32, #tpu.memory_space<hbm>>) target(%arg7 : memref<160xi32, #tpu.memory_space<vmem>>) target_semaphore(%run_scoped3A : memref<!tpu.dma_semaphore, #tpu.memory_space<semaphore_mem>>)
      %dma_wait3A = tpu.memref_slice %arg3[%mul3A_12] : memref<320000xi32, #tpu.memory_space<hbm>> -> memref<160xi32, #tpu.memory_space<hbm>>
      %dma_wait3A_69 = tpu.memref_slice %arg3[%mul3A_12] : memref<320000xi32, #tpu.memory_space<hbm>> -> memref<160xi32, #tpu.memory_space<hbm>>
      tpu.wait_dma2 semaphore(%run_scoped3A : memref<!tpu.dma_semaphore, #tpu.memory_space<semaphore_mem>>) src(%dma_wait3A_69 : memref<160xi32, #tpu.memory_space<hbm>>) dst(%arg7 : memref<160xi32, #tpu.memory_space<vmem>>)
      tpu.yield
    }) : () -> ()
    "tpu.region"() ({
      %run_scoped3A = tpu.sem_alloc : memref<!tpu.dma_semaphore, #tpu.memory_space<semaphore_mem>>
      %dma_start3A_67 = tpu.memref_slice %arg4[%mul3A_12] : memref<320000xi32, #tpu.memory_space<hbm>> -> memref<160xi32, #tpu.memory_space<hbm>>
      %dma_start3A_68 = tpu.memref_slice %arg4[%mul3A_12] : memref<320000xi32, #tpu.memory_space<hbm>> -> memref<160xi32, #tpu.memory_space<hbm>>
      tpu.enqueue_dma source(%dma_start3A_68 : memref<160xi32, #tpu.memory_space<hbm>>) target(%arg8 : memref<160xi32, #tpu.memory_space<vmem>>) target_semaphore(%run_scoped3A : memref<!tpu.dma_semaphore, #tpu.memory_space<semaphore_mem>>)
      %dma_wait3A = tpu.memref_slice %arg4[%mul3A_12] : memref<320000xi32, #tpu.memory_space<hbm>> -> memref<160xi32, #tpu.memory_space<hbm>>
      %dma_wait3A_69 = tpu.memref_slice %arg4[%mul3A_12] : memref<320000xi32, #tpu.memory_space<hbm>> -> memref<160xi32, #tpu.memory_space<hbm>>
      tpu.wait_dma2 semaphore(%run_scoped3A : memref<!tpu.dma_semaphore, #tpu.memory_space<semaphore_mem>>) src(%dma_wait3A_69 : memref<160xi32, #tpu.memory_space<hbm>>) dst(%arg8 : memref<160xi32, #tpu.memory_space<vmem>>)
      tpu.yield
    }) : () -> ()
    %dma_start3A = arith.constant 0 : i32
    %dma_start3A_13 = arith.constant 0 : i32
    %dma_start3A_14 = tpu.memref_slice %arg2[%arg0, %dma_start3A, %dma_start3A_13] : memref<2x10240x128xf32, #tpu.memory_space<hbm>> -> memref<1x10240x128xf32, #tpu.memory_space<hbm>>
    %dma_start3A_15 = tpu.memref_squeeze %dma_start3A_14 : memref<1x10240x128xf32, #tpu.memory_space<hbm>> -> memref<10240x128xf32, #tpu.memory_space<hbm>>
    %dma_start3A_16 = arith.constant 0 : i32
    %dma_start3A_17 = arith.constant 0 : i32
    %dma_start3A_18 = tpu.memref_slice %dma_start3A_15[%dma_start3A_16, %dma_start3A_17] : memref<10240x128xf32, #tpu.memory_space<hbm>> -> memref<10240x128xf32, #tpu.memory_space<hbm>>
    tpu.enqueue_indirect_dma source(%dma_start3A_18 : memref<10240x128xf32, #tpu.memory_space<hbm>>) target(%arg11 : memref<160x128xf32, #tpu.memory_space<vmem>>) offsets(%arg7 : memref<160xi32, #tpu.memory_space<vmem>>) semaphore(%arg15 : memref<!tpu.dma_semaphore, #tpu.memory_space<semaphore_mem>>)
    %sub3A = arith.constant 1 : i32
    %sub3A_19 = arith.subi %squeeze3A_8, %sub3A : i32
    %while3A = arith.constant 0 : i32
    %while3A_20 = arith.constant 0 : i32
    %while3A_21 = arith.subi %sub3A_19, %while3A_20 : i32
    %while3A_22 = arith.addi %while3A_20, %while3A_21 : i32
    %while3A_23 = arith.constant 1 : i32
    %while3A_24 = arith.divsi %while3A_21, %while3A_23 : i32
    %while3A_25 = arith.muli %while3A_24, %while3A_23 : i32
    %while3A_26 = arith.addi %while3A_20, %while3A_25 : i32
    %while3A_27 = arith.constant 1 : i32
    scf.for %while3A_67 = %while3A_20 to %while3A_26 step %while3A_27  : i32 {
      %jit3A_68 = arith.constant 2 : i32
      %eq3A_69 = arith.constant 0 : i32
      %eq3A_70 = arith.cmpi eq, %jit3A_68, %eq3A_69 : i32
      %jit3A_71 = arith.constant 1 : i32
      %select_n3A_72 = arith.select %eq3A_70, %jit3A_71, %jit3A_68 : i32
      %rem3A_73 = arith.remsi %while3A_67, %select_n3A_72 : i32
      %ne3A_74 = arith.constant 0 : i32
      %ne3A_75 = arith.cmpi ne, %rem3A_73, %ne3A_74 : i32
      %lt3A_76 = arith.constant 0 : i32
      %lt3A_77 = arith.cmpi slt, %rem3A_73, %lt3A_76 : i32
      %lt3A_78 = arith.constant 0 : i32
      %lt3A_79 = arith.cmpi slt, %select_n3A_72, %lt3A_78 : i32
      %ne3A_80 = arith.xori %lt3A_77, %lt3A_79 : i1
      %and3A_81 = arith.andi %ne3A_80, %ne3A_75 : i1
      %add3A_82 = arith.addi %rem3A_73, %select_n3A_72 : i32
      %select_n3A_83 = arith.select %and3A_81, %add3A_82, %rem3A_73 : i32
      %eq3A_84 = arith.constant 0 : i32
      %eq3A_85 = arith.cmpi eq, %select_n3A_83, %eq3A_84 : i32
      %convert_element_type3A_86 = arith.extui %eq3A_85 : i1 to i32
      %cond3A_87 = arith.constant 0 : i32
      %cond3A_88 = arith.cmpi ne, %convert_element_type3A_86, %cond3A_87 : i32
      scf.if %cond3A_88 {
        %add3A_110 = arith.constant 1 : i32
        %add3A_111 = arith.addi %while3A_67, %add3A_110 : i32
        %add3A_112 = arith.addi %squeeze3A, %add3A_111 : i32
        %mul3A_113 = arith.constant 160 : i32
        %mul3A_114 = arith.muli %add3A_112, %mul3A_113 : i32
        "tpu.region"() ({
          %run_scoped3A = tpu.sem_alloc : memref<!tpu.dma_semaphore, #tpu.memory_space<semaphore_mem>>
          %dma_start3A_128 = tpu.memref_slice %arg3[%mul3A_114] : memref<320000xi32, #tpu.memory_space<hbm>> -> memref<160xi32, #tpu.memory_space<hbm>>
          %dma_start3A_129 = tpu.memref_slice %arg3[%mul3A_114] : memref<320000xi32, #tpu.memory_space<hbm>> -> memref<160xi32, #tpu.memory_space<hbm>>
          tpu.enqueue_dma source(%dma_start3A_129 : memref<160xi32, #tpu.memory_space<hbm>>) target(%arg9 : memref<160xi32, #tpu.memory_space<vmem>>) target_semaphore(%run_scoped3A : memref<!tpu.dma_semaphore, #tpu.memory_space<semaphore_mem>>)
          %dma_wait3A_130 = tpu.memref_slice %arg3[%mul3A_114] : memref<320000xi32, #tpu.memory_space<hbm>> -> memref<160xi32, #tpu.memory_space<hbm>>
          %dma_wait3A_131 = tpu.memref_slice %arg3[%mul3A_114] : memref<320000xi32, #tpu.memory_space<hbm>> -> memref<160xi32, #tpu.memory_space<hbm>>
          tpu.wait_dma2 semaphore(%run_scoped3A : memref<!tpu.dma_semaphore, #tpu.memory_space<semaphore_mem>>) src(%dma_wait3A_131 : memref<160xi32, #tpu.memory_space<hbm>>) dst(%arg9 : memref<160xi32, #tpu.memory_space<vmem>>)
          tpu.yield
        }) : () -> ()
        "tpu.region"() ({
          %run_scoped3A = tpu.sem_alloc : memref<!tpu.dma_semaphore, #tpu.memory_space<semaphore_mem>>
          %dma_start3A_128 = tpu.memref_slice %arg4[%mul3A_114] : memref<320000xi32, #tpu.memory_space<hbm>> -> memref<160xi32, #tpu.memory_space<hbm>>
          %dma_start3A_129 = tpu.memref_slice %arg4[%mul3A_114] : memref<320000xi32, #tpu.memory_space<hbm>> -> memref<160xi32, #tpu.memory_space<hbm>>
          tpu.enqueue_dma source(%dma_start3A_129 : memref<160xi32, #tpu.memory_space<hbm>>) target(%arg10 : memref<160xi32, #tpu.memory_space<vmem>>) target_semaphore(%run_scoped3A : memref<!tpu.dma_semaphore, #tpu.memory_space<semaphore_mem>>)
          %dma_wait3A_130 = tpu.memref_slice %arg4[%mul3A_114] : memref<320000xi32, #tpu.memory_space<hbm>> -> memref<160xi32, #tpu.memory_space<hbm>>
          %dma_wait3A_131 = tpu.memref_slice %arg4[%mul3A_114] : memref<320000xi32, #tpu.memory_space<hbm>> -> memref<160xi32, #tpu.memory_space<hbm>>
          tpu.wait_dma2 semaphore(%run_scoped3A : memref<!tpu.dma_semaphore, #tpu.memory_space<semaphore_mem>>) src(%dma_wait3A_131 : memref<160xi32, #tpu.memory_space<hbm>>) dst(%arg10 : memref<160xi32, #tpu.memory_space<vmem>>)
          tpu.yield
        }) : () -> ()
        %dma_start3A_115 = arith.constant 0 : i32
        %dma_start3A_116 = arith.constant 0 : i32
        %dma_start3A_117 = tpu.memref_slice %arg2[%arg0, %dma_start3A_115, %dma_start3A_116] : memref<2x10240x128xf32, #tpu.memory_space<hbm>> -> memref<1x10240x128xf32, #tpu.memory_space<hbm>>
        %dma_start3A_118 = tpu.memref_squeeze %dma_start3A_117 : memref<1x10240x128xf32, #tpu.memory_space<hbm>> -> memref<10240x128xf32, #tpu.memory_space<hbm>>
        %dma_start3A_119 = arith.constant 0 : i32
        %dma_start3A_120 = arith.constant 0 : i32
        %dma_start3A_121 = tpu.memref_slice %dma_start3A_118[%dma_start3A_119, %dma_start3A_120] : memref<10240x128xf32, #tpu.memory_space<hbm>> -> memref<10240x128xf32, #tpu.memory_space<hbm>>
        tpu.enqueue_indirect_dma source(%dma_start3A_121 : memref<10240x128xf32, #tpu.memory_space<hbm>>) target(%arg12 : memref<160x128xf32, #tpu.memory_space<vmem>>) offsets(%arg9 : memref<160xi32, #tpu.memory_space<vmem>>) semaphore(%arg16 : memref<!tpu.dma_semaphore, #tpu.memory_space<semaphore_mem>>)
        %dma_wait3A = arith.constant 0 : i32
        %dma_wait3A_122 = arith.constant 0 : i32
        %dma_wait3A_123 = tpu.memref_slice %arg2[%arg0, %dma_wait3A, %dma_wait3A_122] : memref<2x10240x128xf32, #tpu.memory_space<hbm>> -> memref<1x10240x128xf32, #tpu.memory_space<hbm>>
        %dma_wait3A_124 = tpu.memref_squeeze %dma_wait3A_123 : memref<1x10240x128xf32, #tpu.memory_space<hbm>> -> memref<10240x128xf32, #tpu.memory_space<hbm>>
        %dma_wait3A_125 = arith.constant 0 : i32
        %dma_wait3A_126 = arith.constant 0 : i32
        %dma_wait3A_127 = tpu.memref_slice %dma_wait3A_124[%dma_wait3A_125, %dma_wait3A_126] : memref<10240x128xf32, #tpu.memory_space<hbm>> -> memref<10240x128xf32, #tpu.memory_space<hbm>>
        tpu.wait_indirect_dma semaphore(%arg15 : memref<!tpu.dma_semaphore, #tpu.memory_space<semaphore_mem>>) src(%dma_wait3A_127 : memref<10240x128xf32, #tpu.memory_space<hbm>>) dst(%arg11 : memref<160x128xf32, #tpu.memory_space<vmem>>)
        "tpu.region"() ({
          %run_scoped3A = tpu.sem_alloc : memref<!tpu.dma_semaphore, #tpu.memory_space<semaphore_mem>>
          %dma_start3A_128 = arith.constant 0 : i32
          %dma_start3A_129 = arith.constant 0 : i32
          %dma_start3A_130 = tpu.memref_slice %arg14[%dma_start3A_128, %dma_start3A_129] : memref<10240x128xf32, #tpu.memory_space<vmem_shared>> -> memref<10240x128xf32, #tpu.memory_space<vmem_shared>>
          tpu.enqueue_indirect_dma source(%arg11 : memref<160x128xf32, #tpu.memory_space<vmem>>) target(%dma_start3A_130 : memref<10240x128xf32, #tpu.memory_space<vmem_shared>>) offsets(%arg8 : memref<160xi32, #tpu.memory_space<vmem>>) semaphore(%run_scoped3A : memref<!tpu.dma_semaphore, #tpu.memory_space<semaphore_mem>>) {add = true}
          %dma_wait3A_131 = arith.constant 0 : i32
          %dma_wait3A_132 = arith.constant 0 : i32
          %dma_wait3A_133 = tpu.memref_slice %arg14[%dma_wait3A_131, %dma_wait3A_132] : memref<10240x128xf32, #tpu.memory_space<vmem_shared>> -> memref<10240x128xf32, #tpu.memory_space<vmem_shared>>
          tpu.wait_indirect_dma semaphore(%run_scoped3A : memref<!tpu.dma_semaphore, #tpu.memory_space<semaphore_mem>>) src(%arg11 : memref<160x128xf32, #tpu.memory_space<vmem>>) dst(%dma_wait3A_133 : memref<10240x128xf32, #tpu.memory_space<vmem_shared>>)
          tpu.yield
        }) : () -> ()
      } else {
      }
      %jit3A_89 = arith.constant 2 : i32
      %eq3A_90 = arith.constant 0 : i32
      %eq3A_91 = arith.cmpi eq, %jit3A_89, %eq3A_90 : i32
      %jit3A_92 = arith.constant 1 : i32
      %select_n3A_93 = arith.select %eq3A_91, %jit3A_92, %jit3A_89 : i32
      %rem3A_94 = arith.remsi %while3A_67, %select_n3A_93 : i32
      %ne3A_95 = arith.constant 0 : i32
      %ne3A_96 = arith.cmpi ne, %rem3A_94, %ne3A_95 : i32
      %lt3A_97 = arith.constant 0 : i32
      %lt3A_98 = arith.cmpi slt, %rem3A_94, %lt3A_97 : i32
      %lt3A_99 = arith.constant 0 : i32
      %lt3A_100 = arith.cmpi slt, %select_n3A_93, %lt3A_99 : i32
      %ne3A_101 = arith.xori %lt3A_98, %lt3A_100 : i1
      %and3A_102 = arith.andi %ne3A_101, %ne3A_96 : i1
      %add3A_103 = arith.addi %rem3A_94, %select_n3A_93 : i32
      %select_n3A_104 = arith.select %and3A_102, %add3A_103, %rem3A_94 : i32
      %eq3A_105 = arith.constant 1 : i32
      %eq3A_106 = arith.cmpi eq, %select_n3A_104, %eq3A_105 : i32
      %convert_element_type3A_107 = arith.extui %eq3A_106 : i1 to i32
      %cond3A_108 = arith.constant 0 : i32
      %cond3A_109 = arith.cmpi ne, %convert_element_type3A_107, %cond3A_108 : i32
      scf.if %cond3A_109 {
        %add3A_110 = arith.constant 1 : i32
        %add3A_111 = arith.addi %while3A_67, %add3A_110 : i32
        %add3A_112 = arith.addi %squeeze3A, %add3A_111 : i32
        %mul3A_113 = arith.constant 160 : i32
        %mul3A_114 = arith.muli %add3A_112, %mul3A_113 : i32
        "tpu.region"() ({
          %run_scoped3A = tpu.sem_alloc : memref<!tpu.dma_semaphore, #tpu.memory_space<semaphore_mem>>
          %dma_start3A_128 = tpu.memref_slice %arg3[%mul3A_114] : memref<320000xi32, #tpu.memory_space<hbm>> -> memref<160xi32, #tpu.memory_space<hbm>>
          %dma_start3A_129 = tpu.memref_slice %arg3[%mul3A_114] : memref<320000xi32, #tpu.memory_space<hbm>> -> memref<160xi32, #tpu.memory_space<hbm>>
          tpu.enqueue_dma source(%dma_start3A_129 : memref<160xi32, #tpu.memory_space<hbm>>) target(%arg7 : memref<160xi32, #tpu.memory_space<vmem>>) target_semaphore(%run_scoped3A : memref<!tpu.dma_semaphore, #tpu.memory_space<semaphore_mem>>)
          %dma_wait3A_130 = tpu.memref_slice %arg3[%mul3A_114] : memref<320000xi32, #tpu.memory_space<hbm>> -> memref<160xi32, #tpu.memory_space<hbm>>
          %dma_wait3A_131 = tpu.memref_slice %arg3[%mul3A_114] : memref<320000xi32, #tpu.memory_space<hbm>> -> memref<160xi32, #tpu.memory_space<hbm>>
          tpu.wait_dma2 semaphore(%run_scoped3A : memref<!tpu.dma_semaphore, #tpu.memory_space<semaphore_mem>>) src(%dma_wait3A_131 : memref<160xi32, #tpu.memory_space<hbm>>) dst(%arg7 : memref<160xi32, #tpu.memory_space<vmem>>)
          tpu.yield
        }) : () -> ()
        "tpu.region"() ({
          %run_scoped3A = tpu.sem_alloc : memref<!tpu.dma_semaphore, #tpu.memory_space<semaphore_mem>>
          %dma_start3A_128 = tpu.memref_slice %arg4[%mul3A_114] : memref<320000xi32, #tpu.memory_space<hbm>> -> memref<160xi32, #tpu.memory_space<hbm>>
          %dma_start3A_129 = tpu.memref_slice %arg4[%mul3A_114] : memref<320000xi32, #tpu.memory_space<hbm>> -> memref<160xi32, #tpu.memory_space<hbm>>
          tpu.enqueue_dma source(%dma_start3A_129 : memref<160xi32, #tpu.memory_space<hbm>>) target(%arg8 : memref<160xi32, #tpu.memory_space<vmem>>) target_semaphore(%run_scoped3A : memref<!tpu.dma_semaphore, #tpu.memory_space<semaphore_mem>>)
          %dma_wait3A_130 = tpu.memref_slice %arg4[%mul3A_114] : memref<320000xi32, #tpu.memory_space<hbm>> -> memref<160xi32, #tpu.memory_space<hbm>>
          %dma_wait3A_131 = tpu.memref_slice %arg4[%mul3A_114] : memref<320000xi32, #tpu.memory_space<hbm>> -> memref<160xi32, #tpu.memory_space<hbm>>
          tpu.wait_dma2 semaphore(%run_scoped3A : memref<!tpu.dma_semaphore, #tpu.memory_space<semaphore_mem>>) src(%dma_wait3A_131 : memref<160xi32, #tpu.memory_space<hbm>>) dst(%arg8 : memref<160xi32, #tpu.memory_space<vmem>>)
          tpu.yield
        }) : () -> ()
        %dma_start3A_115 = arith.constant 0 : i32
        %dma_start3A_116 = arith.constant 0 : i32
        %dma_start3A_117 = tpu.memref_slice %arg2[%arg0, %dma_start3A_115, %dma_start3A_116] : memref<2x10240x128xf32, #tpu.memory_space<hbm>> -> memref<1x10240x128xf32, #tpu.memory_space<hbm>>
        %dma_start3A_118 = tpu.memref_squeeze %dma_start3A_117 : memref<1x10240x128xf32, #tpu.memory_space<hbm>> -> memref<10240x128xf32, #tpu.memory_space<hbm>>
        %dma_start3A_119 = arith.constant 0 : i32
        %dma_start3A_120 = arith.constant 0 : i32
        %dma_start3A_121 = tpu.memref_slice %dma_start3A_118[%dma_start3A_119, %dma_start3A_120] : memref<10240x128xf32, #tpu.memory_space<hbm>> -> memref<10240x128xf32, #tpu.memory_space<hbm>>
        tpu.enqueue_indirect_dma source(%dma_start3A_121 : memref<10240x128xf32, #tpu.memory_space<hbm>>) target(%arg11 : memref<160x128xf32, #tpu.memory_space<vmem>>) offsets(%arg7 : memref<160xi32, #tpu.memory_space<vmem>>) semaphore(%arg15 : memref<!tpu.dma_semaphore, #tpu.memory_space<semaphore_mem>>)
        %dma_wait3A = arith.constant 0 : i32
        %dma_wait3A_122 = arith.constant 0 : i32
        %dma_wait3A_123 = tpu.memref_slice %arg2[%arg0, %dma_wait3A, %dma_wait3A_122] : memref<2x10240x128xf32, #tpu.memory_space<hbm>> -> memref<1x10240x128xf32, #tpu.memory_space<hbm>>
        %dma_wait3A_124 = tpu.memref_squeeze %dma_wait3A_123 : memref<1x10240x128xf32, #tpu.memory_space<hbm>> -> memref<10240x128xf32, #tpu.memory_space<hbm>>
        %dma_wait3A_125 = arith.constant 0 : i32
        %dma_wait3A_126 = arith.constant 0 : i32
        %dma_wait3A_127 = tpu.memref_slice %dma_wait3A_124[%dma_wait3A_125, %dma_wait3A_126] : memref<10240x128xf32, #tpu.memory_space<hbm>> -> memref<10240x128xf32, #tpu.memory_space<hbm>>
        tpu.wait_indirect_dma semaphore(%arg16 : memref<!tpu.dma_semaphore, #tpu.memory_space<semaphore_mem>>) src(%dma_wait3A_127 : memref<10240x128xf32, #tpu.memory_space<hbm>>) dst(%arg12 : memref<160x128xf32, #tpu.memory_space<vmem>>)
        "tpu.region"() ({
          %run_scoped3A = tpu.sem_alloc : memref<!tpu.dma_semaphore, #tpu.memory_space<semaphore_mem>>
          %dma_start3A_128 = arith.constant 0 : i32
          %dma_start3A_129 = arith.constant 0 : i32
          %dma_start3A_130 = tpu.memref_slice %arg14[%dma_start3A_128, %dma_start3A_129] : memref<10240x128xf32, #tpu.memory_space<vmem_shared>> -> memref<10240x128xf32, #tpu.memory_space<vmem_shared>>
          tpu.enqueue_indirect_dma source(%arg12 : memref<160x128xf32, #tpu.memory_space<vmem>>) target(%dma_start3A_130 : memref<10240x128xf32, #tpu.memory_space<vmem_shared>>) offsets(%arg10 : memref<160xi32, #tpu.memory_space<vmem>>) semaphore(%run_scoped3A : memref<!tpu.dma_semaphore, #tpu.memory_space<semaphore_mem>>) {add = true}
          %dma_wait3A_131 = arith.constant 0 : i32
          %dma_wait3A_132 = arith.constant 0 : i32
          %dma_wait3A_133 = tpu.memref_slice %arg14[%dma_wait3A_131, %dma_wait3A_132] : memref<10240x128xf32, #tpu.memory_space<vmem_shared>> -> memref<10240x128xf32, #tpu.memory_space<vmem_shared>>
          tpu.wait_indirect_dma semaphore(%run_scoped3A : memref<!tpu.dma_semaphore, #tpu.memory_space<semaphore_mem>>) src(%arg12 : memref<160x128xf32, #tpu.memory_space<vmem>>) dst(%dma_wait3A_133 : memref<10240x128xf32, #tpu.memory_space<vmem_shared>>)
          tpu.yield
        }) : () -> ()
      } else {
      }
    }
    %while3A_28 = arith.constant 1 : i32
    scf.for %while3A_67 = %while3A_26 to %while3A_22 step %while3A_28  : i32 {
      %jit3A_68 = arith.constant 2 : i32
      %eq3A_69 = arith.constant 0 : i32
      %eq3A_70 = arith.cmpi eq, %jit3A_68, %eq3A_69 : i32
      %jit3A_71 = arith.constant 1 : i32
      %select_n3A_72 = arith.select %eq3A_70, %jit3A_71, %jit3A_68 : i32
      %rem3A_73 = arith.remsi %while3A_67, %select_n3A_72 : i32
      %ne3A_74 = arith.constant 0 : i32
      %ne3A_75 = arith.cmpi ne, %rem3A_73, %ne3A_74 : i32
      %lt3A_76 = arith.constant 0 : i32
      %lt3A_77 = arith.cmpi slt, %rem3A_73, %lt3A_76 : i32
      %lt3A_78 = arith.constant 0 : i32
      %lt3A_79 = arith.cmpi slt, %select_n3A_72, %lt3A_78 : i32
      %ne3A_80 = arith.xori %lt3A_77, %lt3A_79 : i1
      %and3A_81 = arith.andi %ne3A_80, %ne3A_75 : i1
      %add3A_82 = arith.addi %rem3A_73, %select_n3A_72 : i32
      %select_n3A_83 = arith.select %and3A_81, %add3A_82, %rem3A_73 : i32
      %eq3A_84 = arith.constant 0 : i32
      %eq3A_85 = arith.cmpi eq, %select_n3A_83, %eq3A_84 : i32
      %convert_element_type3A_86 = arith.extui %eq3A_85 : i1 to i32
      %cond3A_87 = arith.constant 0 : i32
      %cond3A_88 = arith.cmpi ne, %convert_element_type3A_86, %cond3A_87 : i32
      scf.if %cond3A_88 {
        %add3A_110 = arith.constant 1 : i32
        %add3A_111 = arith.addi %while3A_67, %add3A_110 : i32
        %add3A_112 = arith.addi %squeeze3A, %add3A_111 : i32
        %mul3A_113 = arith.constant 160 : i32
        %mul3A_114 = arith.muli %add3A_112, %mul3A_113 : i32
        "tpu.region"() ({
          %run_scoped3A = tpu.sem_alloc : memref<!tpu.dma_semaphore, #tpu.memory_space<semaphore_mem>>
          %dma_start3A_128 = tpu.memref_slice %arg3[%mul3A_114] : memref<320000xi32, #tpu.memory_space<hbm>> -> memref<160xi32, #tpu.memory_space<hbm>>
          %dma_start3A_129 = tpu.memref_slice %arg3[%mul3A_114] : memref<320000xi32, #tpu.memory_space<hbm>> -> memref<160xi32, #tpu.memory_space<hbm>>
          tpu.enqueue_dma source(%dma_start3A_129 : memref<160xi32, #tpu.memory_space<hbm>>) target(%arg9 : memref<160xi32, #tpu.memory_space<vmem>>) target_semaphore(%run_scoped3A : memref<!tpu.dma_semaphore, #tpu.memory_space<semaphore_mem>>)
          %dma_wait3A_130 = tpu.memref_slice %arg3[%mul3A_114] : memref<320000xi32, #tpu.memory_space<hbm>> -> memref<160xi32, #tpu.memory_space<hbm>>
          %dma_wait3A_131 = tpu.memref_slice %arg3[%mul3A_114] : memref<320000xi32, #tpu.memory_space<hbm>> -> memref<160xi32, #tpu.memory_space<hbm>>
          tpu.wait_dma2 semaphore(%run_scoped3A : memref<!tpu.dma_semaphore, #tpu.memory_space<semaphore_mem>>) src(%dma_wait3A_131 : memref<160xi32, #tpu.memory_space<hbm>>) dst(%arg9 : memref<160xi32, #tpu.memory_space<vmem>>)
          tpu.yield
        }) : () -> ()
        "tpu.region"() ({
          %run_scoped3A = tpu.sem_alloc : memref<!tpu.dma_semaphore, #tpu.memory_space<semaphore_mem>>
          %dma_start3A_128 = tpu.memref_slice %arg4[%mul3A_114] : memref<320000xi32, #tpu.memory_space<hbm>> -> memref<160xi32, #tpu.memory_space<hbm>>
          %dma_start3A_129 = tpu.memref_slice %arg4[%mul3A_114] : memref<320000xi32, #tpu.memory_space<hbm>> -> memref<160xi32, #tpu.memory_space<hbm>>
          tpu.enqueue_dma source(%dma_start3A_129 : memref<160xi32, #tpu.memory_space<hbm>>) target(%arg10 : memref<160xi32, #tpu.memory_space<vmem>>) target_semaphore(%run_scoped3A : memref<!tpu.dma_semaphore, #tpu.memory_space<semaphore_mem>>)
          %dma_wait3A_130 = tpu.memref_slice %arg4[%mul3A_114] : memref<320000xi32, #tpu.memory_space<hbm>> -> memref<160xi32, #tpu.memory_space<hbm>>
          %dma_wait3A_131 = tpu.memref_slice %arg4[%mul3A_114] : memref<320000xi32, #tpu.memory_space<hbm>> -> memref<160xi32, #tpu.memory_space<hbm>>
          tpu.wait_dma2 semaphore(%run_scoped3A : memref<!tpu.dma_semaphore, #tpu.memory_space<semaphore_mem>>) src(%dma_wait3A_131 : memref<160xi32, #tpu.memory_space<hbm>>) dst(%arg10 : memref<160xi32, #tpu.memory_space<vmem>>)
          tpu.yield
        }) : () -> ()
        %dma_start3A_115 = arith.constant 0 : i32
        %dma_start3A_116 = arith.constant 0 : i32
        %dma_start3A_117 = tpu.memref_slice %arg2[%arg0, %dma_start3A_115, %dma_start3A_116] : memref<2x10240x128xf32, #tpu.memory_space<hbm>> -> memref<1x10240x128xf32, #tpu.memory_space<hbm>>
        %dma_start3A_118 = tpu.memref_squeeze %dma_start3A_117 : memref<1x10240x128xf32, #tpu.memory_space<hbm>> -> memref<10240x128xf32, #tpu.memory_space<hbm>>
        %dma_start3A_119 = arith.constant 0 : i32
        %dma_start3A_120 = arith.constant 0 : i32
        %dma_start3A_121 = tpu.memref_slice %dma_start3A_118[%dma_start3A_119, %dma_start3A_120] : memref<10240x128xf32, #tpu.memory_space<hbm>> -> memref<10240x128xf32, #tpu.memory_space<hbm>>
        tpu.enqueue_indirect_dma source(%dma_start3A_121 : memref<10240x128xf32, #tpu.memory_space<hbm>>) target(%arg12 : memref<160x128xf32, #tpu.memory_space<vmem>>) offsets(%arg9 : memref<160xi32, #tpu.memory_space<vmem>>) semaphore(%arg16 : memref<!tpu.dma_semaphore, #tpu.memory_space<semaphore_mem>>)
        %dma_wait3A = arith.constant 0 : i32
        %dma_wait3A_122 = arith.constant 0 : i32
        %dma_wait3A_123 = tpu.memref_slice %arg2[%arg0, %dma_wait3A, %dma_wait3A_122] : memref<2x10240x128xf32, #tpu.memory_space<hbm>> -> memref<1x10240x128xf32, #tpu.memory_space<hbm>>
        %dma_wait3A_124 = tpu.memref_squeeze %dma_wait3A_123 : memref<1x10240x128xf32, #tpu.memory_space<hbm>> -> memref<10240x128xf32, #tpu.memory_space<hbm>>
        %dma_wait3A_125 = arith.constant 0 : i32
        %dma_wait3A_126 = arith.constant 0 : i32
        %dma_wait3A_127 = tpu.memref_slice %dma_wait3A_124[%dma_wait3A_125, %dma_wait3A_126] : memref<10240x128xf32, #tpu.memory_space<hbm>> -> memref<10240x128xf32, #tpu.memory_space<hbm>>
        tpu.wait_indirect_dma semaphore(%arg15 : memref<!tpu.dma_semaphore, #tpu.memory_space<semaphore_mem>>) src(%dma_wait3A_127 : memref<10240x128xf32, #tpu.memory_space<hbm>>) dst(%arg11 : memref<160x128xf32, #tpu.memory_space<vmem>>)
        "tpu.region"() ({
          %run_scoped3A = tpu.sem_alloc : memref<!tpu.dma_semaphore, #tpu.memory_space<semaphore_mem>>
          %dma_start3A_128 = arith.constant 0 : i32
          %dma_start3A_129 = arith.constant 0 : i32
          %dma_start3A_130 = tpu.memref_slice %arg14[%dma_start3A_128, %dma_start3A_129] : memref<10240x128xf32, #tpu.memory_space<vmem_shared>> -> memref<10240x128xf32, #tpu.memory_space<vmem_shared>>
          tpu.enqueue_indirect_dma source(%arg11 : memref<160x128xf32, #tpu.memory_space<vmem>>) target(%dma_start3A_130 : memref<10240x128xf32, #tpu.memory_space<vmem_shared>>) offsets(%arg8 : memref<160xi32, #tpu.memory_space<vmem>>) semaphore(%run_scoped3A : memref<!tpu.dma_semaphore, #tpu.memory_space<semaphore_mem>>) {add = true}
          %dma_wait3A_131 = arith.constant 0 : i32
          %dma_wait3A_132 = arith.constant 0 : i32
          %dma_wait3A_133 = tpu.memref_slice %arg14[%dma_wait3A_131, %dma_wait3A_132] : memref<10240x128xf32, #tpu.memory_space<vmem_shared>> -> memref<10240x128xf32, #tpu.memory_space<vmem_shared>>
          tpu.wait_indirect_dma semaphore(%run_scoped3A : memref<!tpu.dma_semaphore, #tpu.memory_space<semaphore_mem>>) src(%arg11 : memref<160x128xf32, #tpu.memory_space<vmem>>) dst(%dma_wait3A_133 : memref<10240x128xf32, #tpu.memory_space<vmem_shared>>)
          tpu.yield
        }) : () -> ()
      } else {
      }
      %jit3A_89 = arith.constant 2 : i32
      %eq3A_90 = arith.constant 0 : i32
      %eq3A_91 = arith.cmpi eq, %jit3A_89, %eq3A_90 : i32
      %jit3A_92 = arith.constant 1 : i32
      %select_n3A_93 = arith.select %eq3A_91, %jit3A_92, %jit3A_89 : i32
      %rem3A_94 = arith.remsi %while3A_67, %select_n3A_93 : i32
      %ne3A_95 = arith.constant 0 : i32
      %ne3A_96 = arith.cmpi ne, %rem3A_94, %ne3A_95 : i32
      %lt3A_97 = arith.constant 0 : i32
      %lt3A_98 = arith.cmpi slt, %rem3A_94, %lt3A_97 : i32
      %lt3A_99 = arith.constant 0 : i32
      %lt3A_100 = arith.cmpi slt, %select_n3A_93, %lt3A_99 : i32
      %ne3A_101 = arith.xori %lt3A_98, %lt3A_100 : i1
      %and3A_102 = arith.andi %ne3A_101, %ne3A_96 : i1
      %add3A_103 = arith.addi %rem3A_94, %select_n3A_93 : i32
      %select_n3A_104 = arith.select %and3A_102, %add3A_103, %rem3A_94 : i32
      %eq3A_105 = arith.constant 1 : i32
      %eq3A_106 = arith.cmpi eq, %select_n3A_104, %eq3A_105 : i32
      %convert_element_type3A_107 = arith.extui %eq3A_106 : i1 to i32
      %cond3A_108 = arith.constant 0 : i32
      %cond3A_109 = arith.cmpi ne, %convert_element_type3A_107, %cond3A_108 : i32
      scf.if %cond3A_109 {
        %add3A_110 = arith.constant 1 : i32
        %add3A_111 = arith.addi %while3A_67, %add3A_110 : i32
        %add3A_112 = arith.addi %squeeze3A, %add3A_111 : i32
        %mul3A_113 = arith.constant 160 : i32
        %mul3A_114 = arith.muli %add3A_112, %mul3A_113 : i32
        "tpu.region"() ({
          %run_scoped3A = tpu.sem_alloc : memref<!tpu.dma_semaphore, #tpu.memory_space<semaphore_mem>>
          %dma_start3A_128 = tpu.memref_slice %arg3[%mul3A_114] : memref<320000xi32, #tpu.memory_space<hbm>> -> memref<160xi32, #tpu.memory_space<hbm>>
          %dma_start3A_129 = tpu.memref_slice %arg3[%mul3A_114] : memref<320000xi32, #tpu.memory_space<hbm>> -> memref<160xi32, #tpu.memory_space<hbm>>
          tpu.enqueue_dma source(%dma_start3A_129 : memref<160xi32, #tpu.memory_space<hbm>>) target(%arg7 : memref<160xi32, #tpu.memory_space<vmem>>) target_semaphore(%run_scoped3A : memref<!tpu.dma_semaphore, #tpu.memory_space<semaphore_mem>>)
          %dma_wait3A_130 = tpu.memref_slice %arg3[%mul3A_114] : memref<320000xi32, #tpu.memory_space<hbm>> -> memref<160xi32, #tpu.memory_space<hbm>>
          %dma_wait3A_131 = tpu.memref_slice %arg3[%mul3A_114] : memref<320000xi32, #tpu.memory_space<hbm>> -> memref<160xi32, #tpu.memory_space<hbm>>
          tpu.wait_dma2 semaphore(%run_scoped3A : memref<!tpu.dma_semaphore, #tpu.memory_space<semaphore_mem>>) src(%dma_wait3A_131 : memref<160xi32, #tpu.memory_space<hbm>>) dst(%arg7 : memref<160xi32, #tpu.memory_space<vmem>>)
          tpu.yield
        }) : () -> ()
        "tpu.region"() ({
          %run_scoped3A = tpu.sem_alloc : memref<!tpu.dma_semaphore, #tpu.memory_space<semaphore_mem>>
          %dma_start3A_128 = tpu.memref_slice %arg4[%mul3A_114] : memref<320000xi32, #tpu.memory_space<hbm>> -> memref<160xi32, #tpu.memory_space<hbm>>
          %dma_start3A_129 = tpu.memref_slice %arg4[%mul3A_114] : memref<320000xi32, #tpu.memory_space<hbm>> -> memref<160xi32, #tpu.memory_space<hbm>>
          tpu.enqueue_dma source(%dma_start3A_129 : memref<160xi32, #tpu.memory_space<hbm>>) target(%arg8 : memref<160xi32, #tpu.memory_space<vmem>>) target_semaphore(%run_scoped3A : memref<!tpu.dma_semaphore, #tpu.memory_space<semaphore_mem>>)
          %dma_wait3A_130 = tpu.memref_slice %arg4[%mul3A_114] : memref<320000xi32, #tpu.memory_space<hbm>> -> memref<160xi32, #tpu.memory_space<hbm>>
          %dma_wait3A_131 = tpu.memref_slice %arg4[%mul3A_114] : memref<320000xi32, #tpu.memory_space<hbm>> -> memref<160xi32, #tpu.memory_space<hbm>>
          tpu.wait_dma2 semaphore(%run_scoped3A : memref<!tpu.dma_semaphore, #tpu.memory_space<semaphore_mem>>) src(%dma_wait3A_131 : memref<160xi32, #tpu.memory_space<hbm>>) dst(%arg8 : memref<160xi32, #tpu.memory_space<vmem>>)
          tpu.yield
        }) : () -> ()
        %dma_start3A_115 = arith.constant 0 : i32
        %dma_start3A_116 = arith.constant 0 : i32
        %dma_start3A_117 = tpu.memref_slice %arg2[%arg0, %dma_start3A_115, %dma_start3A_116] : memref<2x10240x128xf32, #tpu.memory_space<hbm>> -> memref<1x10240x128xf32, #tpu.memory_space<hbm>>
        %dma_start3A_118 = tpu.memref_squeeze %dma_start3A_117 : memref<1x10240x128xf32, #tpu.memory_space<hbm>> -> memref<10240x128xf32, #tpu.memory_space<hbm>>
        %dma_start3A_119 = arith.constant 0 : i32
        %dma_start3A_120 = arith.constant 0 : i32
        %dma_start3A_121 = tpu.memref_slice %dma_start3A_118[%dma_start3A_119, %dma_start3A_120] : memref<10240x128xf32, #tpu.memory_space<hbm>> -> memref<10240x128xf32, #tpu.memory_space<hbm>>
        tpu.enqueue_indirect_dma source(%dma_start3A_121 : memref<10240x128xf32, #tpu.memory_space<hbm>>) target(%arg11 : memref<160x128xf32, #tpu.memory_space<vmem>>) offsets(%arg7 : memref<160xi32, #tpu.memory_space<vmem>>) semaphore(%arg15 : memref<!tpu.dma_semaphore, #tpu.memory_space<semaphore_mem>>)
        %dma_wait3A = arith.constant 0 : i32
        %dma_wait3A_122 = arith.constant 0 : i32
        %dma_wait3A_123 = tpu.memref_slice %arg2[%arg0, %dma_wait3A, %dma_wait3A_122] : memref<2x10240x128xf32, #tpu.memory_space<hbm>> -> memref<1x10240x128xf32, #tpu.memory_space<hbm>>
        %dma_wait3A_124 = tpu.memref_squeeze %dma_wait3A_123 : memref<1x10240x128xf32, #tpu.memory_space<hbm>> -> memref<10240x128xf32, #tpu.memory_space<hbm>>
        %dma_wait3A_125 = arith.constant 0 : i32
        %dma_wait3A_126 = arith.constant 0 : i32
        %dma_wait3A_127 = tpu.memref_slice %dma_wait3A_124[%dma_wait3A_125, %dma_wait3A_126] : memref<10240x128xf32, #tpu.memory_space<hbm>> -> memref<10240x128xf32, #tpu.memory_space<hbm>>
        tpu.wait_indirect_dma semaphore(%arg16 : memref<!tpu.dma_semaphore, #tpu.memory_space<semaphore_mem>>) src(%dma_wait3A_127 : memref<10240x128xf32, #tpu.memory_space<hbm>>) dst(%arg12 : memref<160x128xf32, #tpu.memory_space<vmem>>)
        "tpu.region"() ({
          %run_scoped3A = tpu.sem_alloc : memref<!tpu.dma_semaphore, #tpu.memory_space<semaphore_mem>>
          %dma_start3A_128 = arith.constant 0 : i32
          %dma_start3A_129 = arith.constant 0 : i32
          %dma_start3A_130 = tpu.memref_slice %arg14[%dma_start3A_128, %dma_start3A_129] : memref<10240x128xf32, #tpu.memory_space<vmem_shared>> -> memref<10240x128xf32, #tpu.memory_space<vmem_shared>>
          tpu.enqueue_indirect_dma source(%arg12 : memref<160x128xf32, #tpu.memory_space<vmem>>) target(%dma_start3A_130 : memref<10240x128xf32, #tpu.memory_space<vmem_shared>>) offsets(%arg10 : memref<160xi32, #tpu.memory_space<vmem>>) semaphore(%run_scoped3A : memref<!tpu.dma_semaphore, #tpu.memory_space<semaphore_mem>>) {add = true}
          %dma_wait3A_131 = arith.constant 0 : i32
          %dma_wait3A_132 = arith.constant 0 : i32
          %dma_wait3A_133 = tpu.memref_slice %arg14[%dma_wait3A_131, %dma_wait3A_132] : memref<10240x128xf32, #tpu.memory_space<vmem_shared>> -> memref<10240x128xf32, #tpu.memory_space<vmem_shared>>
          tpu.wait_indirect_dma semaphore(%run_scoped3A : memref<!tpu.dma_semaphore, #tpu.memory_space<semaphore_mem>>) src(%arg12 : memref<160x128xf32, #tpu.memory_space<vmem>>) dst(%dma_wait3A_133 : memref<10240x128xf32, #tpu.memory_space<vmem_shared>>)
          tpu.yield
        }) : () -> ()
      } else {
      }
    }
    %sub3A_29 = arith.constant 1 : i32
    %sub3A_30 = arith.subi %squeeze3A_8, %sub3A_29 : i32
    %jit3A = arith.constant 2 : i32
    %eq3A = arith.constant 0 : i32
    %eq3A_31 = arith.cmpi eq, %jit3A, %eq3A : i32
    %jit3A_32 = arith.constant 1 : i32
    %select_n3A = arith.select %eq3A_31, %jit3A_32, %jit3A : i32
    %rem3A = arith.remsi %sub3A_30, %select_n3A : i32
    %ne3A = arith.constant 0 : i32
    %ne3A_33 = arith.cmpi ne, %rem3A, %ne3A : i32
    %lt3A = arith.constant 0 : i32
    %lt3A_34 = arith.cmpi slt, %rem3A, %lt3A : i32
    %lt3A_35 = arith.constant 0 : i32
    %lt3A_36 = arith.cmpi slt, %select_n3A, %lt3A_35 : i32
    %ne3A_37 = arith.xori %lt3A_34, %lt3A_36 : i1
    %and3A = arith.andi %ne3A_37, %ne3A_33 : i1
    %add3A_38 = arith.addi %rem3A, %select_n3A : i32
    %select_n3A_39 = arith.select %and3A, %add3A_38, %rem3A : i32
    %eq3A_40 = arith.constant 0 : i32
    %eq3A_41 = arith.cmpi eq, %select_n3A_39, %eq3A_40 : i32
    %convert_element_type3A = arith.extui %eq3A_41 : i1 to i32
    %cond3A = arith.constant 0 : i32
    %cond3A_42 = arith.cmpi ne, %convert_element_type3A, %cond3A : i32
    scf.if %cond3A_42 {
      %dma_wait3A = arith.constant 0 : i32
      %dma_wait3A_67 = arith.constant 0 : i32
      %dma_wait3A_68 = tpu.memref_slice %arg2[%arg0, %dma_wait3A, %dma_wait3A_67] : memref<2x10240x128xf32, #tpu.memory_space<hbm>> -> memref<1x10240x128xf32, #tpu.memory_space<hbm>>
      %dma_wait3A_69 = tpu.memref_squeeze %dma_wait3A_68 : memref<1x10240x128xf32, #tpu.memory_space<hbm>> -> memref<10240x128xf32, #tpu.memory_space<hbm>>
      %dma_wait3A_70 = arith.constant 0 : i32
      %dma_wait3A_71 = arith.constant 0 : i32
      %dma_wait3A_72 = tpu.memref_slice %dma_wait3A_69[%dma_wait3A_70, %dma_wait3A_71] : memref<10240x128xf32, #tpu.memory_space<hbm>> -> memref<10240x128xf32, #tpu.memory_space<hbm>>
      tpu.wait_indirect_dma semaphore(%arg15 : memref<!tpu.dma_semaphore, #tpu.memory_space<semaphore_mem>>) src(%dma_wait3A_72 : memref<10240x128xf32, #tpu.memory_space<hbm>>) dst(%arg11 : memref<160x128xf32, #tpu.memory_space<vmem>>)
      "tpu.region"() ({
        %run_scoped3A = tpu.sem_alloc : memref<!tpu.dma_semaphore, #tpu.memory_space<semaphore_mem>>
        %dma_start3A_73 = arith.constant 0 : i32
        %dma_start3A_74 = arith.constant 0 : i32
        %dma_start3A_75 = tpu.memref_slice %arg14[%dma_start3A_73, %dma_start3A_74] : memref<10240x128xf32, #tpu.memory_space<vmem_shared>> -> memref<10240x128xf32, #tpu.memory_space<vmem_shared>>
        tpu.enqueue_indirect_dma source(%arg11 : memref<160x128xf32, #tpu.memory_space<vmem>>) target(%dma_start3A_75 : memref<10240x128xf32, #tpu.memory_space<vmem_shared>>) offsets(%arg8 : memref<160xi32, #tpu.memory_space<vmem>>) semaphore(%run_scoped3A : memref<!tpu.dma_semaphore, #tpu.memory_space<semaphore_mem>>) {add = true}
        %dma_wait3A_76 = arith.constant 0 : i32
        %dma_wait3A_77 = arith.constant 0 : i32
        %dma_wait3A_78 = tpu.memref_slice %arg14[%dma_wait3A_76, %dma_wait3A_77] : memref<10240x128xf32, #tpu.memory_space<vmem_shared>> -> memref<10240x128xf32, #tpu.memory_space<vmem_shared>>
        tpu.wait_indirect_dma semaphore(%run_scoped3A : memref<!tpu.dma_semaphore, #tpu.memory_space<semaphore_mem>>) src(%arg11 : memref<160x128xf32, #tpu.memory_space<vmem>>) dst(%dma_wait3A_78 : memref<10240x128xf32, #tpu.memory_space<vmem_shared>>)
        tpu.yield
      }) : () -> ()
    } else {
    }
    %sub3A_43 = arith.constant 1 : i32
    %sub3A_44 = arith.subi %squeeze3A_8, %sub3A_43 : i32
    %jit3A_45 = arith.constant 2 : i32
    %eq3A_46 = arith.constant 0 : i32
    %eq3A_47 = arith.cmpi eq, %jit3A_45, %eq3A_46 : i32
    %jit3A_48 = arith.constant 1 : i32
    %select_n3A_49 = arith.select %eq3A_47, %jit3A_48, %jit3A_45 : i32
    %rem3A_50 = arith.remsi %sub3A_44, %select_n3A_49 : i32
    %ne3A_51 = arith.constant 0 : i32
    %ne3A_52 = arith.cmpi ne, %rem3A_50, %ne3A_51 : i32
    %lt3A_53 = arith.constant 0 : i32
    %lt3A_54 = arith.cmpi slt, %rem3A_50, %lt3A_53 : i32
    %lt3A_55 = arith.constant 0 : i32
    %lt3A_56 = arith.cmpi slt, %select_n3A_49, %lt3A_55 : i32
    %ne3A_57 = arith.xori %lt3A_54, %lt3A_56 : i1
    %and3A_58 = arith.andi %ne3A_57, %ne3A_52 : i1
    %add3A_59 = arith.addi %rem3A_50, %select_n3A_49 : i32
    %select_n3A_60 = arith.select %and3A_58, %add3A_59, %rem3A_50 : i32
    %eq3A_61 = arith.constant 1 : i32
    %eq3A_62 = arith.cmpi eq, %select_n3A_60, %eq3A_61 : i32
    %convert_element_type3A_63 = arith.extui %eq3A_62 : i1 to i32
    %cond3A_64 = arith.constant 0 : i32
    %cond3A_65 = arith.cmpi ne, %convert_element_type3A_63, %cond3A_64 : i32
    scf.if %cond3A_65 {
      %dma_wait3A = arith.constant 0 : i32
      %dma_wait3A_67 = arith.constant 0 : i32
      %dma_wait3A_68 = tpu.memref_slice %arg2[%arg0, %dma_wait3A, %dma_wait3A_67] : memref<2x10240x128xf32, #tpu.memory_space<hbm>> -> memref<1x10240x128xf32, #tpu.memory_space<hbm>>
      %dma_wait3A_69 = tpu.memref_squeeze %dma_wait3A_68 : memref<1x10240x128xf32, #tpu.memory_space<hbm>> -> memref<10240x128xf32, #tpu.memory_space<hbm>>
      %dma_wait3A_70 = arith.constant 0 : i32
      %dma_wait3A_71 = arith.constant 0 : i32
      %dma_wait3A_72 = tpu.memref_slice %dma_wait3A_69[%dma_wait3A_70, %dma_wait3A_71] : memref<10240x128xf32, #tpu.memory_space<hbm>> -> memref<10240x128xf32, #tpu.memory_space<hbm>>
      tpu.wait_indirect_dma semaphore(%arg16 : memref<!tpu.dma_semaphore, #tpu.memory_space<semaphore_mem>>) src(%dma_wait3A_72 : memref<10240x128xf32, #tpu.memory_space<hbm>>) dst(%arg12 : memref<160x128xf32, #tpu.memory_space<vmem>>)
      "tpu.region"() ({
        %run_scoped3A = tpu.sem_alloc : memref<!tpu.dma_semaphore, #tpu.memory_space<semaphore_mem>>
        %dma_start3A_73 = arith.constant 0 : i32
        %dma_start3A_74 = arith.constant 0 : i32
        %dma_start3A_75 = tpu.memref_slice %arg14[%dma_start3A_73, %dma_start3A_74] : memref<10240x128xf32, #tpu.memory_space<vmem_shared>> -> memref<10240x128xf32, #tpu.memory_space<vmem_shared>>
        tpu.enqueue_indirect_dma source(%arg12 : memref<160x128xf32, #tpu.memory_space<vmem>>) target(%dma_start3A_75 : memref<10240x128xf32, #tpu.memory_space<vmem_shared>>) offsets(%arg10 : memref<160xi32, #tpu.memory_space<vmem>>) semaphore(%run_scoped3A : memref<!tpu.dma_semaphore, #tpu.memory_space<semaphore_mem>>) {add = true}
        %dma_wait3A_76 = arith.constant 0 : i32
        %dma_wait3A_77 = arith.constant 0 : i32
        %dma_wait3A_78 = tpu.memref_slice %arg14[%dma_wait3A_76, %dma_wait3A_77] : memref<10240x128xf32, #tpu.memory_space<vmem_shared>> -> memref<10240x128xf32, #tpu.memory_space<vmem_shared>>
        tpu.wait_indirect_dma semaphore(%run_scoped3A : memref<!tpu.dma_semaphore, #tpu.memory_space<semaphore_mem>>) src(%arg12 : memref<160x128xf32, #tpu.memory_space<vmem>>) dst(%dma_wait3A_78 : memref<10240x128xf32, #tpu.memory_space<vmem_shared>>)
        tpu.yield
      }) : () -> ()
    } else {
    }
    %barrier3A_66 = arith.constant 0 : index
    tpu.barrier barrier_id(%barrier3A_66)
    "tpu.region"() ({
      %run_scoped3A = tpu.sem_alloc : memref<!tpu.dma_semaphore, #tpu.memory_space<semaphore_mem>>
      %dma_start3A_67 = arith.constant 0 : i32
      %dma_start3A_68 = tpu.memref_slice %arg6[%arg0, %mul3A_2, %dma_start3A_67] : memref<2x10240x128xf32, #tpu.memory_space<hbm>> -> memref<1x640x128xf32, #tpu.memory_space<hbm>>
      %dma_start3A_69 = tpu.memref_squeeze %dma_start3A_68 : memref<1x640x128xf32, #tpu.memory_space<hbm>> -> memref<640x128xf32, #tpu.memory_space<hbm>>
      %dma_start3A_70 = arith.constant 0 : i32
      %dma_start3A_71 = tpu.memref_slice %arg14[%mul3A_2, %dma_start3A_70] : memref<10240x128xf32, #tpu.memory_space<vmem_shared>> -> memref<640x128xf32, #tpu.memory_space<vmem_shared>>
      tpu.enqueue_dma source(%dma_start3A_71 : memref<640x128xf32, #tpu.memory_space<vmem_shared>>) target(%dma_start3A_69 : memref<640x128xf32, #tpu.memory_space<hbm>>) target_semaphore(%run_scoped3A : memref<!tpu.dma_semaphore, #tpu.memory_space<semaphore_mem>>)
      %dma_wait3A = arith.constant 0 : i32
      %dma_wait3A_72 = tpu.memref_slice %arg6[%arg0, %mul3A_2, %dma_wait3A] : memref<2x10240x128xf32, #tpu.memory_space<hbm>> -> memref<1x640x128xf32, #tpu.memory_space<hbm>>
      %dma_wait3A_73 = tpu.memref_squeeze %dma_wait3A_72 : memref<1x640x128xf32, #tpu.memory_space<hbm>> -> memref<640x128xf32, #tpu.memory_space<hbm>>
      %dma_wait3A_74 = arith.constant 0 : i32
      %dma_wait3A_75 = tpu.memref_slice %arg14[%mul3A_2, %dma_wait3A_74] : memref<10240x128xf32, #tpu.memory_space<vmem_shared>> -> memref<640x128xf32, #tpu.memory_space<vmem_shared>>
      tpu.wait_dma2 semaphore(%run_scoped3A : memref<!tpu.dma_semaphore, #tpu.memory_space<semaphore_mem>>) src(%dma_wait3A_75 : memref<640x128xf32, #tpu.memory_space<vmem_shared>>) dst(%dma_wait3A_73 : memref<640x128xf32, #tpu.memory_space<hbm>>)
      tpu.yield
    }) : () -> ()
    return
  }
}

#map = affine_map<(d0, d1) -> (0, 0, 0)>
#map1 = affine_map<(d0, d1) -> (0)>
module attributes {stable_mosaic.version = 14 : i64} {
  func.func @_conv_kernel(%arg0: i32, %arg1: i32, %arg2: memref<2x10240x128xf32, #tpu.memory_space<hbm>>, %arg3: memref<320000xi32, #tpu.memory_space<hbm>>, %arg4: memref<320000xi32, #tpu.memory_space<hbm>>, %arg5: memref<512xi32, #tpu.memory_space<hbm>>, %arg6: memref<2x10240x128xf32, #tpu.memory_space<hbm>>, %arg7: memref<160xi32, #tpu.memory_space<vmem>>, %arg8: memref<160xi32, #tpu.memory_space<vmem>>, %arg9: memref<160xi32, #tpu.memory_space<vmem>>, %arg10: memref<160xi32, #tpu.memory_space<vmem>>, %arg11: memref<160x128xf32, #tpu.memory_space<vmem>>, %arg12: memref<160x128xf32, #tpu.memory_space<vmem>>, %arg13: memref<16xi32, #tpu.memory_space<vmem>>, %arg14: memref<10240x128xf32, #tpu.memory_space<vmem_shared>>, %arg15: memref<!tpu.dma_semaphore, #tpu.memory_space<semaphore_mem>>, %arg16: memref<!tpu.dma_semaphore, #tpu.memory_space<semaphore_mem>>) attributes {dimension_semantics = [#tpu.dimension_semantics<core_parallel>, #tpu.dimension_semantics<subcore_parallel>], iteration_bounds = array<i64: 2, 16>, scalar_prefetch = 0 : i64, scratch_operands = 10 : i64, tpu.core_type = #tpu.core_type<sc_vector_subcore>, window_params = [{transform_indices = #map}, {transform_indices = #map1}, {transform_indices = #map1}, {transform_indices = #map1}, {transform_indices = #map}]} {
    %mul3A = arith.constant 16 : i32
    %mul3A_0 = arith.muli %arg0, %mul3A : i32
    %add3A = arith.addi %mul3A_0, %arg1 : i32
    %mul3A_1 = arith.constant 640 : i32
    %mul3A_2 = arith.muli %arg1, %mul3A_1 : i32
    "tpu.region"() ({
      %run_scoped3A = tpu.sem_alloc : memref<!tpu.dma_semaphore, #tpu.memory_space<semaphore_mem>>
      %dma_start3A_67 = arith.constant 0 : i32
      %dma_start3A_68 = tpu.memref_slice %arg14[%mul3A_2, %dma_start3A_67] : memref<10240x128xf32, #tpu.memory_space<vmem_shared>> -> memref<640x128xf32, #tpu.memory_space<vmem_shared>>
      %dma_start3A_69 = arith.constant 0 : i32
      %dma_start3A_70 = tpu.memref_slice %arg2[%arg0, %mul3A_2, %dma_start3A_69] : memref<2x10240x128xf32, #tpu.memory_space<hbm>> -> memref<1x640x128xf32, #tpu.memory_space<hbm>>
      %dma_start3A_71 = tpu.memref_squeeze %dma_start3A_70 : memref<1x640x128xf32, #tpu.memory_space<hbm>> -> memref<640x128xf32, #tpu.memory_space<hbm>>
      tpu.enqueue_dma source(%dma_start3A_71 : memref<640x128xf32, #tpu.memory_space<hbm>>) target(%dma_start3A_68 : memref<640x128xf32, #tpu.memory_space<vmem_shared>>) target_semaphore(%run_scoped3A : memref<!tpu.dma_semaphore, #tpu.memory_space<semaphore_mem>>)
      %dma_wait3A = arith.constant 0 : i32
      %dma_wait3A_72 = tpu.memref_slice %arg14[%mul3A_2, %dma_wait3A] : memref<10240x128xf32, #tpu.memory_space<vmem_shared>> -> memref<640x128xf32, #tpu.memory_space<vmem_shared>>
      %dma_wait3A_73 = arith.constant 0 : i32
      %dma_wait3A_74 = tpu.memref_slice %arg2[%arg0, %mul3A_2, %dma_wait3A_73] : memref<2x10240x128xf32, #tpu.memory_space<hbm>> -> memref<1x640x128xf32, #tpu.memory_space<hbm>>
      %dma_wait3A_75 = tpu.memref_squeeze %dma_wait3A_74 : memref<1x640x128xf32, #tpu.memory_space<hbm>> -> memref<640x128xf32, #tpu.memory_space<hbm>>
      tpu.wait_dma2 semaphore(%run_scoped3A : memref<!tpu.dma_semaphore, #tpu.memory_space<semaphore_mem>>) src(%dma_wait3A_75 : memref<640x128xf32, #tpu.memory_space<hbm>>) dst(%dma_wait3A_72 : memref<640x128xf32, #tpu.memory_space<vmem_shared>>)
      tpu.yield
    }) : () -> ()
    %mul3A_3 = arith.constant 16 : i32
    %mul3A_4 = arith.muli %add3A, %mul3A_3 : i32
    "tpu.region"() ({
      %run_scoped3A = tpu.sem_alloc : memref<!tpu.dma_semaphore, #tpu.memory_space<semaphore_mem>>
      %dma_start3A_67 = tpu.memref_slice %arg5[%mul3A_4] : memref<512xi32, #tpu.memory_space<hbm>> -> memref<16xi32, #tpu.memory_space<hbm>>
      %dma_start3A_68 = tpu.memref_slice %arg5[%mul3A_4] : memref<512xi32, #tpu.memory_space<hbm>> -> memref<16xi32, #tpu.memory_space<hbm>>
      tpu.enqueue_dma source(%dma_start3A_68 : memref<16xi32, #tpu.memory_space<hbm>>) target(%arg13 : memref<16xi32, #tpu.memory_space<vmem>>) target_semaphore(%run_scoped3A : memref<!tpu.dma_semaphore, #tpu.memory_space<semaphore_mem>>)
      %dma_wait3A = tpu.memref_slice %arg5[%mul3A_4] : memref<512xi32, #tpu.memory_space<hbm>> -> memref<16xi32, #tpu.memory_space<hbm>>
      %dma_wait3A_69 = tpu.memref_slice %arg5[%mul3A_4] : memref<512xi32, #tpu.memory_space<hbm>> -> memref<16xi32, #tpu.memory_space<hbm>>
      tpu.wait_dma2 semaphore(%run_scoped3A : memref<!tpu.dma_semaphore, #tpu.memory_space<semaphore_mem>>) src(%dma_wait3A_69 : memref<16xi32, #tpu.memory_space<hbm>>) dst(%arg13 : memref<16xi32, #tpu.memory_space<vmem>>)
      tpu.yield
    }) : () -> ()
    %barrier3A = arith.constant 0 : index
    tpu.barrier barrier_id(%barrier3A)
    %get3A = arith.constant 0 : index
    %get3A_5 = tpu.vector_load %arg13[%get3A] {strides = array<i32>} : memref<16xi32, #tpu.memory_space<vmem>>, vector<16xi32>,
    %get3A_6 = vector.shape_cast %get3A_5 : vector<16xi32> to vector<16xi32>
    %slice3A = vector.extract_strided_slice %get3A_6 {offsets = [0], sizes = [1], strides = [1]} : vector<16xi32> to vector<1xi32>
    %squeeze3A = vector.extract %slice3A[0] : i32 from vector<1xi32>
    %slice3A_7 = vector.extract_strided_slice %get3A_6 {offsets = [1], sizes = [1], strides = [1]} : vector<16xi32> to vector<1xi32>
    %squeeze3A_8 = vector.extract %slice3A_7[0] : i32 from vector<1xi32>
    %add3A_9 = arith.constant 0 : i32
    %add3A_10 = arith.addi %squeeze3A, %add3A_9 : i32
    %mul3A_11 = arith.constant 160 : i32
    %mul3A_12 = arith.muli %add3A_10, %mul3A_11 : i32
    "tpu.region"() ({
      %run_scoped3A = tpu.sem_alloc : memref<!tpu.dma_semaphore, #tpu.memory_space<semaphore_mem>>
      %dma_start3A_67 = tpu.memref_slice %arg3[%mul3A_12] : memref<320000xi32, #tpu.memory_space<hbm>> -> memref<160xi32, #tpu.memory_space<hbm>>
      %dma_start3A_68 = tpu.memref_slice %arg3[%mul3A_12] : memref<320000xi32, #tpu.memory_space<hbm>> -> memref<160xi32, #tpu.memory_space<hbm>>
      tpu.enqueue_dma source(%dma_start3A_68 : memref<160xi32, #tpu.memory_space<hbm>>) target(%arg7 : memref<160xi32, #tpu.memory_space<vmem>>) target_semaphore(%run_scoped3A : memref<!tpu.dma_semaphore, #tpu.memory_space<semaphore_mem>>)
      %dma_wait3A = tpu.memref_slice %arg3[%mul3A_12] : memref<320000xi32, #tpu.memory_space<hbm>> -> memref<160xi32, #tpu.memory_space<hbm>>
      %dma_wait3A_69 = tpu.memref_slice %arg3[%mul3A_12] : memref<320000xi32, #tpu.memory_space<hbm>> -> memref<160xi32, #tpu.memory_space<hbm>>
      tpu.wait_dma2 semaphore(%run_scoped3A : memref<!tpu.dma_semaphore, #tpu.memory_space<semaphore_mem>>) src(%dma_wait3A_69 : memref<160xi32, #tpu.memory_space<hbm>>) dst(%arg7 : memref<160xi32, #tpu.memory_space<vmem>>)
      tpu.yield
    }) : () -> ()
    "tpu.region"() ({
      %run_scoped3A = tpu.sem_alloc : memref<!tpu.dma_semaphore, #tpu.memory_space<semaphore_mem>>
      %dma_start3A_67 = tpu.memref_slice %arg4[%mul3A_12] : memref<320000xi32, #tpu.memory_space<hbm>> -> memref<160xi32, #tpu.memory_space<hbm>>
      %dma_start3A_68 = tpu.memref_slice %arg4[%mul3A_12] : memref<320000xi32, #tpu.memory_space<hbm>> -> memref<160xi32, #tpu.memory_space<hbm>>
      tpu.enqueue_dma source(%dma_start3A_68 : memref<160xi32, #tpu.memory_space<hbm>>) target(%arg8 : memref<160xi32, #tpu.memory_space<vmem>>) target_semaphore(%run_scoped3A : memref<!tpu.dma_semaphore, #tpu.memory_space<semaphore_mem>>)
      %dma_wait3A = tpu.memref_slice %arg4[%mul3A_12] : memref<320000xi32, #tpu.memory_space<hbm>> -> memref<160xi32, #tpu.memory_space<hbm>>
      %dma_wait3A_69 = tpu.memref_slice %arg4[%mul3A_12] : memref<320000xi32, #tpu.memory_space<hbm>> -> memref<160xi32, #tpu.memory_space<hbm>>
      tpu.wait_dma2 semaphore(%run_scoped3A : memref<!tpu.dma_semaphore, #tpu.memory_space<semaphore_mem>>) src(%dma_wait3A_69 : memref<160xi32, #tpu.memory_space<hbm>>) dst(%arg8 : memref<160xi32, #tpu.memory_space<vmem>>)
      tpu.yield
    }) : () -> ()
    %dma_start3A = arith.constant 0 : i32
    %dma_start3A_13 = arith.constant 0 : i32
    %dma_start3A_14 = tpu.memref_slice %arg2[%arg0, %dma_start3A, %dma_start3A_13] : memref<2x10240x128xf32, #tpu.memory_space<hbm>> -> memref<1x10240x128xf32, #tpu.memory_space<hbm>>
    %dma_start3A_15 = tpu.memref_squeeze %dma_start3A_14 : memref<1x10240x128xf32, #tpu.memory_space<hbm>> -> memref<10240x128xf32, #tpu.memory_space<hbm>>
    %dma_start3A_16 = arith.constant 0 : i32
    %dma_start3A_17 = arith.constant 0 : i32
    %dma_start3A_18 = tpu.memref_slice %dma_start3A_15[%dma_start3A_16, %dma_start3A_17] : memref<10240x128xf32, #tpu.memory_space<hbm>> -> memref<10240x128xf32, #tpu.memory_space<hbm>>
    tpu.enqueue_indirect_dma source(%dma_start3A_18 : memref<10240x128xf32, #tpu.memory_space<hbm>>) target(%arg11 : memref<160x128xf32, #tpu.memory_space<vmem>>) offsets(%arg7 : memref<160xi32, #tpu.memory_space<vmem>>) semaphore(%arg15 : memref<!tpu.dma_semaphore, #tpu.memory_space<semaphore_mem>>)
    %sub3A = arith.constant 1 : i32
    %sub3A_19 = arith.subi %squeeze3A_8, %sub3A : i32
    %while3A = arith.constant 0 : i32
    %while3A_20 = arith.constant 0 : i32
    %while3A_21 = arith.subi %sub3A_19, %while3A_20 : i32
    %while3A_22 = arith.addi %while3A_20, %while3A_21 : i32
    %while3A_23 = arith.constant 1 : i32
    %while3A_24 = arith.divsi %while3A_21, %while3A_23 : i32
    %while3A_25 = arith.muli %while3A_24, %while3A_23 : i32
    %while3A_26 = arith.addi %while3A_20, %while3A_25 : i32
    %while3A_27 = arith.constant 1 : i32
    scf.for %while3A_67 = %while3A_20 to %while3A_26 step %while3A_27  : i32 {
      %jit3A_68 = arith.constant 2 : i32
      %eq3A_69 = arith.constant 0 : i32
      %eq3A_70 = arith.cmpi eq, %jit3A_68, %eq3A_69 : i32
      %jit3A_71 = arith.constant 1 : i32
      %select_n3A_72 = arith.select %eq3A_70, %jit3A_71, %jit3A_68 : i32
      %rem3A_73 = arith.remsi %while3A_67, %select_n3A_72 : i32
      %ne3A_74 = arith.constant 0 : i32
      %ne3A_75 = arith.cmpi ne, %rem3A_73, %ne3A_74 : i32
      %lt3A_76 = arith.constant 0 : i32
      %lt3A_77 = arith.cmpi slt, %rem3A_73, %lt3A_76 : i32
      %lt3A_78 = arith.constant 0 : i32
      %lt3A_79 = arith.cmpi slt, %select_n3A_72, %lt3A_78 : i32
      %ne3A_80 = arith.xori %lt3A_77, %lt3A_79 : i1
      %and3A_81 = arith.andi %ne3A_80, %ne3A_75 : i1
      %add3A_82 = arith.addi %rem3A_73, %select_n3A_72 : i32
      %select_n3A_83 = arith.select %and3A_81, %add3A_82, %rem3A_73 : i32
      %eq3A_84 = arith.constant 0 : i32
      %eq3A_85 = arith.cmpi eq, %select_n3A_83, %eq3A_84 : i32
      %convert_element_type3A_86 = arith.extui %eq3A_85 : i1 to i32
      %cond3A_87 = arith.constant 0 : i32
      %cond3A_88 = arith.cmpi ne, %convert_element_type3A_86, %cond3A_87 : i32
      scf.if %cond3A_88 {
        %add3A_110 = arith.constant 1 : i32
        %add3A_111 = arith.addi %while3A_67, %add3A_110 : i32
        %add3A_112 = arith.addi %squeeze3A, %add3A_111 : i32
        %mul3A_113 = arith.constant 160 : i32
        %mul3A_114 = arith.muli %add3A_112, %mul3A_113 : i32
        "tpu.region"() ({
          %run_scoped3A = tpu.sem_alloc : memref<!tpu.dma_semaphore, #tpu.memory_space<semaphore_mem>>
          %dma_start3A_128 = tpu.memref_slice %arg3[%mul3A_114] : memref<320000xi32, #tpu.memory_space<hbm>> -> memref<160xi32, #tpu.memory_space<hbm>>
          %dma_start3A_129 = tpu.memref_slice %arg3[%mul3A_114] : memref<320000xi32, #tpu.memory_space<hbm>> -> memref<160xi32, #tpu.memory_space<hbm>>
          tpu.enqueue_dma source(%dma_start3A_129 : memref<160xi32, #tpu.memory_space<hbm>>) target(%arg9 : memref<160xi32, #tpu.memory_space<vmem>>) target_semaphore(%run_scoped3A : memref<!tpu.dma_semaphore, #tpu.memory_space<semaphore_mem>>)
          %dma_wait3A_130 = tpu.memref_slice %arg3[%mul3A_114] : memref<320000xi32, #tpu.memory_space<hbm>> -> memref<160xi32, #tpu.memory_space<hbm>>
          %dma_wait3A_131 = tpu.memref_slice %arg3[%mul3A_114] : memref<320000xi32, #tpu.memory_space<hbm>> -> memref<160xi32, #tpu.memory_space<hbm>>
          tpu.wait_dma2 semaphore(%run_scoped3A : memref<!tpu.dma_semaphore, #tpu.memory_space<semaphore_mem>>) src(%dma_wait3A_131 : memref<160xi32, #tpu.memory_space<hbm>>) dst(%arg9 : memref<160xi32, #tpu.memory_space<vmem>>)
          tpu.yield
        }) : () -> ()
        "tpu.region"() ({
          %run_scoped3A = tpu.sem_alloc : memref<!tpu.dma_semaphore, #tpu.memory_space<semaphore_mem>>
          %dma_start3A_128 = tpu.memref_slice %arg4[%mul3A_114] : memref<320000xi32, #tpu.memory_space<hbm>> -> memref<160xi32, #tpu.memory_space<hbm>>
          %dma_start3A_129 = tpu.memref_slice %arg4[%mul3A_114] : memref<320000xi32, #tpu.memory_space<hbm>> -> memref<160xi32, #tpu.memory_space<hbm>>
          tpu.enqueue_dma source(%dma_start3A_129 : memref<160xi32, #tpu.memory_space<hbm>>) target(%arg10 : memref<160xi32, #tpu.memory_space<vmem>>) target_semaphore(%run_scoped3A : memref<!tpu.dma_semaphore, #tpu.memory_space<semaphore_mem>>)
          %dma_wait3A_130 = tpu.memref_slice %arg4[%mul3A_114] : memref<320000xi32, #tpu.memory_space<hbm>> -> memref<160xi32, #tpu.memory_space<hbm>>
          %dma_wait3A_131 = tpu.memref_slice %arg4[%mul3A_114] : memref<320000xi32, #tpu.memory_space<hbm>> -> memref<160xi32, #tpu.memory_space<hbm>>
          tpu.wait_dma2 semaphore(%run_scoped3A : memref<!tpu.dma_semaphore, #tpu.memory_space<semaphore_mem>>) src(%dma_wait3A_131 : memref<160xi32, #tpu.memory_space<hbm>>) dst(%arg10 : memref<160xi32, #tpu.memory_space<vmem>>)
          tpu.yield
        }) : () -> ()
        %dma_start3A_115 = arith.constant 0 : i32
        %dma_start3A_116 = arith.constant 0 : i32
        %dma_start3A_117 = tpu.memref_slice %arg2[%arg0, %dma_start3A_115, %dma_start3A_116] : memref<2x10240x128xf32, #tpu.memory_space<hbm>> -> memref<1x10240x128xf32, #tpu.memory_space<hbm>>
        %dma_start3A_118 = tpu.memref_squeeze %dma_start3A_117 : memref<1x10240x128xf32, #tpu.memory_space<hbm>> -> memref<10240x128xf32, #tpu.memory_space<hbm>>
        %dma_start3A_119 = arith.constant 0 : i32
        %dma_start3A_120 = arith.constant 0 : i32
        %dma_start3A_121 = tpu.memref_slice %dma_start3A_118[%dma_start3A_119, %dma_start3A_120] : memref<10240x128xf32, #tpu.memory_space<hbm>> -> memref<10240x128xf32, #tpu.memory_space<hbm>>
        tpu.enqueue_indirect_dma source(%dma_start3A_121 : memref<10240x128xf32, #tpu.memory_space<hbm>>) target(%arg12 : memref<160x128xf32, #tpu.memory_space<vmem>>) offsets(%arg9 : memref<160xi32, #tpu.memory_space<vmem>>) semaphore(%arg16 : memref<!tpu.dma_semaphore, #tpu.memory_space<semaphore_mem>>)
        %dma_wait3A = arith.constant 0 : i32
        %dma_wait3A_122 = arith.constant 0 : i32
        %dma_wait3A_123 = tpu.memref_slice %arg2[%arg0, %dma_wait3A, %dma_wait3A_122] : memref<2x10240x128xf32, #tpu.memory_space<hbm>> -> memref<1x10240x128xf32, #tpu.memory_space<hbm>>
        %dma_wait3A_124 = tpu.memref_squeeze %dma_wait3A_123 : memref<1x10240x128xf32, #tpu.memory_space<hbm>> -> memref<10240x128xf32, #tpu.memory_space<hbm>>
        %dma_wait3A_125 = arith.constant 0 : i32
        %dma_wait3A_126 = arith.constant 0 : i32
        %dma_wait3A_127 = tpu.memref_slice %dma_wait3A_124[%dma_wait3A_125, %dma_wait3A_126] : memref<10240x128xf32, #tpu.memory_space<hbm>> -> memref<10240x128xf32, #tpu.memory_space<hbm>>
        tpu.wait_indirect_dma semaphore(%arg15 : memref<!tpu.dma_semaphore, #tpu.memory_space<semaphore_mem>>) src(%dma_wait3A_127 : memref<10240x128xf32, #tpu.memory_space<hbm>>) dst(%arg11 : memref<160x128xf32, #tpu.memory_space<vmem>>)
        "tpu.region"() ({
          %run_scoped3A = tpu.sem_alloc : memref<!tpu.dma_semaphore, #tpu.memory_space<semaphore_mem>>
          %dma_start3A_128 = arith.constant 0 : i32
          %dma_start3A_129 = arith.constant 0 : i32
          %dma_start3A_130 = tpu.memref_slice %arg14[%dma_start3A_128, %dma_start3A_129] : memref<10240x128xf32, #tpu.memory_space<vmem_shared>> -> memref<10240x128xf32, #tpu.memory_space<vmem_shared>>
          tpu.enqueue_indirect_dma source(%arg11 : memref<160x128xf32, #tpu.memory_space<vmem>>) target(%dma_start3A_130 : memref<10240x128xf32, #tpu.memory_space<vmem_shared>>) offsets(%arg8 : memref<160xi32, #tpu.memory_space<vmem>>) semaphore(%run_scoped3A : memref<!tpu.dma_semaphore, #tpu.memory_space<semaphore_mem>>) {add = true}
          %dma_wait3A_131 = arith.constant 0 : i32
          %dma_wait3A_132 = arith.constant 0 : i32
          %dma_wait3A_133 = tpu.memref_slice %arg14[%dma_wait3A_131, %dma_wait3A_132] : memref<10240x128xf32, #tpu.memory_space<vmem_shared>> -> memref<10240x128xf32, #tpu.memory_space<vmem_shared>>
          tpu.wait_indirect_dma semaphore(%run_scoped3A : memref<!tpu.dma_semaphore, #tpu.memory_space<semaphore_mem>>) src(%arg11 : memref<160x128xf32, #tpu.memory_space<vmem>>) dst(%dma_wait3A_133 : memref<10240x128xf32, #tpu.memory_space<vmem_shared>>)
          tpu.yield
        }) : () -> ()
      } else {
      }
      %jit3A_89 = arith.constant 2 : i32
      %eq3A_90 = arith.constant 0 : i32
      %eq3A_91 = arith.cmpi eq, %jit3A_89, %eq3A_90 : i32
      %jit3A_92 = arith.constant 1 : i32
      %select_n3A_93 = arith.select %eq3A_91, %jit3A_92, %jit3A_89 : i32
      %rem3A_94 = arith.remsi %while3A_67, %select_n3A_93 : i32
      %ne3A_95 = arith.constant 0 : i32
      %ne3A_96 = arith.cmpi ne, %rem3A_94, %ne3A_95 : i32
      %lt3A_97 = arith.constant 0 : i32
      %lt3A_98 = arith.cmpi slt, %rem3A_94, %lt3A_97 : i32
      %lt3A_99 = arith.constant 0 : i32
      %lt3A_100 = arith.cmpi slt, %select_n3A_93, %lt3A_99 : i32
      %ne3A_101 = arith.xori %lt3A_98, %lt3A_100 : i1
      %and3A_102 = arith.andi %ne3A_101, %ne3A_96 : i1
      %add3A_103 = arith.addi %rem3A_94, %select_n3A_93 : i32
      %select_n3A_104 = arith.select %and3A_102, %add3A_103, %rem3A_94 : i32
      %eq3A_105 = arith.constant 1 : i32
      %eq3A_106 = arith.cmpi eq, %select_n3A_104, %eq3A_105 : i32
      %convert_element_type3A_107 = arith.extui %eq3A_106 : i1 to i32
      %cond3A_108 = arith.constant 0 : i32
      %cond3A_109 = arith.cmpi ne, %convert_element_type3A_107, %cond3A_108 : i32
      scf.if %cond3A_109 {
        %add3A_110 = arith.constant 1 : i32
        %add3A_111 = arith.addi %while3A_67, %add3A_110 : i32
        %add3A_112 = arith.addi %squeeze3A, %add3A_111 : i32
        %mul3A_113 = arith.constant 160 : i32
        %mul3A_114 = arith.muli %add3A_112, %mul3A_113 : i32
        "tpu.region"() ({
          %run_scoped3A = tpu.sem_alloc : memref<!tpu.dma_semaphore, #tpu.memory_space<semaphore_mem>>
          %dma_start3A_128 = tpu.memref_slice %arg3[%mul3A_114] : memref<320000xi32, #tpu.memory_space<hbm>> -> memref<160xi32, #tpu.memory_space<hbm>>
          %dma_start3A_129 = tpu.memref_slice %arg3[%mul3A_114] : memref<320000xi32, #tpu.memory_space<hbm>> -> memref<160xi32, #tpu.memory_space<hbm>>
          tpu.enqueue_dma source(%dma_start3A_129 : memref<160xi32, #tpu.memory_space<hbm>>) target(%arg7 : memref<160xi32, #tpu.memory_space<vmem>>) target_semaphore(%run_scoped3A : memref<!tpu.dma_semaphore, #tpu.memory_space<semaphore_mem>>)
          %dma_wait3A_130 = tpu.memref_slice %arg3[%mul3A_114] : memref<320000xi32, #tpu.memory_space<hbm>> -> memref<160xi32, #tpu.memory_space<hbm>>
          %dma_wait3A_131 = tpu.memref_slice %arg3[%mul3A_114] : memref<320000xi32, #tpu.memory_space<hbm>> -> memref<160xi32, #tpu.memory_space<hbm>>
          tpu.wait_dma2 semaphore(%run_scoped3A : memref<!tpu.dma_semaphore, #tpu.memory_space<semaphore_mem>>) src(%dma_wait3A_131 : memref<160xi32, #tpu.memory_space<hbm>>) dst(%arg7 : memref<160xi32, #tpu.memory_space<vmem>>)
          tpu.yield
        }) : () -> ()
        "tpu.region"() ({
          %run_scoped3A = tpu.sem_alloc : memref<!tpu.dma_semaphore, #tpu.memory_space<semaphore_mem>>
          %dma_start3A_128 = tpu.memref_slice %arg4[%mul3A_114] : memref<320000xi32, #tpu.memory_space<hbm>> -> memref<160xi32, #tpu.memory_space<hbm>>
          %dma_start3A_129 = tpu.memref_slice %arg4[%mul3A_114] : memref<320000xi32, #tpu.memory_space<hbm>> -> memref<160xi32, #tpu.memory_space<hbm>>
          tpu.enqueue_dma source(%dma_start3A_129 : memref<160xi32, #tpu.memory_space<hbm>>) target(%arg8 : memref<160xi32, #tpu.memory_space<vmem>>) target_semaphore(%run_scoped3A : memref<!tpu.dma_semaphore, #tpu.memory_space<semaphore_mem>>)
          %dma_wait3A_130 = tpu.memref_slice %arg4[%mul3A_114] : memref<320000xi32, #tpu.memory_space<hbm>> -> memref<160xi32, #tpu.memory_space<hbm>>
          %dma_wait3A_131 = tpu.memref_slice %arg4[%mul3A_114] : memref<320000xi32, #tpu.memory_space<hbm>> -> memref<160xi32, #tpu.memory_space<hbm>>
          tpu.wait_dma2 semaphore(%run_scoped3A : memref<!tpu.dma_semaphore, #tpu.memory_space<semaphore_mem>>) src(%dma_wait3A_131 : memref<160xi32, #tpu.memory_space<hbm>>) dst(%arg8 : memref<160xi32, #tpu.memory_space<vmem>>)
          tpu.yield
        }) : () -> ()
        %dma_start3A_115 = arith.constant 0 : i32
        %dma_start3A_116 = arith.constant 0 : i32
        %dma_start3A_117 = tpu.memref_slice %arg2[%arg0, %dma_start3A_115, %dma_start3A_116] : memref<2x10240x128xf32, #tpu.memory_space<hbm>> -> memref<1x10240x128xf32, #tpu.memory_space<hbm>>
        %dma_start3A_118 = tpu.memref_squeeze %dma_start3A_117 : memref<1x10240x128xf32, #tpu.memory_space<hbm>> -> memref<10240x128xf32, #tpu.memory_space<hbm>>
        %dma_start3A_119 = arith.constant 0 : i32
        %dma_start3A_120 = arith.constant 0 : i32
        %dma_start3A_121 = tpu.memref_slice %dma_start3A_118[%dma_start3A_119, %dma_start3A_120] : memref<10240x128xf32, #tpu.memory_space<hbm>> -> memref<10240x128xf32, #tpu.memory_space<hbm>>
        tpu.enqueue_indirect_dma source(%dma_start3A_121 : memref<10240x128xf32, #tpu.memory_space<hbm>>) target(%arg11 : memref<160x128xf32, #tpu.memory_space<vmem>>) offsets(%arg7 : memref<160xi32, #tpu.memory_space<vmem>>) semaphore(%arg15 : memref<!tpu.dma_semaphore, #tpu.memory_space<semaphore_mem>>)
        %dma_wait3A = arith.constant 0 : i32
        %dma_wait3A_122 = arith.constant 0 : i32
        %dma_wait3A_123 = tpu.memref_slice %arg2[%arg0, %dma_wait3A, %dma_wait3A_122] : memref<2x10240x128xf32, #tpu.memory_space<hbm>> -> memref<1x10240x128xf32, #tpu.memory_space<hbm>>
        %dma_wait3A_124 = tpu.memref_squeeze %dma_wait3A_123 : memref<1x10240x128xf32, #tpu.memory_space<hbm>> -> memref<10240x128xf32, #tpu.memory_space<hbm>>
        %dma_wait3A_125 = arith.constant 0 : i32
        %dma_wait3A_126 = arith.constant 0 : i32
        %dma_wait3A_127 = tpu.memref_slice %dma_wait3A_124[%dma_wait3A_125, %dma_wait3A_126] : memref<10240x128xf32, #tpu.memory_space<hbm>> -> memref<10240x128xf32, #tpu.memory_space<hbm>>
        tpu.wait_indirect_dma semaphore(%arg16 : memref<!tpu.dma_semaphore, #tpu.memory_space<semaphore_mem>>) src(%dma_wait3A_127 : memref<10240x128xf32, #tpu.memory_space<hbm>>) dst(%arg12 : memref<160x128xf32, #tpu.memory_space<vmem>>)
        "tpu.region"() ({
          %run_scoped3A = tpu.sem_alloc : memref<!tpu.dma_semaphore, #tpu.memory_space<semaphore_mem>>
          %dma_start3A_128 = arith.constant 0 : i32
          %dma_start3A_129 = arith.constant 0 : i32
          %dma_start3A_130 = tpu.memref_slice %arg14[%dma_start3A_128, %dma_start3A_129] : memref<10240x128xf32, #tpu.memory_space<vmem_shared>> -> memref<10240x128xf32, #tpu.memory_space<vmem_shared>>
          tpu.enqueue_indirect_dma source(%arg12 : memref<160x128xf32, #tpu.memory_space<vmem>>) target(%dma_start3A_130 : memref<10240x128xf32, #tpu.memory_space<vmem_shared>>) offsets(%arg10 : memref<160xi32, #tpu.memory_space<vmem>>) semaphore(%run_scoped3A : memref<!tpu.dma_semaphore, #tpu.memory_space<semaphore_mem>>) {add = true}
          %dma_wait3A_131 = arith.constant 0 : i32
          %dma_wait3A_132 = arith.constant 0 : i32
          %dma_wait3A_133 = tpu.memref_slice %arg14[%dma_wait3A_131, %dma_wait3A_132] : memref<10240x128xf32, #tpu.memory_space<vmem_shared>> -> memref<10240x128xf32, #tpu.memory_space<vmem_shared>>
          tpu.wait_indirect_dma semaphore(%run_scoped3A : memref<!tpu.dma_semaphore, #tpu.memory_space<semaphore_mem>>) src(%arg12 : memref<160x128xf32, #tpu.memory_space<vmem>>) dst(%dma_wait3A_133 : memref<10240x128xf32, #tpu.memory_space<vmem_shared>>)
          tpu.yield
        }) : () -> ()
      } else {
      }
    }
    %while3A_28 = arith.constant 1 : i32
    scf.for %while3A_67 = %while3A_26 to %while3A_22 step %while3A_28  : i32 {
      %jit3A_68 = arith.constant 2 : i32
      %eq3A_69 = arith.constant 0 : i32
      %eq3A_70 = arith.cmpi eq, %jit3A_68, %eq3A_69 : i32
      %jit3A_71 = arith.constant 1 : i32
      %select_n3A_72 = arith.select %eq3A_70, %jit3A_71, %jit3A_68 : i32
      %rem3A_73 = arith.remsi %while3A_67, %select_n3A_72 : i32
      %ne3A_74 = arith.constant 0 : i32
      %ne3A_75 = arith.cmpi ne, %rem3A_73, %ne3A_74 : i32
      %lt3A_76 = arith.constant 0 : i32
      %lt3A_77 = arith.cmpi slt, %rem3A_73, %lt3A_76 : i32
      %lt3A_78 = arith.constant 0 : i32
      %lt3A_79 = arith.cmpi slt, %select_n3A_72, %lt3A_78 : i32
      %ne3A_80 = arith.xori %lt3A_77, %lt3A_79 : i1
      %and3A_81 = arith.andi %ne3A_80, %ne3A_75 : i1
      %add3A_82 = arith.addi %rem3A_73, %select_n3A_72 : i32
      %select_n3A_83 = arith.select %and3A_81, %add3A_82, %rem3A_73 : i32
      %eq3A_84 = arith.constant 0 : i32
      %eq3A_85 = arith.cmpi eq, %select_n3A_83, %eq3A_84 : i32
      %convert_element_type3A_86 = arith.extui %eq3A_85 : i1 to i32
      %cond3A_87 = arith.constant 0 : i32
      %cond3A_88 = arith.cmpi ne, %convert_element_type3A_86, %cond3A_87 : i32
      scf.if %cond3A_88 {
        %add3A_110 = arith.constant 1 : i32
        %add3A_111 = arith.addi %while3A_67, %add3A_110 : i32
        %add3A_112 = arith.addi %squeeze3A, %add3A_111 : i32
        %mul3A_113 = arith.constant 160 : i32
        %mul3A_114 = arith.muli %add3A_112, %mul3A_113 : i32
        "tpu.region"() ({
          %run_scoped3A = tpu.sem_alloc : memref<!tpu.dma_semaphore, #tpu.memory_space<semaphore_mem>>
          %dma_start3A_128 = tpu.memref_slice %arg3[%mul3A_114] : memref<320000xi32, #tpu.memory_space<hbm>> -> memref<160xi32, #tpu.memory_space<hbm>>
          %dma_start3A_129 = tpu.memref_slice %arg3[%mul3A_114] : memref<320000xi32, #tpu.memory_space<hbm>> -> memref<160xi32, #tpu.memory_space<hbm>>
          tpu.enqueue_dma source(%dma_start3A_129 : memref<160xi32, #tpu.memory_space<hbm>>) target(%arg9 : memref<160xi32, #tpu.memory_space<vmem>>) target_semaphore(%run_scoped3A : memref<!tpu.dma_semaphore, #tpu.memory_space<semaphore_mem>>)
          %dma_wait3A_130 = tpu.memref_slice %arg3[%mul3A_114] : memref<320000xi32, #tpu.memory_space<hbm>> -> memref<160xi32, #tpu.memory_space<hbm>>
          %dma_wait3A_131 = tpu.memref_slice %arg3[%mul3A_114] : memref<320000xi32, #tpu.memory_space<hbm>> -> memref<160xi32, #tpu.memory_space<hbm>>
          tpu.wait_dma2 semaphore(%run_scoped3A : memref<!tpu.dma_semaphore, #tpu.memory_space<semaphore_mem>>) src(%dma_wait3A_131 : memref<160xi32, #tpu.memory_space<hbm>>) dst(%arg9 : memref<160xi32, #tpu.memory_space<vmem>>)
          tpu.yield
        }) : () -> ()
        "tpu.region"() ({
          %run_scoped3A = tpu.sem_alloc : memref<!tpu.dma_semaphore, #tpu.memory_space<semaphore_mem>>
          %dma_start3A_128 = tpu.memref_slice %arg4[%mul3A_114] : memref<320000xi32, #tpu.memory_space<hbm>> -> memref<160xi32, #tpu.memory_space<hbm>>
          %dma_start3A_129 = tpu.memref_slice %arg4[%mul3A_114] : memref<320000xi32, #tpu.memory_space<hbm>> -> memref<160xi32, #tpu.memory_space<hbm>>
          tpu.enqueue_dma source(%dma_start3A_129 : memref<160xi32, #tpu.memory_space<hbm>>) target(%arg10 : memref<160xi32, #tpu.memory_space<vmem>>) target_semaphore(%run_scoped3A : memref<!tpu.dma_semaphore, #tpu.memory_space<semaphore_mem>>)
          %dma_wait3A_130 = tpu.memref_slice %arg4[%mul3A_114] : memref<320000xi32, #tpu.memory_space<hbm>> -> memref<160xi32, #tpu.memory_space<hbm>>
          %dma_wait3A_131 = tpu.memref_slice %arg4[%mul3A_114] : memref<320000xi32, #tpu.memory_space<hbm>> -> memref<160xi32, #tpu.memory_space<hbm>>
          tpu.wait_dma2 semaphore(%run_scoped3A : memref<!tpu.dma_semaphore, #tpu.memory_space<semaphore_mem>>) src(%dma_wait3A_131 : memref<160xi32, #tpu.memory_space<hbm>>) dst(%arg10 : memref<160xi32, #tpu.memory_space<vmem>>)
          tpu.yield
        }) : () -> ()
        %dma_start3A_115 = arith.constant 0 : i32
        %dma_start3A_116 = arith.constant 0 : i32
        %dma_start3A_117 = tpu.memref_slice %arg2[%arg0, %dma_start3A_115, %dma_start3A_116] : memref<2x10240x128xf32, #tpu.memory_space<hbm>> -> memref<1x10240x128xf32, #tpu.memory_space<hbm>>
        %dma_start3A_118 = tpu.memref_squeeze %dma_start3A_117 : memref<1x10240x128xf32, #tpu.memory_space<hbm>> -> memref<10240x128xf32, #tpu.memory_space<hbm>>
        %dma_start3A_119 = arith.constant 0 : i32
        %dma_start3A_120 = arith.constant 0 : i32
        %dma_start3A_121 = tpu.memref_slice %dma_start3A_118[%dma_start3A_119, %dma_start3A_120] : memref<10240x128xf32, #tpu.memory_space<hbm>> -> memref<10240x128xf32, #tpu.memory_space<hbm>>
        tpu.enqueue_indirect_dma source(%dma_start3A_121 : memref<10240x128xf32, #tpu.memory_space<hbm>>) target(%arg12 : memref<160x128xf32, #tpu.memory_space<vmem>>) offsets(%arg9 : memref<160xi32, #tpu.memory_space<vmem>>) semaphore(%arg16 : memref<!tpu.dma_semaphore, #tpu.memory_space<semaphore_mem>>)
        %dma_wait3A = arith.constant 0 : i32
        %dma_wait3A_122 = arith.constant 0 : i32
        %dma_wait3A_123 = tpu.memref_slice %arg2[%arg0, %dma_wait3A, %dma_wait3A_122] : memref<2x10240x128xf32, #tpu.memory_space<hbm>> -> memref<1x10240x128xf32, #tpu.memory_space<hbm>>
        %dma_wait3A_124 = tpu.memref_squeeze %dma_wait3A_123 : memref<1x10240x128xf32, #tpu.memory_space<hbm>> -> memref<10240x128xf32, #tpu.memory_space<hbm>>
        %dma_wait3A_125 = arith.constant 0 : i32
        %dma_wait3A_126 = arith.constant 0 : i32
        %dma_wait3A_127 = tpu.memref_slice %dma_wait3A_124[%dma_wait3A_125, %dma_wait3A_126] : memref<10240x128xf32, #tpu.memory_space<hbm>> -> memref<10240x128xf32, #tpu.memory_space<hbm>>
        tpu.wait_indirect_dma semaphore(%arg15 : memref<!tpu.dma_semaphore, #tpu.memory_space<semaphore_mem>>) src(%dma_wait3A_127 : memref<10240x128xf32, #tpu.memory_space<hbm>>) dst(%arg11 : memref<160x128xf32, #tpu.memory_space<vmem>>)
        "tpu.region"() ({
          %run_scoped3A = tpu.sem_alloc : memref<!tpu.dma_semaphore, #tpu.memory_space<semaphore_mem>>
          %dma_start3A_128 = arith.constant 0 : i32
          %dma_start3A_129 = arith.constant 0 : i32
          %dma_start3A_130 = tpu.memref_slice %arg14[%dma_start3A_128, %dma_start3A_129] : memref<10240x128xf32, #tpu.memory_space<vmem_shared>> -> memref<10240x128xf32, #tpu.memory_space<vmem_shared>>
          tpu.enqueue_indirect_dma source(%arg11 : memref<160x128xf32, #tpu.memory_space<vmem>>) target(%dma_start3A_130 : memref<10240x128xf32, #tpu.memory_space<vmem_shared>>) offsets(%arg8 : memref<160xi32, #tpu.memory_space<vmem>>) semaphore(%run_scoped3A : memref<!tpu.dma_semaphore, #tpu.memory_space<semaphore_mem>>) {add = true}
          %dma_wait3A_131 = arith.constant 0 : i32
          %dma_wait3A_132 = arith.constant 0 : i32
          %dma_wait3A_133 = tpu.memref_slice %arg14[%dma_wait3A_131, %dma_wait3A_132] : memref<10240x128xf32, #tpu.memory_space<vmem_shared>> -> memref<10240x128xf32, #tpu.memory_space<vmem_shared>>
          tpu.wait_indirect_dma semaphore(%run_scoped3A : memref<!tpu.dma_semaphore, #tpu.memory_space<semaphore_mem>>) src(%arg11 : memref<160x128xf32, #tpu.memory_space<vmem>>) dst(%dma_wait3A_133 : memref<10240x128xf32, #tpu.memory_space<vmem_shared>>)
          tpu.yield
        }) : () -> ()
      } else {
      }
      %jit3A_89 = arith.constant 2 : i32
      %eq3A_90 = arith.constant 0 : i32
      %eq3A_91 = arith.cmpi eq, %jit3A_89, %eq3A_90 : i32
      %jit3A_92 = arith.constant 1 : i32
      %select_n3A_93 = arith.select %eq3A_91, %jit3A_92, %jit3A_89 : i32
      %rem3A_94 = arith.remsi %while3A_67, %select_n3A_93 : i32
      %ne3A_95 = arith.constant 0 : i32
      %ne3A_96 = arith.cmpi ne, %rem3A_94, %ne3A_95 : i32
      %lt3A_97 = arith.constant 0 : i32
      %lt3A_98 = arith.cmpi slt, %rem3A_94, %lt3A_97 : i32
      %lt3A_99 = arith.constant 0 : i32
      %lt3A_100 = arith.cmpi slt, %select_n3A_93, %lt3A_99 : i32
      %ne3A_101 = arith.xori %lt3A_98, %lt3A_100 : i1
      %and3A_102 = arith.andi %ne3A_101, %ne3A_96 : i1
      %add3A_103 = arith.addi %rem3A_94, %select_n3A_93 : i32
      %select_n3A_104 = arith.select %and3A_102, %add3A_103, %rem3A_94 : i32
      %eq3A_105 = arith.constant 1 : i32
      %eq3A_106 = arith.cmpi eq, %select_n3A_104, %eq3A_105 : i32
      %convert_element_type3A_107 = arith.extui %eq3A_106 : i1 to i32
      %cond3A_108 = arith.constant 0 : i32
      %cond3A_109 = arith.cmpi ne, %convert_element_type3A_107, %cond3A_108 : i32
      scf.if %cond3A_109 {
        %add3A_110 = arith.constant 1 : i32
        %add3A_111 = arith.addi %while3A_67, %add3A_110 : i32
        %add3A_112 = arith.addi %squeeze3A, %add3A_111 : i32
        %mul3A_113 = arith.constant 160 : i32
        %mul3A_114 = arith.muli %add3A_112, %mul3A_113 : i32
        "tpu.region"() ({
          %run_scoped3A = tpu.sem_alloc : memref<!tpu.dma_semaphore, #tpu.memory_space<semaphore_mem>>
          %dma_start3A_128 = tpu.memref_slice %arg3[%mul3A_114] : memref<320000xi32, #tpu.memory_space<hbm>> -> memref<160xi32, #tpu.memory_space<hbm>>
          %dma_start3A_129 = tpu.memref_slice %arg3[%mul3A_114] : memref<320000xi32, #tpu.memory_space<hbm>> -> memref<160xi32, #tpu.memory_space<hbm>>
          tpu.enqueue_dma source(%dma_start3A_129 : memref<160xi32, #tpu.memory_space<hbm>>) target(%arg7 : memref<160xi32, #tpu.memory_space<vmem>>) target_semaphore(%run_scoped3A : memref<!tpu.dma_semaphore, #tpu.memory_space<semaphore_mem>>)
          %dma_wait3A_130 = tpu.memref_slice %arg3[%mul3A_114] : memref<320000xi32, #tpu.memory_space<hbm>> -> memref<160xi32, #tpu.memory_space<hbm>>
          %dma_wait3A_131 = tpu.memref_slice %arg3[%mul3A_114] : memref<320000xi32, #tpu.memory_space<hbm>> -> memref<160xi32, #tpu.memory_space<hbm>>
          tpu.wait_dma2 semaphore(%run_scoped3A : memref<!tpu.dma_semaphore, #tpu.memory_space<semaphore_mem>>) src(%dma_wait3A_131 : memref<160xi32, #tpu.memory_space<hbm>>) dst(%arg7 : memref<160xi32, #tpu.memory_space<vmem>>)
          tpu.yield
        }) : () -> ()
        "tpu.region"() ({
          %run_scoped3A = tpu.sem_alloc : memref<!tpu.dma_semaphore, #tpu.memory_space<semaphore_mem>>
          %dma_start3A_128 = tpu.memref_slice %arg4[%mul3A_114] : memref<320000xi32, #tpu.memory_space<hbm>> -> memref<160xi32, #tpu.memory_space<hbm>>
          %dma_start3A_129 = tpu.memref_slice %arg4[%mul3A_114] : memref<320000xi32, #tpu.memory_space<hbm>> -> memref<160xi32, #tpu.memory_space<hbm>>
          tpu.enqueue_dma source(%dma_start3A_129 : memref<160xi32, #tpu.memory_space<hbm>>) target(%arg8 : memref<160xi32, #tpu.memory_space<vmem>>) target_semaphore(%run_scoped3A : memref<!tpu.dma_semaphore, #tpu.memory_space<semaphore_mem>>)
          %dma_wait3A_130 = tpu.memref_slice %arg4[%mul3A_114] : memref<320000xi32, #tpu.memory_space<hbm>> -> memref<160xi32, #tpu.memory_space<hbm>>
          %dma_wait3A_131 = tpu.memref_slice %arg4[%mul3A_114] : memref<320000xi32, #tpu.memory_space<hbm>> -> memref<160xi32, #tpu.memory_space<hbm>>
          tpu.wait_dma2 semaphore(%run_scoped3A : memref<!tpu.dma_semaphore, #tpu.memory_space<semaphore_mem>>) src(%dma_wait3A_131 : memref<160xi32, #tpu.memory_space<hbm>>) dst(%arg8 : memref<160xi32, #tpu.memory_space<vmem>>)
          tpu.yield
        }) : () -> ()
        %dma_start3A_115 = arith.constant 0 : i32
        %dma_start3A_116 = arith.constant 0 : i32
        %dma_start3A_117 = tpu.memref_slice %arg2[%arg0, %dma_start3A_115, %dma_start3A_116] : memref<2x10240x128xf32, #tpu.memory_space<hbm>> -> memref<1x10240x128xf32, #tpu.memory_space<hbm>>
        %dma_start3A_118 = tpu.memref_squeeze %dma_start3A_117 : memref<1x10240x128xf32, #tpu.memory_space<hbm>> -> memref<10240x128xf32, #tpu.memory_space<hbm>>
        %dma_start3A_119 = arith.constant 0 : i32
        %dma_start3A_120 = arith.constant 0 : i32
        %dma_start3A_121 = tpu.memref_slice %dma_start3A_118[%dma_start3A_119, %dma_start3A_120] : memref<10240x128xf32, #tpu.memory_space<hbm>> -> memref<10240x128xf32, #tpu.memory_space<hbm>>
        tpu.enqueue_indirect_dma source(%dma_start3A_121 : memref<10240x128xf32, #tpu.memory_space<hbm>>) target(%arg11 : memref<160x128xf32, #tpu.memory_space<vmem>>) offsets(%arg7 : memref<160xi32, #tpu.memory_space<vmem>>) semaphore(%arg15 : memref<!tpu.dma_semaphore, #tpu.memory_space<semaphore_mem>>)
        %dma_wait3A = arith.constant 0 : i32
        %dma_wait3A_122 = arith.constant 0 : i32
        %dma_wait3A_123 = tpu.memref_slice %arg2[%arg0, %dma_wait3A, %dma_wait3A_122] : memref<2x10240x128xf32, #tpu.memory_space<hbm>> -> memref<1x10240x128xf32, #tpu.memory_space<hbm>>
        %dma_wait3A_124 = tpu.memref_squeeze %dma_wait3A_123 : memref<1x10240x128xf32, #tpu.memory_space<hbm>> -> memref<10240x128xf32, #tpu.memory_space<hbm>>
        %dma_wait3A_125 = arith.constant 0 : i32
        %dma_wait3A_126 = arith.constant 0 : i32
        %dma_wait3A_127 = tpu.memref_slice %dma_wait3A_124[%dma_wait3A_125, %dma_wait3A_126] : memref<10240x128xf32, #tpu.memory_space<hbm>> -> memref<10240x128xf32, #tpu.memory_space<hbm>>
        tpu.wait_indirect_dma semaphore(%arg16 : memref<!tpu.dma_semaphore, #tpu.memory_space<semaphore_mem>>) src(%dma_wait3A_127 : memref<10240x128xf32, #tpu.memory_space<hbm>>) dst(%arg12 : memref<160x128xf32, #tpu.memory_space<vmem>>)
        "tpu.region"() ({
          %run_scoped3A = tpu.sem_alloc : memref<!tpu.dma_semaphore, #tpu.memory_space<semaphore_mem>>
          %dma_start3A_128 = arith.constant 0 : i32
          %dma_start3A_129 = arith.constant 0 : i32
          %dma_start3A_130 = tpu.memref_slice %arg14[%dma_start3A_128, %dma_start3A_129] : memref<10240x128xf32, #tpu.memory_space<vmem_shared>> -> memref<10240x128xf32, #tpu.memory_space<vmem_shared>>
          tpu.enqueue_indirect_dma source(%arg12 : memref<160x128xf32, #tpu.memory_space<vmem>>) target(%dma_start3A_130 : memref<10240x128xf32, #tpu.memory_space<vmem_shared>>) offsets(%arg10 : memref<160xi32, #tpu.memory_space<vmem>>) semaphore(%run_scoped3A : memref<!tpu.dma_semaphore, #tpu.memory_space<semaphore_mem>>) {add = true}
          %dma_wait3A_131 = arith.constant 0 : i32
          %dma_wait3A_132 = arith.constant 0 : i32
          %dma_wait3A_133 = tpu.memref_slice %arg14[%dma_wait3A_131, %dma_wait3A_132] : memref<10240x128xf32, #tpu.memory_space<vmem_shared>> -> memref<10240x128xf32, #tpu.memory_space<vmem_shared>>
          tpu.wait_indirect_dma semaphore(%run_scoped3A : memref<!tpu.dma_semaphore, #tpu.memory_space<semaphore_mem>>) src(%arg12 : memref<160x128xf32, #tpu.memory_space<vmem>>) dst(%dma_wait3A_133 : memref<10240x128xf32, #tpu.memory_space<vmem_shared>>)
          tpu.yield
        }) : () -> ()
      } else {
      }
    }
    %sub3A_29 = arith.constant 1 : i32
    %sub3A_30 = arith.subi %squeeze3A_8, %sub3A_29 : i32
    %jit3A = arith.constant 2 : i32
    %eq3A = arith.constant 0 : i32
    %eq3A_31 = arith.cmpi eq, %jit3A, %eq3A : i32
    %jit3A_32 = arith.constant 1 : i32
    %select_n3A = arith.select %eq3A_31, %jit3A_32, %jit3A : i32
    %rem3A = arith.remsi %sub3A_30, %select_n3A : i32
    %ne3A = arith.constant 0 : i32
    %ne3A_33 = arith.cmpi ne, %rem3A, %ne3A : i32
    %lt3A = arith.constant 0 : i32
    %lt3A_34 = arith.cmpi slt, %rem3A, %lt3A : i32
    %lt3A_35 = arith.constant 0 : i32
    %lt3A_36 = arith.cmpi slt, %select_n3A, %lt3A_35 : i32
    %ne3A_37 = arith.xori %lt3A_34, %lt3A_36 : i1
    %and3A = arith.andi %ne3A_37, %ne3A_33 : i1
    %add3A_38 = arith.addi %rem3A, %select_n3A : i32
    %select_n3A_39 = arith.select %and3A, %add3A_38, %rem3A : i32
    %eq3A_40 = arith.constant 0 : i32
    %eq3A_41 = arith.cmpi eq, %select_n3A_39, %eq3A_40 : i32
    %convert_element_type3A = arith.extui %eq3A_41 : i1 to i32
    %cond3A = arith.constant 0 : i32
    %cond3A_42 = arith.cmpi ne, %convert_element_type3A, %cond3A : i32
    scf.if %cond3A_42 {
      %dma_wait3A = arith.constant 0 : i32
      %dma_wait3A_67 = arith.constant 0 : i32
      %dma_wait3A_68 = tpu.memref_slice %arg2[%arg0, %dma_wait3A, %dma_wait3A_67] : memref<2x10240x128xf32, #tpu.memory_space<hbm>> -> memref<1x10240x128xf32, #tpu.memory_space<hbm>>
      %dma_wait3A_69 = tpu.memref_squeeze %dma_wait3A_68 : memref<1x10240x128xf32, #tpu.memory_space<hbm>> -> memref<10240x128xf32, #tpu.memory_space<hbm>>
      %dma_wait3A_70 = arith.constant 0 : i32
      %dma_wait3A_71 = arith.constant 0 : i32
      %dma_wait3A_72 = tpu.memref_slice %dma_wait3A_69[%dma_wait3A_70, %dma_wait3A_71] : memref<10240x128xf32, #tpu.memory_space<hbm>> -> memref<10240x128xf32, #tpu.memory_space<hbm>>
      tpu.wait_indirect_dma semaphore(%arg15 : memref<!tpu.dma_semaphore, #tpu.memory_space<semaphore_mem>>) src(%dma_wait3A_72 : memref<10240x128xf32, #tpu.memory_space<hbm>>) dst(%arg11 : memref<160x128xf32, #tpu.memory_space<vmem>>)
      "tpu.region"() ({
        %run_scoped3A = tpu.sem_alloc : memref<!tpu.dma_semaphore, #tpu.memory_space<semaphore_mem>>
        %dma_start3A_73 = arith.constant 0 : i32
        %dma_start3A_74 = arith.constant 0 : i32
        %dma_start3A_75 = tpu.memref_slice %arg14[%dma_start3A_73, %dma_start3A_74] : memref<10240x128xf32, #tpu.memory_space<vmem_shared>> -> memref<10240x128xf32, #tpu.memory_space<vmem_shared>>
        tpu.enqueue_indirect_dma source(%arg11 : memref<160x128xf32, #tpu.memory_space<vmem>>) target(%dma_start3A_75 : memref<10240x128xf32, #tpu.memory_space<vmem_shared>>) offsets(%arg8 : memref<160xi32, #tpu.memory_space<vmem>>) semaphore(%run_scoped3A : memref<!tpu.dma_semaphore, #tpu.memory_space<semaphore_mem>>) {add = true}
        %dma_wait3A_76 = arith.constant 0 : i32
        %dma_wait3A_77 = arith.constant 0 : i32
        %dma_wait3A_78 = tpu.memref_slice %arg14[%dma_wait3A_76, %dma_wait3A_77] : memref<10240x128xf32, #tpu.memory_space<vmem_shared>> -> memref<10240x128xf32, #tpu.memory_space<vmem_shared>>
        tpu.wait_indirect_dma semaphore(%run_scoped3A : memref<!tpu.dma_semaphore, #tpu.memory_space<semaphore_mem>>) src(%arg11 : memref<160x128xf32, #tpu.memory_space<vmem>>) dst(%dma_wait3A_78 : memref<10240x128xf32, #tpu.memory_space<vmem_shared>>)
        tpu.yield
      }) : () -> ()
    } else {
    }
    %sub3A_43 = arith.constant 1 : i32
    %sub3A_44 = arith.subi %squeeze3A_8, %sub3A_43 : i32
    %jit3A_45 = arith.constant 2 : i32
    %eq3A_46 = arith.constant 0 : i32
    %eq3A_47 = arith.cmpi eq, %jit3A_45, %eq3A_46 : i32
    %jit3A_48 = arith.constant 1 : i32
    %select_n3A_49 = arith.select %eq3A_47, %jit3A_48, %jit3A_45 : i32
    %rem3A_50 = arith.remsi %sub3A_44, %select_n3A_49 : i32
    %ne3A_51 = arith.constant 0 : i32
    %ne3A_52 = arith.cmpi ne, %rem3A_50, %ne3A_51 : i32
    %lt3A_53 = arith.constant 0 : i32
    %lt3A_54 = arith.cmpi slt, %rem3A_50, %lt3A_53 : i32
    %lt3A_55 = arith.constant 0 : i32
    %lt3A_56 = arith.cmpi slt, %select_n3A_49, %lt3A_55 : i32
    %ne3A_57 = arith.xori %lt3A_54, %lt3A_56 : i1
    %and3A_58 = arith.andi %ne3A_57, %ne3A_52 : i1
    %add3A_59 = arith.addi %rem3A_50, %select_n3A_49 : i32
    %select_n3A_60 = arith.select %and3A_58, %add3A_59, %rem3A_50 : i32
    %eq3A_61 = arith.constant 1 : i32
    %eq3A_62 = arith.cmpi eq, %select_n3A_60, %eq3A_61 : i32
    %convert_element_type3A_63 = arith.extui %eq3A_62 : i1 to i32
    %cond3A_64 = arith.constant 0 : i32
    %cond3A_65 = arith.cmpi ne, %convert_element_type3A_63, %cond3A_64 : i32
    scf.if %cond3A_65 {
      %dma_wait3A = arith.constant 0 : i32
      %dma_wait3A_67 = arith.constant 0 : i32
      %dma_wait3A_68 = tpu.memref_slice %arg2[%arg0, %dma_wait3A, %dma_wait3A_67] : memref<2x10240x128xf32, #tpu.memory_space<hbm>> -> memref<1x10240x128xf32, #tpu.memory_space<hbm>>
      %dma_wait3A_69 = tpu.memref_squeeze %dma_wait3A_68 : memref<1x10240x128xf32, #tpu.memory_space<hbm>> -> memref<10240x128xf32, #tpu.memory_space<hbm>>
      %dma_wait3A_70 = arith.constant 0 : i32
      %dma_wait3A_71 = arith.constant 0 : i32
      %dma_wait3A_72 = tpu.memref_slice %dma_wait3A_69[%dma_wait3A_70, %dma_wait3A_71] : memref<10240x128xf32, #tpu.memory_space<hbm>> -> memref<10240x128xf32, #tpu.memory_space<hbm>>
      tpu.wait_indirect_dma semaphore(%arg16 : memref<!tpu.dma_semaphore, #tpu.memory_space<semaphore_mem>>) src(%dma_wait3A_72 : memref<10240x128xf32, #tpu.memory_space<hbm>>) dst(%arg12 : memref<160x128xf32, #tpu.memory_space<vmem>>)
      "tpu.region"() ({
        %run_scoped3A = tpu.sem_alloc : memref<!tpu.dma_semaphore, #tpu.memory_space<semaphore_mem>>
        %dma_start3A_73 = arith.constant 0 : i32
        %dma_start3A_74 = arith.constant 0 : i32
        %dma_start3A_75 = tpu.memref_slice %arg14[%dma_start3A_73, %dma_start3A_74] : memref<10240x128xf32, #tpu.memory_space<vmem_shared>> -> memref<10240x128xf32, #tpu.memory_space<vmem_shared>>
        tpu.enqueue_indirect_dma source(%arg12 : memref<160x128xf32, #tpu.memory_space<vmem>>) target(%dma_start3A_75 : memref<10240x128xf32, #tpu.memory_space<vmem_shared>>) offsets(%arg10 : memref<160xi32, #tpu.memory_space<vmem>>) semaphore(%run_scoped3A : memref<!tpu.dma_semaphore, #tpu.memory_space<semaphore_mem>>) {add = true}
        %dma_wait3A_76 = arith.constant 0 : i32
        %dma_wait3A_77 = arith.constant 0 : i32
        %dma_wait3A_78 = tpu.memref_slice %arg14[%dma_wait3A_76, %dma_wait3A_77] : memref<10240x128xf32, #tpu.memory_space<vmem_shared>> -> memref<10240x128xf32, #tpu.memory_space<vmem_shared>>
        tpu.wait_indirect_dma semaphore(%run_scoped3A : memref<!tpu.dma_semaphore, #tpu.memory_space<semaphore_mem>>) src(%arg12 : memref<160x128xf32, #tpu.memory_space<vmem>>) dst(%dma_wait3A_78 : memref<10240x128xf32, #tpu.memory_space<vmem_shared>>)
        tpu.yield
      }) : () -> ()
    } else {
    }
    %barrier3A_66 = arith.constant 0 : index
    tpu.barrier barrier_id(%barrier3A_66)
    "tpu.region"() ({
      %run_scoped3A = tpu.sem_alloc : memref<!tpu.dma_semaphore, #tpu.memory_space<semaphore_mem>>
      %dma_start3A_67 = arith.constant 0 : i32
      %dma_start3A_68 = tpu.memref_slice %arg6[%arg0, %mul3A_2, %dma_start3A_67] : memref<2x10240x128xf32, #tpu.memory_space<hbm>> -> memref<1x640x128xf32, #tpu.memory_space<hbm>>
      %dma_start3A_69 = tpu.memref_squeeze %dma_start3A_68 : memref<1x640x128xf32, #tpu.memory_space<hbm>> -> memref<640x128xf32, #tpu.memory_space<hbm>>
      %dma_start3A_70 = arith.constant 0 : i32
      %dma_start3A_71 = tpu.memref_slice %arg14[%mul3A_2, %dma_start3A_70] : memref<10240x128xf32, #tpu.memory_space<vmem_shared>> -> memref<640x128xf32, #tpu.memory_space<vmem_shared>>
      tpu.enqueue_dma source(%dma_start3A_71 : memref<640x128xf32, #tpu.memory_space<vmem_shared>>) target(%dma_start3A_69 : memref<640x128xf32, #tpu.memory_space<hbm>>) target_semaphore(%run_scoped3A : memref<!tpu.dma_semaphore, #tpu.memory_space<semaphore_mem>>)
      %dma_wait3A = arith.constant 0 : i32
      %dma_wait3A_72 = tpu.memref_slice %arg6[%arg0, %mul3A_2, %dma_wait3A] : memref<2x10240x128xf32, #tpu.memory_space<hbm>> -> memref<1x640x128xf32, #tpu.memory_space<hbm>>
      %dma_wait3A_73 = tpu.memref_squeeze %dma_wait3A_72 : memref<1x640x128xf32, #tpu.memory_space<hbm>> -> memref<640x128xf32, #tpu.memory_space<hbm>>
      %dma_wait3A_74 = arith.constant 0 : i32
      %dma_wait3A_75 = tpu.memref_slice %arg14[%mul3A_2, %dma_wait3A_74] : memref<10240x128xf32, #tpu.memory_space<vmem_shared>> -> memref<640x128xf32, #tpu.memory_space<vmem_shared>>
      tpu.wait_dma2 semaphore(%run_scoped3A : memref<!tpu.dma_semaphore, #tpu.memory_space<semaphore_mem>>) src(%dma_wait3A_75 : memref<640x128xf32, #tpu.memory_space<vmem_shared>>) dst(%dma_wait3A_73 : memref<640x128xf32, #tpu.memory_space<hbm>>)
      tpu.yield
    }) : () -> ()
    return
  }
}

#map = affine_map<(d0, d1) -> (0, 0, 0)>
#map1 = affine_map<(d0, d1) -> (0)>
module attributes {stable_mosaic.version = 14 : i64} {
  func.func @_conv_kernel(%arg0: i32, %arg1: i32, %arg2: memref<2x10240x128xf32, #tpu.memory_space<hbm>>, %arg3: memref<320000xi32, #tpu.memory_space<hbm>>, %arg4: memref<320000xi32, #tpu.memory_space<hbm>>, %arg5: memref<512xi32, #tpu.memory_space<hbm>>, %arg6: memref<2x10240x128xf32, #tpu.memory_space<hbm>>, %arg7: memref<160xi32, #tpu.memory_space<vmem>>, %arg8: memref<160xi32, #tpu.memory_space<vmem>>, %arg9: memref<160xi32, #tpu.memory_space<vmem>>, %arg10: memref<160xi32, #tpu.memory_space<vmem>>, %arg11: memref<160x128xf32, #tpu.memory_space<vmem>>, %arg12: memref<160x128xf32, #tpu.memory_space<vmem>>, %arg13: memref<16xi32, #tpu.memory_space<vmem>>, %arg14: memref<10240x128xf32, #tpu.memory_space<vmem_shared>>, %arg15: memref<!tpu.dma_semaphore, #tpu.memory_space<semaphore_mem>>, %arg16: memref<!tpu.dma_semaphore, #tpu.memory_space<semaphore_mem>>) attributes {dimension_semantics = [#tpu.dimension_semantics<core_parallel>, #tpu.dimension_semantics<subcore_parallel>], iteration_bounds = array<i64: 2, 16>, scalar_prefetch = 0 : i64, scratch_operands = 10 : i64, tpu.core_type = #tpu.core_type<sc_vector_subcore>, window_params = [{transform_indices = #map}, {transform_indices = #map1}, {transform_indices = #map1}, {transform_indices = #map1}, {transform_indices = #map}]} {
    %mul3A = arith.constant 16 : i32
    %mul3A_0 = arith.muli %arg0, %mul3A : i32
    %add3A = arith.addi %mul3A_0, %arg1 : i32
    %mul3A_1 = arith.constant 640 : i32
    %mul3A_2 = arith.muli %arg1, %mul3A_1 : i32
    "tpu.region"() ({
      %run_scoped3A = tpu.sem_alloc : memref<!tpu.dma_semaphore, #tpu.memory_space<semaphore_mem>>
      %dma_start3A_67 = arith.constant 0 : i32
      %dma_start3A_68 = tpu.memref_slice %arg14[%mul3A_2, %dma_start3A_67] : memref<10240x128xf32, #tpu.memory_space<vmem_shared>> -> memref<640x128xf32, #tpu.memory_space<vmem_shared>>
      %dma_start3A_69 = arith.constant 0 : i32
      %dma_start3A_70 = tpu.memref_slice %arg2[%arg0, %mul3A_2, %dma_start3A_69] : memref<2x10240x128xf32, #tpu.memory_space<hbm>> -> memref<1x640x128xf32, #tpu.memory_space<hbm>>
      %dma_start3A_71 = tpu.memref_squeeze %dma_start3A_70 : memref<1x640x128xf32, #tpu.memory_space<hbm>> -> memref<640x128xf32, #tpu.memory_space<hbm>>
      tpu.enqueue_dma source(%dma_start3A_71 : memref<640x128xf32, #tpu.memory_space<hbm>>) target(%dma_start3A_68 : memref<640x128xf32, #tpu.memory_space<vmem_shared>>) target_semaphore(%run_scoped3A : memref<!tpu.dma_semaphore, #tpu.memory_space<semaphore_mem>>)
      %dma_wait3A = arith.constant 0 : i32
      %dma_wait3A_72 = tpu.memref_slice %arg14[%mul3A_2, %dma_wait3A] : memref<10240x128xf32, #tpu.memory_space<vmem_shared>> -> memref<640x128xf32, #tpu.memory_space<vmem_shared>>
      %dma_wait3A_73 = arith.constant 0 : i32
      %dma_wait3A_74 = tpu.memref_slice %arg2[%arg0, %mul3A_2, %dma_wait3A_73] : memref<2x10240x128xf32, #tpu.memory_space<hbm>> -> memref<1x640x128xf32, #tpu.memory_space<hbm>>
      %dma_wait3A_75 = tpu.memref_squeeze %dma_wait3A_74 : memref<1x640x128xf32, #tpu.memory_space<hbm>> -> memref<640x128xf32, #tpu.memory_space<hbm>>
      tpu.wait_dma2 semaphore(%run_scoped3A : memref<!tpu.dma_semaphore, #tpu.memory_space<semaphore_mem>>) src(%dma_wait3A_75 : memref<640x128xf32, #tpu.memory_space<hbm>>) dst(%dma_wait3A_72 : memref<640x128xf32, #tpu.memory_space<vmem_shared>>)
      tpu.yield
    }) : () -> ()
    %mul3A_3 = arith.constant 16 : i32
    %mul3A_4 = arith.muli %add3A, %mul3A_3 : i32
    "tpu.region"() ({
      %run_scoped3A = tpu.sem_alloc : memref<!tpu.dma_semaphore, #tpu.memory_space<semaphore_mem>>
      %dma_start3A_67 = tpu.memref_slice %arg5[%mul3A_4] : memref<512xi32, #tpu.memory_space<hbm>> -> memref<16xi32, #tpu.memory_space<hbm>>
      %dma_start3A_68 = tpu.memref_slice %arg5[%mul3A_4] : memref<512xi32, #tpu.memory_space<hbm>> -> memref<16xi32, #tpu.memory_space<hbm>>
      tpu.enqueue_dma source(%dma_start3A_68 : memref<16xi32, #tpu.memory_space<hbm>>) target(%arg13 : memref<16xi32, #tpu.memory_space<vmem>>) target_semaphore(%run_scoped3A : memref<!tpu.dma_semaphore, #tpu.memory_space<semaphore_mem>>)
      %dma_wait3A = tpu.memref_slice %arg5[%mul3A_4] : memref<512xi32, #tpu.memory_space<hbm>> -> memref<16xi32, #tpu.memory_space<hbm>>
      %dma_wait3A_69 = tpu.memref_slice %arg5[%mul3A_4] : memref<512xi32, #tpu.memory_space<hbm>> -> memref<16xi32, #tpu.memory_space<hbm>>
      tpu.wait_dma2 semaphore(%run_scoped3A : memref<!tpu.dma_semaphore, #tpu.memory_space<semaphore_mem>>) src(%dma_wait3A_69 : memref<16xi32, #tpu.memory_space<hbm>>) dst(%arg13 : memref<16xi32, #tpu.memory_space<vmem>>)
      tpu.yield
    }) : () -> ()
    %barrier3A = arith.constant 0 : index
    tpu.barrier barrier_id(%barrier3A)
    %get3A = arith.constant 0 : index
    %get3A_5 = tpu.vector_load %arg13[%get3A] {strides = array<i32>} : memref<16xi32, #tpu.memory_space<vmem>>, vector<16xi32>,
    %get3A_6 = vector.shape_cast %get3A_5 : vector<16xi32> to vector<16xi32>
    %slice3A = vector.extract_strided_slice %get3A_6 {offsets = [0], sizes = [1], strides = [1]} : vector<16xi32> to vector<1xi32>
    %squeeze3A = vector.extract %slice3A[0] : i32 from vector<1xi32>
    %slice3A_7 = vector.extract_strided_slice %get3A_6 {offsets = [1], sizes = [1], strides = [1]} : vector<16xi32> to vector<1xi32>
    %squeeze3A_8 = vector.extract %slice3A_7[0] : i32 from vector<1xi32>
    %add3A_9 = arith.constant 0 : i32
    %add3A_10 = arith.addi %squeeze3A, %add3A_9 : i32
    %mul3A_11 = arith.constant 160 : i32
    %mul3A_12 = arith.muli %add3A_10, %mul3A_11 : i32
    "tpu.region"() ({
      %run_scoped3A = tpu.sem_alloc : memref<!tpu.dma_semaphore, #tpu.memory_space<semaphore_mem>>
      %dma_start3A_67 = tpu.memref_slice %arg3[%mul3A_12] : memref<320000xi32, #tpu.memory_space<hbm>> -> memref<160xi32, #tpu.memory_space<hbm>>
      %dma_start3A_68 = tpu.memref_slice %arg3[%mul3A_12] : memref<320000xi32, #tpu.memory_space<hbm>> -> memref<160xi32, #tpu.memory_space<hbm>>
      tpu.enqueue_dma source(%dma_start3A_68 : memref<160xi32, #tpu.memory_space<hbm>>) target(%arg7 : memref<160xi32, #tpu.memory_space<vmem>>) target_semaphore(%run_scoped3A : memref<!tpu.dma_semaphore, #tpu.memory_space<semaphore_mem>>)
      %dma_wait3A = tpu.memref_slice %arg3[%mul3A_12] : memref<320000xi32, #tpu.memory_space<hbm>> -> memref<160xi32, #tpu.memory_space<hbm>>
      %dma_wait3A_69 = tpu.memref_slice %arg3[%mul3A_12] : memref<320000xi32, #tpu.memory_space<hbm>> -> memref<160xi32, #tpu.memory_space<hbm>>
      tpu.wait_dma2 semaphore(%run_scoped3A : memref<!tpu.dma_semaphore, #tpu.memory_space<semaphore_mem>>) src(%dma_wait3A_69 : memref<160xi32, #tpu.memory_space<hbm>>) dst(%arg7 : memref<160xi32, #tpu.memory_space<vmem>>)
      tpu.yield
    }) : () -> ()
    "tpu.region"() ({
      %run_scoped3A = tpu.sem_alloc : memref<!tpu.dma_semaphore, #tpu.memory_space<semaphore_mem>>
      %dma_start3A_67 = tpu.memref_slice %arg4[%mul3A_12] : memref<320000xi32, #tpu.memory_space<hbm>> -> memref<160xi32, #tpu.memory_space<hbm>>
      %dma_start3A_68 = tpu.memref_slice %arg4[%mul3A_12] : memref<320000xi32, #tpu.memory_space<hbm>> -> memref<160xi32, #tpu.memory_space<hbm>>
      tpu.enqueue_dma source(%dma_start3A_68 : memref<160xi32, #tpu.memory_space<hbm>>) target(%arg8 : memref<160xi32, #tpu.memory_space<vmem>>) target_semaphore(%run_scoped3A : memref<!tpu.dma_semaphore, #tpu.memory_space<semaphore_mem>>)
      %dma_wait3A = tpu.memref_slice %arg4[%mul3A_12] : memref<320000xi32, #tpu.memory_space<hbm>> -> memref<160xi32, #tpu.memory_space<hbm>>
      %dma_wait3A_69 = tpu.memref_slice %arg4[%mul3A_12] : memref<320000xi32, #tpu.memory_space<hbm>> -> memref<160xi32, #tpu.memory_space<hbm>>
      tpu.wait_dma2 semaphore(%run_scoped3A : memref<!tpu.dma_semaphore, #tpu.memory_space<semaphore_mem>>) src(%dma_wait3A_69 : memref<160xi32, #tpu.memory_space<hbm>>) dst(%arg8 : memref<160xi32, #tpu.memory_space<vmem>>)
      tpu.yield
    }) : () -> ()
    %dma_start3A = arith.constant 0 : i32
    %dma_start3A_13 = arith.constant 0 : i32
    %dma_start3A_14 = tpu.memref_slice %arg2[%arg0, %dma_start3A, %dma_start3A_13] : memref<2x10240x128xf32, #tpu.memory_space<hbm>> -> memref<1x10240x128xf32, #tpu.memory_space<hbm>>
    %dma_start3A_15 = tpu.memref_squeeze %dma_start3A_14 : memref<1x10240x128xf32, #tpu.memory_space<hbm>> -> memref<10240x128xf32, #tpu.memory_space<hbm>>
    %dma_start3A_16 = arith.constant 0 : i32
    %dma_start3A_17 = arith.constant 0 : i32
    %dma_start3A_18 = tpu.memref_slice %dma_start3A_15[%dma_start3A_16, %dma_start3A_17] : memref<10240x128xf32, #tpu.memory_space<hbm>> -> memref<10240x128xf32, #tpu.memory_space<hbm>>
    tpu.enqueue_indirect_dma source(%dma_start3A_18 : memref<10240x128xf32, #tpu.memory_space<hbm>>) target(%arg11 : memref<160x128xf32, #tpu.memory_space<vmem>>) offsets(%arg7 : memref<160xi32, #tpu.memory_space<vmem>>) semaphore(%arg15 : memref<!tpu.dma_semaphore, #tpu.memory_space<semaphore_mem>>)
    %sub3A = arith.constant 1 : i32
    %sub3A_19 = arith.subi %squeeze3A_8, %sub3A : i32
    %while3A = arith.constant 0 : i32
    %while3A_20 = arith.constant 0 : i32
    %while3A_21 = arith.subi %sub3A_19, %while3A_20 : i32
    %while3A_22 = arith.addi %while3A_20, %while3A_21 : i32
    %while3A_23 = arith.constant 1 : i32
    %while3A_24 = arith.divsi %while3A_21, %while3A_23 : i32
    %while3A_25 = arith.muli %while3A_24, %while3A_23 : i32
    %while3A_26 = arith.addi %while3A_20, %while3A_25 : i32
    %while3A_27 = arith.constant 1 : i32
    scf.for %while3A_67 = %while3A_20 to %while3A_26 step %while3A_27  : i32 {
      %jit3A_68 = arith.constant 2 : i32
      %eq3A_69 = arith.constant 0 : i32
      %eq3A_70 = arith.cmpi eq, %jit3A_68, %eq3A_69 : i32
      %jit3A_71 = arith.constant 1 : i32
      %select_n3A_72 = arith.select %eq3A_70, %jit3A_71, %jit3A_68 : i32
      %rem3A_73 = arith.remsi %while3A_67, %select_n3A_72 : i32
      %ne3A_74 = arith.constant 0 : i32
      %ne3A_75 = arith.cmpi ne, %rem3A_73, %ne3A_74 : i32
      %lt3A_76 = arith.constant 0 : i32
      %lt3A_77 = arith.cmpi slt, %rem3A_73, %lt3A_76 : i32
      %lt3A_78 = arith.constant 0 : i32
      %lt3A_79 = arith.cmpi slt, %select_n3A_72, %lt3A_78 : i32
      %ne3A_80 = arith.xori %lt3A_77, %lt3A_79 : i1
      %and3A_81 = arith.andi %ne3A_80, %ne3A_75 : i1
      %add3A_82 = arith.addi %rem3A_73, %select_n3A_72 : i32
      %select_n3A_83 = arith.select %and3A_81, %add3A_82, %rem3A_73 : i32
      %eq3A_84 = arith.constant 0 : i32
      %eq3A_85 = arith.cmpi eq, %select_n3A_83, %eq3A_84 : i32
      %convert_element_type3A_86 = arith.extui %eq3A_85 : i1 to i32
      %cond3A_87 = arith.constant 0 : i32
      %cond3A_88 = arith.cmpi ne, %convert_element_type3A_86, %cond3A_87 : i32
      scf.if %cond3A_88 {
        %add3A_110 = arith.constant 1 : i32
        %add3A_111 = arith.addi %while3A_67, %add3A_110 : i32
        %add3A_112 = arith.addi %squeeze3A, %add3A_111 : i32
        %mul3A_113 = arith.constant 160 : i32
        %mul3A_114 = arith.muli %add3A_112, %mul3A_113 : i32
        "tpu.region"() ({
          %run_scoped3A = tpu.sem_alloc : memref<!tpu.dma_semaphore, #tpu.memory_space<semaphore_mem>>
          %dma_start3A_128 = tpu.memref_slice %arg3[%mul3A_114] : memref<320000xi32, #tpu.memory_space<hbm>> -> memref<160xi32, #tpu.memory_space<hbm>>
          %dma_start3A_129 = tpu.memref_slice %arg3[%mul3A_114] : memref<320000xi32, #tpu.memory_space<hbm>> -> memref<160xi32, #tpu.memory_space<hbm>>
          tpu.enqueue_dma source(%dma_start3A_129 : memref<160xi32, #tpu.memory_space<hbm>>) target(%arg9 : memref<160xi32, #tpu.memory_space<vmem>>) target_semaphore(%run_scoped3A : memref<!tpu.dma_semaphore, #tpu.memory_space<semaphore_mem>>)
          %dma_wait3A_130 = tpu.memref_slice %arg3[%mul3A_114] : memref<320000xi32, #tpu.memory_space<hbm>> -> memref<160xi32, #tpu.memory_space<hbm>>
          %dma_wait3A_131 = tpu.memref_slice %arg3[%mul3A_114] : memref<320000xi32, #tpu.memory_space<hbm>> -> memref<160xi32, #tpu.memory_space<hbm>>
          tpu.wait_dma2 semaphore(%run_scoped3A : memref<!tpu.dma_semaphore, #tpu.memory_space<semaphore_mem>>) src(%dma_wait3A_131 : memref<160xi32, #tpu.memory_space<hbm>>) dst(%arg9 : memref<160xi32, #tpu.memory_space<vmem>>)
          tpu.yield
        }) : () -> ()
        "tpu.region"() ({
          %run_scoped3A = tpu.sem_alloc : memref<!tpu.dma_semaphore, #tpu.memory_space<semaphore_mem>>
          %dma_start3A_128 = tpu.memref_slice %arg4[%mul3A_114] : memref<320000xi32, #tpu.memory_space<hbm>> -> memref<160xi32, #tpu.memory_space<hbm>>
          %dma_start3A_129 = tpu.memref_slice %arg4[%mul3A_114] : memref<320000xi32, #tpu.memory_space<hbm>> -> memref<160xi32, #tpu.memory_space<hbm>>
          tpu.enqueue_dma source(%dma_start3A_129 : memref<160xi32, #tpu.memory_space<hbm>>) target(%arg10 : memref<160xi32, #tpu.memory_space<vmem>>) target_semaphore(%run_scoped3A : memref<!tpu.dma_semaphore, #tpu.memory_space<semaphore_mem>>)
          %dma_wait3A_130 = tpu.memref_slice %arg4[%mul3A_114] : memref<320000xi32, #tpu.memory_space<hbm>> -> memref<160xi32, #tpu.memory_space<hbm>>
          %dma_wait3A_131 = tpu.memref_slice %arg4[%mul3A_114] : memref<320000xi32, #tpu.memory_space<hbm>> -> memref<160xi32, #tpu.memory_space<hbm>>
          tpu.wait_dma2 semaphore(%run_scoped3A : memref<!tpu.dma_semaphore, #tpu.memory_space<semaphore_mem>>) src(%dma_wait3A_131 : memref<160xi32, #tpu.memory_space<hbm>>) dst(%arg10 : memref<160xi32, #tpu.memory_space<vmem>>)
          tpu.yield
        }) : () -> ()
        %dma_start3A_115 = arith.constant 0 : i32
        %dma_start3A_116 = arith.constant 0 : i32
        %dma_start3A_117 = tpu.memref_slice %arg2[%arg0, %dma_start3A_115, %dma_start3A_116] : memref<2x10240x128xf32, #tpu.memory_space<hbm>> -> memref<1x10240x128xf32, #tpu.memory_space<hbm>>
        %dma_start3A_118 = tpu.memref_squeeze %dma_start3A_117 : memref<1x10240x128xf32, #tpu.memory_space<hbm>> -> memref<10240x128xf32, #tpu.memory_space<hbm>>
        %dma_start3A_119 = arith.constant 0 : i32
        %dma_start3A_120 = arith.constant 0 : i32
        %dma_start3A_121 = tpu.memref_slice %dma_start3A_118[%dma_start3A_119, %dma_start3A_120] : memref<10240x128xf32, #tpu.memory_space<hbm>> -> memref<10240x128xf32, #tpu.memory_space<hbm>>
        tpu.enqueue_indirect_dma source(%dma_start3A_121 : memref<10240x128xf32, #tpu.memory_space<hbm>>) target(%arg12 : memref<160x128xf32, #tpu.memory_space<vmem>>) offsets(%arg9 : memref<160xi32, #tpu.memory_space<vmem>>) semaphore(%arg16 : memref<!tpu.dma_semaphore, #tpu.memory_space<semaphore_mem>>)
        %dma_wait3A = arith.constant 0 : i32
        %dma_wait3A_122 = arith.constant 0 : i32
        %dma_wait3A_123 = tpu.memref_slice %arg2[%arg0, %dma_wait3A, %dma_wait3A_122] : memref<2x10240x128xf32, #tpu.memory_space<hbm>> -> memref<1x10240x128xf32, #tpu.memory_space<hbm>>
        %dma_wait3A_124 = tpu.memref_squeeze %dma_wait3A_123 : memref<1x10240x128xf32, #tpu.memory_space<hbm>> -> memref<10240x128xf32, #tpu.memory_space<hbm>>
        %dma_wait3A_125 = arith.constant 0 : i32
        %dma_wait3A_126 = arith.constant 0 : i32
        %dma_wait3A_127 = tpu.memref_slice %dma_wait3A_124[%dma_wait3A_125, %dma_wait3A_126] : memref<10240x128xf32, #tpu.memory_space<hbm>> -> memref<10240x128xf32, #tpu.memory_space<hbm>>
        tpu.wait_indirect_dma semaphore(%arg15 : memref<!tpu.dma_semaphore, #tpu.memory_space<semaphore_mem>>) src(%dma_wait3A_127 : memref<10240x128xf32, #tpu.memory_space<hbm>>) dst(%arg11 : memref<160x128xf32, #tpu.memory_space<vmem>>)
        "tpu.region"() ({
          %run_scoped3A = tpu.sem_alloc : memref<!tpu.dma_semaphore, #tpu.memory_space<semaphore_mem>>
          %dma_start3A_128 = arith.constant 0 : i32
          %dma_start3A_129 = arith.constant 0 : i32
          %dma_start3A_130 = tpu.memref_slice %arg14[%dma_start3A_128, %dma_start3A_129] : memref<10240x128xf32, #tpu.memory_space<vmem_shared>> -> memref<10240x128xf32, #tpu.memory_space<vmem_shared>>
          tpu.enqueue_indirect_dma source(%arg11 : memref<160x128xf32, #tpu.memory_space<vmem>>) target(%dma_start3A_130 : memref<10240x128xf32, #tpu.memory_space<vmem_shared>>) offsets(%arg8 : memref<160xi32, #tpu.memory_space<vmem>>) semaphore(%run_scoped3A : memref<!tpu.dma_semaphore, #tpu.memory_space<semaphore_mem>>) {add = true}
          %dma_wait3A_131 = arith.constant 0 : i32
          %dma_wait3A_132 = arith.constant 0 : i32
          %dma_wait3A_133 = tpu.memref_slice %arg14[%dma_wait3A_131, %dma_wait3A_132] : memref<10240x128xf32, #tpu.memory_space<vmem_shared>> -> memref<10240x128xf32, #tpu.memory_space<vmem_shared>>
          tpu.wait_indirect_dma semaphore(%run_scoped3A : memref<!tpu.dma_semaphore, #tpu.memory_space<semaphore_mem>>) src(%arg11 : memref<160x128xf32, #tpu.memory_space<vmem>>) dst(%dma_wait3A_133 : memref<10240x128xf32, #tpu.memory_space<vmem_shared>>)
          tpu.yield
        }) : () -> ()
      } else {
      }
      %jit3A_89 = arith.constant 2 : i32
      %eq3A_90 = arith.constant 0 : i32
      %eq3A_91 = arith.cmpi eq, %jit3A_89, %eq3A_90 : i32
      %jit3A_92 = arith.constant 1 : i32
      %select_n3A_93 = arith.select %eq3A_91, %jit3A_92, %jit3A_89 : i32
      %rem3A_94 = arith.remsi %while3A_67, %select_n3A_93 : i32
      %ne3A_95 = arith.constant 0 : i32
      %ne3A_96 = arith.cmpi ne, %rem3A_94, %ne3A_95 : i32
      %lt3A_97 = arith.constant 0 : i32
      %lt3A_98 = arith.cmpi slt, %rem3A_94, %lt3A_97 : i32
      %lt3A_99 = arith.constant 0 : i32
      %lt3A_100 = arith.cmpi slt, %select_n3A_93, %lt3A_99 : i32
      %ne3A_101 = arith.xori %lt3A_98, %lt3A_100 : i1
      %and3A_102 = arith.andi %ne3A_101, %ne3A_96 : i1
      %add3A_103 = arith.addi %rem3A_94, %select_n3A_93 : i32
      %select_n3A_104 = arith.select %and3A_102, %add3A_103, %rem3A_94 : i32
      %eq3A_105 = arith.constant 1 : i32
      %eq3A_106 = arith.cmpi eq, %select_n3A_104, %eq3A_105 : i32
      %convert_element_type3A_107 = arith.extui %eq3A_106 : i1 to i32
      %cond3A_108 = arith.constant 0 : i32
      %cond3A_109 = arith.cmpi ne, %convert_element_type3A_107, %cond3A_108 : i32
      scf.if %cond3A_109 {
        %add3A_110 = arith.constant 1 : i32
        %add3A_111 = arith.addi %while3A_67, %add3A_110 : i32
        %add3A_112 = arith.addi %squeeze3A, %add3A_111 : i32
        %mul3A_113 = arith.constant 160 : i32
        %mul3A_114 = arith.muli %add3A_112, %mul3A_113 : i32
        "tpu.region"() ({
          %run_scoped3A = tpu.sem_alloc : memref<!tpu.dma_semaphore, #tpu.memory_space<semaphore_mem>>
          %dma_start3A_128 = tpu.memref_slice %arg3[%mul3A_114] : memref<320000xi32, #tpu.memory_space<hbm>> -> memref<160xi32, #tpu.memory_space<hbm>>
          %dma_start3A_129 = tpu.memref_slice %arg3[%mul3A_114] : memref<320000xi32, #tpu.memory_space<hbm>> -> memref<160xi32, #tpu.memory_space<hbm>>
          tpu.enqueue_dma source(%dma_start3A_129 : memref<160xi32, #tpu.memory_space<hbm>>) target(%arg7 : memref<160xi32, #tpu.memory_space<vmem>>) target_semaphore(%run_scoped3A : memref<!tpu.dma_semaphore, #tpu.memory_space<semaphore_mem>>)
          %dma_wait3A_130 = tpu.memref_slice %arg3[%mul3A_114] : memref<320000xi32, #tpu.memory_space<hbm>> -> memref<160xi32, #tpu.memory_space<hbm>>
          %dma_wait3A_131 = tpu.memref_slice %arg3[%mul3A_114] : memref<320000xi32, #tpu.memory_space<hbm>> -> memref<160xi32, #tpu.memory_space<hbm>>
          tpu.wait_dma2 semaphore(%run_scoped3A : memref<!tpu.dma_semaphore, #tpu.memory_space<semaphore_mem>>) src(%dma_wait3A_131 : memref<160xi32, #tpu.memory_space<hbm>>) dst(%arg7 : memref<160xi32, #tpu.memory_space<vmem>>)
          tpu.yield
        }) : () -> ()
        "tpu.region"() ({
          %run_scoped3A = tpu.sem_alloc : memref<!tpu.dma_semaphore, #tpu.memory_space<semaphore_mem>>
          %dma_start3A_128 = tpu.memref_slice %arg4[%mul3A_114] : memref<320000xi32, #tpu.memory_space<hbm>> -> memref<160xi32, #tpu.memory_space<hbm>>
          %dma_start3A_129 = tpu.memref_slice %arg4[%mul3A_114] : memref<320000xi32, #tpu.memory_space<hbm>> -> memref<160xi32, #tpu.memory_space<hbm>>
          tpu.enqueue_dma source(%dma_start3A_129 : memref<160xi32, #tpu.memory_space<hbm>>) target(%arg8 : memref<160xi32, #tpu.memory_space<vmem>>) target_semaphore(%run_scoped3A : memref<!tpu.dma_semaphore, #tpu.memory_space<semaphore_mem>>)
          %dma_wait3A_130 = tpu.memref_slice %arg4[%mul3A_114] : memref<320000xi32, #tpu.memory_space<hbm>> -> memref<160xi32, #tpu.memory_space<hbm>>
          %dma_wait3A_131 = tpu.memref_slice %arg4[%mul3A_114] : memref<320000xi32, #tpu.memory_space<hbm>> -> memref<160xi32, #tpu.memory_space<hbm>>
          tpu.wait_dma2 semaphore(%run_scoped3A : memref<!tpu.dma_semaphore, #tpu.memory_space<semaphore_mem>>) src(%dma_wait3A_131 : memref<160xi32, #tpu.memory_space<hbm>>) dst(%arg8 : memref<160xi32, #tpu.memory_space<vmem>>)
          tpu.yield
        }) : () -> ()
        %dma_start3A_115 = arith.constant 0 : i32
        %dma_start3A_116 = arith.constant 0 : i32
        %dma_start3A_117 = tpu.memref_slice %arg2[%arg0, %dma_start3A_115, %dma_start3A_116] : memref<2x10240x128xf32, #tpu.memory_space<hbm>> -> memref<1x10240x128xf32, #tpu.memory_space<hbm>>
        %dma_start3A_118 = tpu.memref_squeeze %dma_start3A_117 : memref<1x10240x128xf32, #tpu.memory_space<hbm>> -> memref<10240x128xf32, #tpu.memory_space<hbm>>
        %dma_start3A_119 = arith.constant 0 : i32
        %dma_start3A_120 = arith.constant 0 : i32
        %dma_start3A_121 = tpu.memref_slice %dma_start3A_118[%dma_start3A_119, %dma_start3A_120] : memref<10240x128xf32, #tpu.memory_space<hbm>> -> memref<10240x128xf32, #tpu.memory_space<hbm>>
        tpu.enqueue_indirect_dma source(%dma_start3A_121 : memref<10240x128xf32, #tpu.memory_space<hbm>>) target(%arg11 : memref<160x128xf32, #tpu.memory_space<vmem>>) offsets(%arg7 : memref<160xi32, #tpu.memory_space<vmem>>) semaphore(%arg15 : memref<!tpu.dma_semaphore, #tpu.memory_space<semaphore_mem>>)
        %dma_wait3A = arith.constant 0 : i32
        %dma_wait3A_122 = arith.constant 0 : i32
        %dma_wait3A_123 = tpu.memref_slice %arg2[%arg0, %dma_wait3A, %dma_wait3A_122] : memref<2x10240x128xf32, #tpu.memory_space<hbm>> -> memref<1x10240x128xf32, #tpu.memory_space<hbm>>
        %dma_wait3A_124 = tpu.memref_squeeze %dma_wait3A_123 : memref<1x10240x128xf32, #tpu.memory_space<hbm>> -> memref<10240x128xf32, #tpu.memory_space<hbm>>
        %dma_wait3A_125 = arith.constant 0 : i32
        %dma_wait3A_126 = arith.constant 0 : i32
        %dma_wait3A_127 = tpu.memref_slice %dma_wait3A_124[%dma_wait3A_125, %dma_wait3A_126] : memref<10240x128xf32, #tpu.memory_space<hbm>> -> memref<10240x128xf32, #tpu.memory_space<hbm>>
        tpu.wait_indirect_dma semaphore(%arg16 : memref<!tpu.dma_semaphore, #tpu.memory_space<semaphore_mem>>) src(%dma_wait3A_127 : memref<10240x128xf32, #tpu.memory_space<hbm>>) dst(%arg12 : memref<160x128xf32, #tpu.memory_space<vmem>>)
        "tpu.region"() ({
          %run_scoped3A = tpu.sem_alloc : memref<!tpu.dma_semaphore, #tpu.memory_space<semaphore_mem>>
          %dma_start3A_128 = arith.constant 0 : i32
          %dma_start3A_129 = arith.constant 0 : i32
          %dma_start3A_130 = tpu.memref_slice %arg14[%dma_start3A_128, %dma_start3A_129] : memref<10240x128xf32, #tpu.memory_space<vmem_shared>> -> memref<10240x128xf32, #tpu.memory_space<vmem_shared>>
          tpu.enqueue_indirect_dma source(%arg12 : memref<160x128xf32, #tpu.memory_space<vmem>>) target(%dma_start3A_130 : memref<10240x128xf32, #tpu.memory_space<vmem_shared>>) offsets(%arg10 : memref<160xi32, #tpu.memory_space<vmem>>) semaphore(%run_scoped3A : memref<!tpu.dma_semaphore, #tpu.memory_space<semaphore_mem>>) {add = true}
          %dma_wait3A_131 = arith.constant 0 : i32
          %dma_wait3A_132 = arith.constant 0 : i32
          %dma_wait3A_133 = tpu.memref_slice %arg14[%dma_wait3A_131, %dma_wait3A_132] : memref<10240x128xf32, #tpu.memory_space<vmem_shared>> -> memref<10240x128xf32, #tpu.memory_space<vmem_shared>>
          tpu.wait_indirect_dma semaphore(%run_scoped3A : memref<!tpu.dma_semaphore, #tpu.memory_space<semaphore_mem>>) src(%arg12 : memref<160x128xf32, #tpu.memory_space<vmem>>) dst(%dma_wait3A_133 : memref<10240x128xf32, #tpu.memory_space<vmem_shared>>)
          tpu.yield
        }) : () -> ()
      } else {
      }
    }
    %while3A_28 = arith.constant 1 : i32
    scf.for %while3A_67 = %while3A_26 to %while3A_22 step %while3A_28  : i32 {
      %jit3A_68 = arith.constant 2 : i32
      %eq3A_69 = arith.constant 0 : i32
      %eq3A_70 = arith.cmpi eq, %jit3A_68, %eq3A_69 : i32
      %jit3A_71 = arith.constant 1 : i32
      %select_n3A_72 = arith.select %eq3A_70, %jit3A_71, %jit3A_68 : i32
      %rem3A_73 = arith.remsi %while3A_67, %select_n3A_72 : i32
      %ne3A_74 = arith.constant 0 : i32
      %ne3A_75 = arith.cmpi ne, %rem3A_73, %ne3A_74 : i32
      %lt3A_76 = arith.constant 0 : i32
      %lt3A_77 = arith.cmpi slt, %rem3A_73, %lt3A_76 : i32
      %lt3A_78 = arith.constant 0 : i32
      %lt3A_79 = arith.cmpi slt, %select_n3A_72, %lt3A_78 : i32
      %ne3A_80 = arith.xori %lt3A_77, %lt3A_79 : i1
      %and3A_81 = arith.andi %ne3A_80, %ne3A_75 : i1
      %add3A_82 = arith.addi %rem3A_73, %select_n3A_72 : i32
      %select_n3A_83 = arith.select %and3A_81, %add3A_82, %rem3A_73 : i32
      %eq3A_84 = arith.constant 0 : i32
      %eq3A_85 = arith.cmpi eq, %select_n3A_83, %eq3A_84 : i32
      %convert_element_type3A_86 = arith.extui %eq3A_85 : i1 to i32
      %cond3A_87 = arith.constant 0 : i32
      %cond3A_88 = arith.cmpi ne, %convert_element_type3A_86, %cond3A_87 : i32
      scf.if %cond3A_88 {
        %add3A_110 = arith.constant 1 : i32
        %add3A_111 = arith.addi %while3A_67, %add3A_110 : i32
        %add3A_112 = arith.addi %squeeze3A, %add3A_111 : i32
        %mul3A_113 = arith.constant 160 : i32
        %mul3A_114 = arith.muli %add3A_112, %mul3A_113 : i32
        "tpu.region"() ({
          %run_scoped3A = tpu.sem_alloc : memref<!tpu.dma_semaphore, #tpu.memory_space<semaphore_mem>>
          %dma_start3A_128 = tpu.memref_slice %arg3[%mul3A_114] : memref<320000xi32, #tpu.memory_space<hbm>> -> memref<160xi32, #tpu.memory_space<hbm>>
          %dma_start3A_129 = tpu.memref_slice %arg3[%mul3A_114] : memref<320000xi32, #tpu.memory_space<hbm>> -> memref<160xi32, #tpu.memory_space<hbm>>
          tpu.enqueue_dma source(%dma_start3A_129 : memref<160xi32, #tpu.memory_space<hbm>>) target(%arg9 : memref<160xi32, #tpu.memory_space<vmem>>) target_semaphore(%run_scoped3A : memref<!tpu.dma_semaphore, #tpu.memory_space<semaphore_mem>>)
          %dma_wait3A_130 = tpu.memref_slice %arg3[%mul3A_114] : memref<320000xi32, #tpu.memory_space<hbm>> -> memref<160xi32, #tpu.memory_space<hbm>>
          %dma_wait3A_131 = tpu.memref_slice %arg3[%mul3A_114] : memref<320000xi32, #tpu.memory_space<hbm>> -> memref<160xi32, #tpu.memory_space<hbm>>
          tpu.wait_dma2 semaphore(%run_scoped3A : memref<!tpu.dma_semaphore, #tpu.memory_space<semaphore_mem>>) src(%dma_wait3A_131 : memref<160xi32, #tpu.memory_space<hbm>>) dst(%arg9 : memref<160xi32, #tpu.memory_space<vmem>>)
          tpu.yield
        }) : () -> ()
        "tpu.region"() ({
          %run_scoped3A = tpu.sem_alloc : memref<!tpu.dma_semaphore, #tpu.memory_space<semaphore_mem>>
          %dma_start3A_128 = tpu.memref_slice %arg4[%mul3A_114] : memref<320000xi32, #tpu.memory_space<hbm>> -> memref<160xi32, #tpu.memory_space<hbm>>
          %dma_start3A_129 = tpu.memref_slice %arg4[%mul3A_114] : memref<320000xi32, #tpu.memory_space<hbm>> -> memref<160xi32, #tpu.memory_space<hbm>>
          tpu.enqueue_dma source(%dma_start3A_129 : memref<160xi32, #tpu.memory_space<hbm>>) target(%arg10 : memref<160xi32, #tpu.memory_space<vmem>>) target_semaphore(%run_scoped3A : memref<!tpu.dma_semaphore, #tpu.memory_space<semaphore_mem>>)
          %dma_wait3A_130 = tpu.memref_slice %arg4[%mul3A_114] : memref<320000xi32, #tpu.memory_space<hbm>> -> memref<160xi32, #tpu.memory_space<hbm>>
          %dma_wait3A_131 = tpu.memref_slice %arg4[%mul3A_114] : memref<320000xi32, #tpu.memory_space<hbm>> -> memref<160xi32, #tpu.memory_space<hbm>>
          tpu.wait_dma2 semaphore(%run_scoped3A : memref<!tpu.dma_semaphore, #tpu.memory_space<semaphore_mem>>) src(%dma_wait3A_131 : memref<160xi32, #tpu.memory_space<hbm>>) dst(%arg10 : memref<160xi32, #tpu.memory_space<vmem>>)
          tpu.yield
        }) : () -> ()
        %dma_start3A_115 = arith.constant 0 : i32
        %dma_start3A_116 = arith.constant 0 : i32
        %dma_start3A_117 = tpu.memref_slice %arg2[%arg0, %dma_start3A_115, %dma_start3A_116] : memref<2x10240x128xf32, #tpu.memory_space<hbm>> -> memref<1x10240x128xf32, #tpu.memory_space<hbm>>
        %dma_start3A_118 = tpu.memref_squeeze %dma_start3A_117 : memref<1x10240x128xf32, #tpu.memory_space<hbm>> -> memref<10240x128xf32, #tpu.memory_space<hbm>>
        %dma_start3A_119 = arith.constant 0 : i32
        %dma_start3A_120 = arith.constant 0 : i32
        %dma_start3A_121 = tpu.memref_slice %dma_start3A_118[%dma_start3A_119, %dma_start3A_120] : memref<10240x128xf32, #tpu.memory_space<hbm>> -> memref<10240x128xf32, #tpu.memory_space<hbm>>
        tpu.enqueue_indirect_dma source(%dma_start3A_121 : memref<10240x128xf32, #tpu.memory_space<hbm>>) target(%arg12 : memref<160x128xf32, #tpu.memory_space<vmem>>) offsets(%arg9 : memref<160xi32, #tpu.memory_space<vmem>>) semaphore(%arg16 : memref<!tpu.dma_semaphore, #tpu.memory_space<semaphore_mem>>)
        %dma_wait3A = arith.constant 0 : i32
        %dma_wait3A_122 = arith.constant 0 : i32
        %dma_wait3A_123 = tpu.memref_slice %arg2[%arg0, %dma_wait3A, %dma_wait3A_122] : memref<2x10240x128xf32, #tpu.memory_space<hbm>> -> memref<1x10240x128xf32, #tpu.memory_space<hbm>>
        %dma_wait3A_124 = tpu.memref_squeeze %dma_wait3A_123 : memref<1x10240x128xf32, #tpu.memory_space<hbm>> -> memref<10240x128xf32, #tpu.memory_space<hbm>>
        %dma_wait3A_125 = arith.constant 0 : i32
        %dma_wait3A_126 = arith.constant 0 : i32
        %dma_wait3A_127 = tpu.memref_slice %dma_wait3A_124[%dma_wait3A_125, %dma_wait3A_126] : memref<10240x128xf32, #tpu.memory_space<hbm>> -> memref<10240x128xf32, #tpu.memory_space<hbm>>
        tpu.wait_indirect_dma semaphore(%arg15 : memref<!tpu.dma_semaphore, #tpu.memory_space<semaphore_mem>>) src(%dma_wait3A_127 : memref<10240x128xf32, #tpu.memory_space<hbm>>) dst(%arg11 : memref<160x128xf32, #tpu.memory_space<vmem>>)
        "tpu.region"() ({
          %run_scoped3A = tpu.sem_alloc : memref<!tpu.dma_semaphore, #tpu.memory_space<semaphore_mem>>
          %dma_start3A_128 = arith.constant 0 : i32
          %dma_start3A_129 = arith.constant 0 : i32
          %dma_start3A_130 = tpu.memref_slice %arg14[%dma_start3A_128, %dma_start3A_129] : memref<10240x128xf32, #tpu.memory_space<vmem_shared>> -> memref<10240x128xf32, #tpu.memory_space<vmem_shared>>
          tpu.enqueue_indirect_dma source(%arg11 : memref<160x128xf32, #tpu.memory_space<vmem>>) target(%dma_start3A_130 : memref<10240x128xf32, #tpu.memory_space<vmem_shared>>) offsets(%arg8 : memref<160xi32, #tpu.memory_space<vmem>>) semaphore(%run_scoped3A : memref<!tpu.dma_semaphore, #tpu.memory_space<semaphore_mem>>) {add = true}
          %dma_wait3A_131 = arith.constant 0 : i32
          %dma_wait3A_132 = arith.constant 0 : i32
          %dma_wait3A_133 = tpu.memref_slice %arg14[%dma_wait3A_131, %dma_wait3A_132] : memref<10240x128xf32, #tpu.memory_space<vmem_shared>> -> memref<10240x128xf32, #tpu.memory_space<vmem_shared>>
          tpu.wait_indirect_dma semaphore(%run_scoped3A : memref<!tpu.dma_semaphore, #tpu.memory_space<semaphore_mem>>) src(%arg11 : memref<160x128xf32, #tpu.memory_space<vmem>>) dst(%dma_wait3A_133 : memref<10240x128xf32, #tpu.memory_space<vmem_shared>>)
          tpu.yield
        }) : () -> ()
      } else {
      }
      %jit3A_89 = arith.constant 2 : i32
      %eq3A_90 = arith.constant 0 : i32
      %eq3A_91 = arith.cmpi eq, %jit3A_89, %eq3A_90 : i32
      %jit3A_92 = arith.constant 1 : i32
      %select_n3A_93 = arith.select %eq3A_91, %jit3A_92, %jit3A_89 : i32
      %rem3A_94 = arith.remsi %while3A_67, %select_n3A_93 : i32
      %ne3A_95 = arith.constant 0 : i32
      %ne3A_96 = arith.cmpi ne, %rem3A_94, %ne3A_95 : i32
      %lt3A_97 = arith.constant 0 : i32
      %lt3A_98 = arith.cmpi slt, %rem3A_94, %lt3A_97 : i32
      %lt3A_99 = arith.constant 0 : i32
      %lt3A_100 = arith.cmpi slt, %select_n3A_93, %lt3A_99 : i32
      %ne3A_101 = arith.xori %lt3A_98, %lt3A_100 : i1
      %and3A_102 = arith.andi %ne3A_101, %ne3A_96 : i1
      %add3A_103 = arith.addi %rem3A_94, %select_n3A_93 : i32
      %select_n3A_104 = arith.select %and3A_102, %add3A_103, %rem3A_94 : i32
      %eq3A_105 = arith.constant 1 : i32
      %eq3A_106 = arith.cmpi eq, %select_n3A_104, %eq3A_105 : i32
      %convert_element_type3A_107 = arith.extui %eq3A_106 : i1 to i32
      %cond3A_108 = arith.constant 0 : i32
      %cond3A_109 = arith.cmpi ne, %convert_element_type3A_107, %cond3A_108 : i32
      scf.if %cond3A_109 {
        %add3A_110 = arith.constant 1 : i32
        %add3A_111 = arith.addi %while3A_67, %add3A_110 : i32
        %add3A_112 = arith.addi %squeeze3A, %add3A_111 : i32
        %mul3A_113 = arith.constant 160 : i32
        %mul3A_114 = arith.muli %add3A_112, %mul3A_113 : i32
        "tpu.region"() ({
          %run_scoped3A = tpu.sem_alloc : memref<!tpu.dma_semaphore, #tpu.memory_space<semaphore_mem>>
          %dma_start3A_128 = tpu.memref_slice %arg3[%mul3A_114] : memref<320000xi32, #tpu.memory_space<hbm>> -> memref<160xi32, #tpu.memory_space<hbm>>
          %dma_start3A_129 = tpu.memref_slice %arg3[%mul3A_114] : memref<320000xi32, #tpu.memory_space<hbm>> -> memref<160xi32, #tpu.memory_space<hbm>>
          tpu.enqueue_dma source(%dma_start3A_129 : memref<160xi32, #tpu.memory_space<hbm>>) target(%arg7 : memref<160xi32, #tpu.memory_space<vmem>>) target_semaphore(%run_scoped3A : memref<!tpu.dma_semaphore, #tpu.memory_space<semaphore_mem>>)
          %dma_wait3A_130 = tpu.memref_slice %arg3[%mul3A_114] : memref<320000xi32, #tpu.memory_space<hbm>> -> memref<160xi32, #tpu.memory_space<hbm>>
          %dma_wait3A_131 = tpu.memref_slice %arg3[%mul3A_114] : memref<320000xi32, #tpu.memory_space<hbm>> -> memref<160xi32, #tpu.memory_space<hbm>>
          tpu.wait_dma2 semaphore(%run_scoped3A : memref<!tpu.dma_semaphore, #tpu.memory_space<semaphore_mem>>) src(%dma_wait3A_131 : memref<160xi32, #tpu.memory_space<hbm>>) dst(%arg7 : memref<160xi32, #tpu.memory_space<vmem>>)
          tpu.yield
        }) : () -> ()
        "tpu.region"() ({
          %run_scoped3A = tpu.sem_alloc : memref<!tpu.dma_semaphore, #tpu.memory_space<semaphore_mem>>
          %dma_start3A_128 = tpu.memref_slice %arg4[%mul3A_114] : memref<320000xi32, #tpu.memory_space<hbm>> -> memref<160xi32, #tpu.memory_space<hbm>>
          %dma_start3A_129 = tpu.memref_slice %arg4[%mul3A_114] : memref<320000xi32, #tpu.memory_space<hbm>> -> memref<160xi32, #tpu.memory_space<hbm>>
          tpu.enqueue_dma source(%dma_start3A_129 : memref<160xi32, #tpu.memory_space<hbm>>) target(%arg8 : memref<160xi32, #tpu.memory_space<vmem>>) target_semaphore(%run_scoped3A : memref<!tpu.dma_semaphore, #tpu.memory_space<semaphore_mem>>)
          %dma_wait3A_130 = tpu.memref_slice %arg4[%mul3A_114] : memref<320000xi32, #tpu.memory_space<hbm>> -> memref<160xi32, #tpu.memory_space<hbm>>
          %dma_wait3A_131 = tpu.memref_slice %arg4[%mul3A_114] : memref<320000xi32, #tpu.memory_space<hbm>> -> memref<160xi32, #tpu.memory_space<hbm>>
          tpu.wait_dma2 semaphore(%run_scoped3A : memref<!tpu.dma_semaphore, #tpu.memory_space<semaphore_mem>>) src(%dma_wait3A_131 : memref<160xi32, #tpu.memory_space<hbm>>) dst(%arg8 : memref<160xi32, #tpu.memory_space<vmem>>)
          tpu.yield
        }) : () -> ()
        %dma_start3A_115 = arith.constant 0 : i32
        %dma_start3A_116 = arith.constant 0 : i32
        %dma_start3A_117 = tpu.memref_slice %arg2[%arg0, %dma_start3A_115, %dma_start3A_116] : memref<2x10240x128xf32, #tpu.memory_space<hbm>> -> memref<1x10240x128xf32, #tpu.memory_space<hbm>>
        %dma_start3A_118 = tpu.memref_squeeze %dma_start3A_117 : memref<1x10240x128xf32, #tpu.memory_space<hbm>> -> memref<10240x128xf32, #tpu.memory_space<hbm>>
        %dma_start3A_119 = arith.constant 0 : i32
        %dma_start3A_120 = arith.constant 0 : i32
        %dma_start3A_121 = tpu.memref_slice %dma_start3A_118[%dma_start3A_119, %dma_start3A_120] : memref<10240x128xf32, #tpu.memory_space<hbm>> -> memref<10240x128xf32, #tpu.memory_space<hbm>>
        tpu.enqueue_indirect_dma source(%dma_start3A_121 : memref<10240x128xf32, #tpu.memory_space<hbm>>) target(%arg11 : memref<160x128xf32, #tpu.memory_space<vmem>>) offsets(%arg7 : memref<160xi32, #tpu.memory_space<vmem>>) semaphore(%arg15 : memref<!tpu.dma_semaphore, #tpu.memory_space<semaphore_mem>>)
        %dma_wait3A = arith.constant 0 : i32
        %dma_wait3A_122 = arith.constant 0 : i32
        %dma_wait3A_123 = tpu.memref_slice %arg2[%arg0, %dma_wait3A, %dma_wait3A_122] : memref<2x10240x128xf32, #tpu.memory_space<hbm>> -> memref<1x10240x128xf32, #tpu.memory_space<hbm>>
        %dma_wait3A_124 = tpu.memref_squeeze %dma_wait3A_123 : memref<1x10240x128xf32, #tpu.memory_space<hbm>> -> memref<10240x128xf32, #tpu.memory_space<hbm>>
        %dma_wait3A_125 = arith.constant 0 : i32
        %dma_wait3A_126 = arith.constant 0 : i32
        %dma_wait3A_127 = tpu.memref_slice %dma_wait3A_124[%dma_wait3A_125, %dma_wait3A_126] : memref<10240x128xf32, #tpu.memory_space<hbm>> -> memref<10240x128xf32, #tpu.memory_space<hbm>>
        tpu.wait_indirect_dma semaphore(%arg16 : memref<!tpu.dma_semaphore, #tpu.memory_space<semaphore_mem>>) src(%dma_wait3A_127 : memref<10240x128xf32, #tpu.memory_space<hbm>>) dst(%arg12 : memref<160x128xf32, #tpu.memory_space<vmem>>)
        "tpu.region"() ({
          %run_scoped3A = tpu.sem_alloc : memref<!tpu.dma_semaphore, #tpu.memory_space<semaphore_mem>>
          %dma_start3A_128 = arith.constant 0 : i32
          %dma_start3A_129 = arith.constant 0 : i32
          %dma_start3A_130 = tpu.memref_slice %arg14[%dma_start3A_128, %dma_start3A_129] : memref<10240x128xf32, #tpu.memory_space<vmem_shared>> -> memref<10240x128xf32, #tpu.memory_space<vmem_shared>>
          tpu.enqueue_indirect_dma source(%arg12 : memref<160x128xf32, #tpu.memory_space<vmem>>) target(%dma_start3A_130 : memref<10240x128xf32, #tpu.memory_space<vmem_shared>>) offsets(%arg10 : memref<160xi32, #tpu.memory_space<vmem>>) semaphore(%run_scoped3A : memref<!tpu.dma_semaphore, #tpu.memory_space<semaphore_mem>>) {add = true}
          %dma_wait3A_131 = arith.constant 0 : i32
          %dma_wait3A_132 = arith.constant 0 : i32
          %dma_wait3A_133 = tpu.memref_slice %arg14[%dma_wait3A_131, %dma_wait3A_132] : memref<10240x128xf32, #tpu.memory_space<vmem_shared>> -> memref<10240x128xf32, #tpu.memory_space<vmem_shared>>
          tpu.wait_indirect_dma semaphore(%run_scoped3A : memref<!tpu.dma_semaphore, #tpu.memory_space<semaphore_mem>>) src(%arg12 : memref<160x128xf32, #tpu.memory_space<vmem>>) dst(%dma_wait3A_133 : memref<10240x128xf32, #tpu.memory_space<vmem_shared>>)
          tpu.yield
        }) : () -> ()
      } else {
      }
    }
    %sub3A_29 = arith.constant 1 : i32
    %sub3A_30 = arith.subi %squeeze3A_8, %sub3A_29 : i32
    %jit3A = arith.constant 2 : i32
    %eq3A = arith.constant 0 : i32
    %eq3A_31 = arith.cmpi eq, %jit3A, %eq3A : i32
    %jit3A_32 = arith.constant 1 : i32
    %select_n3A = arith.select %eq3A_31, %jit3A_32, %jit3A : i32
    %rem3A = arith.remsi %sub3A_30, %select_n3A : i32
    %ne3A = arith.constant 0 : i32
    %ne3A_33 = arith.cmpi ne, %rem3A, %ne3A : i32
    %lt3A = arith.constant 0 : i32
    %lt3A_34 = arith.cmpi slt, %rem3A, %lt3A : i32
    %lt3A_35 = arith.constant 0 : i32
    %lt3A_36 = arith.cmpi slt, %select_n3A, %lt3A_35 : i32
    %ne3A_37 = arith.xori %lt3A_34, %lt3A_36 : i1
    %and3A = arith.andi %ne3A_37, %ne3A_33 : i1
    %add3A_38 = arith.addi %rem3A, %select_n3A : i32
    %select_n3A_39 = arith.select %and3A, %add3A_38, %rem3A : i32
    %eq3A_40 = arith.constant 0 : i32
    %eq3A_41 = arith.cmpi eq, %select_n3A_39, %eq3A_40 : i32
    %convert_element_type3A = arith.extui %eq3A_41 : i1 to i32
    %cond3A = arith.constant 0 : i32
    %cond3A_42 = arith.cmpi ne, %convert_element_type3A, %cond3A : i32
    scf.if %cond3A_42 {
      %dma_wait3A = arith.constant 0 : i32
      %dma_wait3A_67 = arith.constant 0 : i32
      %dma_wait3A_68 = tpu.memref_slice %arg2[%arg0, %dma_wait3A, %dma_wait3A_67] : memref<2x10240x128xf32, #tpu.memory_space<hbm>> -> memref<1x10240x128xf32, #tpu.memory_space<hbm>>
      %dma_wait3A_69 = tpu.memref_squeeze %dma_wait3A_68 : memref<1x10240x128xf32, #tpu.memory_space<hbm>> -> memref<10240x128xf32, #tpu.memory_space<hbm>>
      %dma_wait3A_70 = arith.constant 0 : i32
      %dma_wait3A_71 = arith.constant 0 : i32
      %dma_wait3A_72 = tpu.memref_slice %dma_wait3A_69[%dma_wait3A_70, %dma_wait3A_71] : memref<10240x128xf32, #tpu.memory_space<hbm>> -> memref<10240x128xf32, #tpu.memory_space<hbm>>
      tpu.wait_indirect_dma semaphore(%arg15 : memref<!tpu.dma_semaphore, #tpu.memory_space<semaphore_mem>>) src(%dma_wait3A_72 : memref<10240x128xf32, #tpu.memory_space<hbm>>) dst(%arg11 : memref<160x128xf32, #tpu.memory_space<vmem>>)
      "tpu.region"() ({
        %run_scoped3A = tpu.sem_alloc : memref<!tpu.dma_semaphore, #tpu.memory_space<semaphore_mem>>
        %dma_start3A_73 = arith.constant 0 : i32
        %dma_start3A_74 = arith.constant 0 : i32
        %dma_start3A_75 = tpu.memref_slice %arg14[%dma_start3A_73, %dma_start3A_74] : memref<10240x128xf32, #tpu.memory_space<vmem_shared>> -> memref<10240x128xf32, #tpu.memory_space<vmem_shared>>
        tpu.enqueue_indirect_dma source(%arg11 : memref<160x128xf32, #tpu.memory_space<vmem>>) target(%dma_start3A_75 : memref<10240x128xf32, #tpu.memory_space<vmem_shared>>) offsets(%arg8 : memref<160xi32, #tpu.memory_space<vmem>>) semaphore(%run_scoped3A : memref<!tpu.dma_semaphore, #tpu.memory_space<semaphore_mem>>) {add = true}
        %dma_wait3A_76 = arith.constant 0 : i32
        %dma_wait3A_77 = arith.constant 0 : i32
        %dma_wait3A_78 = tpu.memref_slice %arg14[%dma_wait3A_76, %dma_wait3A_77] : memref<10240x128xf32, #tpu.memory_space<vmem_shared>> -> memref<10240x128xf32, #tpu.memory_space<vmem_shared>>
        tpu.wait_indirect_dma semaphore(%run_scoped3A : memref<!tpu.dma_semaphore, #tpu.memory_space<semaphore_mem>>) src(%arg11 : memref<160x128xf32, #tpu.memory_space<vmem>>) dst(%dma_wait3A_78 : memref<10240x128xf32, #tpu.memory_space<vmem_shared>>)
        tpu.yield
      }) : () -> ()
    } else {
    }
    %sub3A_43 = arith.constant 1 : i32
    %sub3A_44 = arith.subi %squeeze3A_8, %sub3A_43 : i32
    %jit3A_45 = arith.constant 2 : i32
    %eq3A_46 = arith.constant 0 : i32
    %eq3A_47 = arith.cmpi eq, %jit3A_45, %eq3A_46 : i32
    %jit3A_48 = arith.constant 1 : i32
    %select_n3A_49 = arith.select %eq3A_47, %jit3A_48, %jit3A_45 : i32
    %rem3A_50 = arith.remsi %sub3A_44, %select_n3A_49 : i32
    %ne3A_51 = arith.constant 0 : i32
    %ne3A_52 = arith.cmpi ne, %rem3A_50, %ne3A_51 : i32
    %lt3A_53 = arith.constant 0 : i32
    %lt3A_54 = arith.cmpi slt, %rem3A_50, %lt3A_53 : i32
    %lt3A_55 = arith.constant 0 : i32
    %lt3A_56 = arith.cmpi slt, %select_n3A_49, %lt3A_55 : i32
    %ne3A_57 = arith.xori %lt3A_54, %lt3A_56 : i1
    %and3A_58 = arith.andi %ne3A_57, %ne3A_52 : i1
    %add3A_59 = arith.addi %rem3A_50, %select_n3A_49 : i32
    %select_n3A_60 = arith.select %and3A_58, %add3A_59, %rem3A_50 : i32
    %eq3A_61 = arith.constant 1 : i32
    %eq3A_62 = arith.cmpi eq, %select_n3A_60, %eq3A_61 : i32
    %convert_element_type3A_63 = arith.extui %eq3A_62 : i1 to i32
    %cond3A_64 = arith.constant 0 : i32
    %cond3A_65 = arith.cmpi ne, %convert_element_type3A_63, %cond3A_64 : i32
    scf.if %cond3A_65 {
      %dma_wait3A = arith.constant 0 : i32
      %dma_wait3A_67 = arith.constant 0 : i32
      %dma_wait3A_68 = tpu.memref_slice %arg2[%arg0, %dma_wait3A, %dma_wait3A_67] : memref<2x10240x128xf32, #tpu.memory_space<hbm>> -> memref<1x10240x128xf32, #tpu.memory_space<hbm>>
      %dma_wait3A_69 = tpu.memref_squeeze %dma_wait3A_68 : memref<1x10240x128xf32, #tpu.memory_space<hbm>> -> memref<10240x128xf32, #tpu.memory_space<hbm>>
      %dma_wait3A_70 = arith.constant 0 : i32
      %dma_wait3A_71 = arith.constant 0 : i32
      %dma_wait3A_72 = tpu.memref_slice %dma_wait3A_69[%dma_wait3A_70, %dma_wait3A_71] : memref<10240x128xf32, #tpu.memory_space<hbm>> -> memref<10240x128xf32, #tpu.memory_space<hbm>>
      tpu.wait_indirect_dma semaphore(%arg16 : memref<!tpu.dma_semaphore, #tpu.memory_space<semaphore_mem>>) src(%dma_wait3A_72 : memref<10240x128xf32, #tpu.memory_space<hbm>>) dst(%arg12 : memref<160x128xf32, #tpu.memory_space<vmem>>)
      "tpu.region"() ({
        %run_scoped3A = tpu.sem_alloc : memref<!tpu.dma_semaphore, #tpu.memory_space<semaphore_mem>>
        %dma_start3A_73 = arith.constant 0 : i32
        %dma_start3A_74 = arith.constant 0 : i32
        %dma_start3A_75 = tpu.memref_slice %arg14[%dma_start3A_73, %dma_start3A_74] : memref<10240x128xf32, #tpu.memory_space<vmem_shared>> -> memref<10240x128xf32, #tpu.memory_space<vmem_shared>>
        tpu.enqueue_indirect_dma source(%arg12 : memref<160x128xf32, #tpu.memory_space<vmem>>) target(%dma_start3A_75 : memref<10240x128xf32, #tpu.memory_space<vmem_shared>>) offsets(%arg10 : memref<160xi32, #tpu.memory_space<vmem>>) semaphore(%run_scoped3A : memref<!tpu.dma_semaphore, #tpu.memory_space<semaphore_mem>>) {add = true}
        %dma_wait3A_76 = arith.constant 0 : i32
        %dma_wait3A_77 = arith.constant 0 : i32
        %dma_wait3A_78 = tpu.memref_slice %arg14[%dma_wait3A_76, %dma_wait3A_77] : memref<10240x128xf32, #tpu.memory_space<vmem_shared>> -> memref<10240x128xf32, #tpu.memory_space<vmem_shared>>
        tpu.wait_indirect_dma semaphore(%run_scoped3A : memref<!tpu.dma_semaphore, #tpu.memory_space<semaphore_mem>>) src(%arg12 : memref<160x128xf32, #tpu.memory_space<vmem>>) dst(%dma_wait3A_78 : memref<10240x128xf32, #tpu.memory_space<vmem_shared>>)
        tpu.yield
      }) : () -> ()
    } else {
    }
    %barrier3A_66 = arith.constant 0 : index
    tpu.barrier barrier_id(%barrier3A_66)
    "tpu.region"() ({
      %run_scoped3A = tpu.sem_alloc : memref<!tpu.dma_semaphore, #tpu.memory_space<semaphore_mem>>
      %dma_start3A_67 = arith.constant 0 : i32
      %dma_start3A_68 = tpu.memref_slice %arg6[%arg0, %mul3A_2, %dma_start3A_67] : memref<2x10240x128xf32, #tpu.memory_space<hbm>> -> memref<1x640x128xf32, #tpu.memory_space<hbm>>
      %dma_start3A_69 = tpu.memref_squeeze %dma_start3A_68 : memref<1x640x128xf32, #tpu.memory_space<hbm>> -> memref<640x128xf32, #tpu.memory_space<hbm>>
      %dma_start3A_70 = arith.constant 0 : i32
      %dma_start3A_71 = tpu.memref_slice %arg14[%mul3A_2, %dma_start3A_70] : memref<10240x128xf32, #tpu.memory_space<vmem_shared>> -> memref<640x128xf32, #tpu.memory_space<vmem_shared>>
      tpu.enqueue_dma source(%dma_start3A_71 : memref<640x128xf32, #tpu.memory_space<vmem_shared>>) target(%dma_start3A_69 : memref<640x128xf32, #tpu.memory_space<hbm>>) target_semaphore(%run_scoped3A : memref<!tpu.dma_semaphore, #tpu.memory_space<semaphore_mem>>)
      %dma_wait3A = arith.constant 0 : i32
      %dma_wait3A_72 = tpu.memref_slice %arg6[%arg0, %mul3A_2, %dma_wait3A] : memref<2x10240x128xf32, #tpu.memory_space<hbm>> -> memref<1x640x128xf32, #tpu.memory_space<hbm>>
      %dma_wait3A_73 = tpu.memref_squeeze %dma_wait3A_72 : memref<1x640x128xf32, #tpu.memory_space<hbm>> -> memref<640x128xf32, #tpu.memory_space<hbm>>
      %dma_wait3A_74 = arith.constant 0 : i32
      %dma_wait3A_75 = tpu.memref_slice %arg14[%mul3A_2, %dma_wait3A_74] : memref<10240x128xf32, #tpu.memory_space<vmem_shared>> -> memref<640x128xf32, #tpu.memory_space<vmem_shared>>
      tpu.wait_dma2 semaphore(%run_scoped3A : memref<!tpu.dma_semaphore, #tpu.memory_space<semaphore_mem>>) src(%dma_wait3A_75 : memref<640x128xf32, #tpu.memory_space<vmem_shared>>) dst(%dma_wait3A_73 : memref<640x128xf32, #tpu.memory_space<hbm>>)
      tpu.yield
    }) : () -> ()
    return
  }
}

module attributes {stable_mosaic.version = 14 : i64} {
  func.func @_t1a_body(%arg0: i32, %arg1: memref<5000x128xf32, #tpu.memory_space<vmem>>, %arg2: memref<128x256xf32, #tpu.memory_space<vmem>>, %arg3: memref<2x5000x128xf32, #tpu.memory_space<vmem>>) attributes {dimension_semantics = [#tpu.dimension_semantics<arbitrary>], iteration_bounds = array<i64: 2>, scalar_prefetch = 0 : i64, scratch_operands = 0 : i64, tpu.core_type = #tpu.core_type<tc>, window_params = [{transform_indices = @transform_0, window_bounds = array<i64: 5000, 128>}, {pipeline_mode = #tpu.pipeline_mode<synchronous>, transform_indices = @transform_1, window_bounds = array<i64: 128, 256>}, {transform_indices = @transform_2, window_bounds = array<i64: 2, 5000, 128>}]} {
    %get3A = arith.constant 0 : index
    %get3A_0 = arith.constant 0 : index
    %get3A_1 = vector.load %arg1[%get3A, %get3A_0] : memref<5000x128xf32, #tpu.memory_space<vmem>>, vector<5000x128xf32>
    %get3A_2 = arith.constant 0 : index
    %get3A_3 = arith.constant 0 : index
    %get3A_4 = vector.load %arg2[%get3A_2, %get3A_3] : memref<128x256xf32, #tpu.memory_space<vmem>>, vector<128x256xf32>
    %dot_general3A = arith.constant dense<0.000000e+00> : vector<5000x256xf32>
    %dot_general3A_5 = tpu.matmul %get3A_1, %get3A_4, %dot_general3A {dimension_numbers = #tpu.dot_dimension_numbers<[1], [0], [0], [1], [0, 0, 1, 1], [], []>, transpose_lhs_hint = false} : vector<5000x128xf32>, vector<128x256xf32>, vector<5000x256xf32> -> vector<5000x256xf32>
    %slice3A = vector.extract_strided_slice %dot_general3A_5 {offsets = [0, 0], sizes = [5000, 128], strides = [1, 1]} : vector<5000x256xf32> to vector<5000x128xf32>
    %swap3A = arith.constant 0 : index
    %swap3A_6 = arith.constant 0 : index
    %swap3A_7 = arith.constant 0 : index
    %swap3A_8 = vector.load %arg3[%swap3A, %swap3A_6, %swap3A_7] : memref<2x5000x128xf32, #tpu.memory_space<vmem>>, vector<1x5000x128xf32>
    %swap3A_9 = vector.shape_cast %swap3A_8 : vector<1x5000x128xf32> to vector<5000x128xf32>
    %swap3A_10 = vector.shape_cast %slice3A : vector<5000x128xf32> to vector<1x5000x128xf32>
    tpu.vector_store %arg3[%swap3A, %swap3A_6, %swap3A_7], %swap3A_10 {strides = array<i32>} : memref<2x5000x128xf32, #tpu.memory_space<vmem>>, vector<1x5000x128xf32>,
    %slice3A_11 = vector.extract_strided_slice %dot_general3A_5 {offsets = [0, 128], sizes = [5000, 128], strides = [1, 1]} : vector<5000x256xf32> to vector<5000x128xf32>
    %swap3A_12 = arith.constant 1 : index
    %swap3A_13 = arith.constant 0 : index
    %swap3A_14 = arith.constant 0 : index
    %swap3A_15 = vector.load %arg3[%swap3A_12, %swap3A_13, %swap3A_14] : memref<2x5000x128xf32, #tpu.memory_space<vmem>>, vector<1x5000x128xf32>
    %swap3A_16 = vector.shape_cast %swap3A_15 : vector<1x5000x128xf32> to vector<5000x128xf32>
    %swap3A_17 = vector.shape_cast %slice3A_11 : vector<5000x128xf32> to vector<1x5000x128xf32>
    tpu.vector_store %arg3[%swap3A_12, %swap3A_13, %swap3A_14], %swap3A_17 {strides = array<i32>} : memref<2x5000x128xf32, #tpu.memory_space<vmem>>, vector<1x5000x128xf32>,
    return
  }
  func.func @transform_0(%arg0: i32) -> (i32, i32) {
    %c0_i32 = arith.constant 0 : i32
    %c0_i32_0 = arith.constant 0 : i32
    return %arg0, %c0_i32 : i32, i32
  }
  func.func @transform_1(%arg0: i32) -> (i32, i32) {
    %c0_i32 = arith.constant 0 : i32
    %c0_i32_0 = arith.constant 0 : i32
    %c0_i32_1 = arith.constant 0 : i32
    return %c0_i32, %c0_i32_0 : i32, i32
  }
  func.func @transform_2(%arg0: i32) -> (i32, i32, i32) {
    %c0_i32 = arith.constant 0 : i32
    %c0_i32_0 = arith.constant 0 : i32
    %c0_i32_1 = arith.constant 0 : i32
    return %c0_i32, %arg0, %c0_i32_0 : i32, i32, i32
  }
}

module attributes {stable_mosaic.version = 14 : i64} {
  func.func @_t1b_body(%arg0: i32, %arg1: memref<2x5000x128xf32, #tpu.memory_space<vmem>>, %arg2: memref<2x5000x128xf32, #tpu.memory_space<vmem>>, %arg3: memref<2x5000x128xf32, #tpu.memory_space<vmem>>, %arg4: memref<5000x1xf32, #tpu.memory_space<vmem>>) attributes {dimension_semantics = [#tpu.dimension_semantics<arbitrary>], iteration_bounds = array<i64: 2>, scalar_prefetch = 0 : i64, scratch_operands = 0 : i64, tpu.core_type = #tpu.core_type<tc>, window_params = [{transform_indices = @transform_0, window_bounds = array<i64: 2, 5000, 128>}, {transform_indices = @transform_1, window_bounds = array<i64: 2, 5000, 128>}, {transform_indices = @transform_2, window_bounds = array<i64: 2, 5000, 128>}, {transform_indices = @transform_3, window_bounds = array<i64: 5000, 1>}]} {
    %get3A = arith.constant 0 : index
    %get3A_0 = arith.constant 0 : index
    %get3A_1 = arith.constant 0 : index
    %get3A_2 = vector.load %arg2[%get3A, %get3A_0, %get3A_1] : memref<2x5000x128xf32, #tpu.memory_space<vmem>>, vector<1x5000x1xf32>
    %get3A_3 = vector.shape_cast %get3A_2 : vector<1x5000x1xf32> to vector<5000x1xf32>
    %get3A_4 = arith.constant 1 : index
    %get3A_5 = arith.constant 0 : index
    %get3A_6 = arith.constant 0 : index
    %get3A_7 = vector.load %arg2[%get3A_4, %get3A_5, %get3A_6] : memref<2x5000x128xf32, #tpu.memory_space<vmem>>, vector<1x5000x1xf32>
    %get3A_8 = vector.shape_cast %get3A_7 : vector<1x5000x1xf32> to vector<5000x1xf32>
    %add3A = arith.addf %get3A_3, %get3A_8 : vector<5000x1xf32>
    %sub3A = arith.constant 1.000000e+00 : f32
    %sub3A_9 = vector.broadcast %sub3A : f32 to vector<5000x1xf32>
    %sub3A_10 = arith.subf %add3A, %sub3A_9 : vector<5000x1xf32>
    %rsqrt3A = math.rsqrt %sub3A_10 : vector<5000x1xf32>
    %get3A_11 = arith.constant 0 : index
    %get3A_12 = arith.constant 0 : index
    %get3A_13 = arith.constant 0 : index
    %get3A_14 = vector.load %arg1[%get3A_11, %get3A_12, %get3A_13] : memref<2x5000x128xf32, #tpu.memory_space<vmem>>, vector<1x5000x128xf32>
    %get3A_15 = vector.shape_cast %get3A_14 : vector<1x5000x128xf32> to vector<5000x128xf32>
    %mul3A = vector.broadcast %rsqrt3A : vector<5000x1xf32> to vector<5000x128xf32>
    %mul3A_16 = arith.mulf %get3A_15, %mul3A : vector<5000x128xf32>
    %swap3A = arith.constant 0 : index
    %swap3A_17 = arith.constant 0 : index
    %swap3A_18 = arith.constant 0 : index
    %swap3A_19 = vector.load %arg3[%swap3A, %swap3A_17, %swap3A_18] : memref<2x5000x128xf32, #tpu.memory_space<vmem>>, vector<1x5000x128xf32>
    %swap3A_20 = vector.shape_cast %swap3A_19 : vector<1x5000x128xf32> to vector<5000x128xf32>
    %swap3A_21 = vector.shape_cast %mul3A_16 : vector<5000x128xf32> to vector<1x5000x128xf32>
    tpu.vector_store %arg3[%swap3A, %swap3A_17, %swap3A_18], %swap3A_21 {strides = array<i32>} : memref<2x5000x128xf32, #tpu.memory_space<vmem>>, vector<1x5000x128xf32>,
    %get3A_22 = arith.constant 1 : index
    %get3A_23 = arith.constant 0 : index
    %get3A_24 = arith.constant 0 : index
    %get3A_25 = vector.load %arg1[%get3A_22, %get3A_23, %get3A_24] : memref<2x5000x128xf32, #tpu.memory_space<vmem>>, vector<1x5000x128xf32>
    %get3A_26 = vector.shape_cast %get3A_25 : vector<1x5000x128xf32> to vector<5000x128xf32>
    %mul3A_27 = vector.broadcast %rsqrt3A : vector<5000x1xf32> to vector<5000x128xf32>
    %mul3A_28 = arith.mulf %get3A_26, %mul3A_27 : vector<5000x128xf32>
    %swap3A_29 = arith.constant 1 : index
    %swap3A_30 = arith.constant 0 : index
    %swap3A_31 = arith.constant 0 : index
    %swap3A_32 = vector.load %arg3[%swap3A_29, %swap3A_30, %swap3A_31] : memref<2x5000x128xf32, #tpu.memory_space<vmem>>, vector<1x5000x128xf32>
    %swap3A_33 = vector.shape_cast %swap3A_32 : vector<1x5000x128xf32> to vector<5000x128xf32>
    %swap3A_34 = vector.shape_cast %mul3A_28 : vector<5000x128xf32> to vector<1x5000x128xf32>
    tpu.vector_store %arg3[%swap3A_29, %swap3A_30, %swap3A_31], %swap3A_34 {strides = array<i32>} : memref<2x5000x128xf32, #tpu.memory_space<vmem>>, vector<1x5000x128xf32>,
    %swap3A_35 = arith.constant 0 : index
    %swap3A_36 = arith.constant 0 : index
    %swap3A_37 = vector.load %arg4[%swap3A_35, %swap3A_36] : memref<5000x1xf32, #tpu.memory_space<vmem>>, vector<5000x1xf32>
    tpu.vector_store %arg4[%swap3A_35, %swap3A_36], %rsqrt3A {strides = array<i32>} : memref<5000x1xf32, #tpu.memory_space<vmem>>, vector<5000x1xf32>,
    return
  }
  func.func @transform_0(%arg0: i32) -> (i32, i32, i32) {
    %c0_i32 = arith.constant 0 : i32
    %c0_i32_0 = arith.constant 0 : i32
    %c0_i32_1 = arith.constant 0 : i32
    return %c0_i32, %arg0, %c0_i32_0 : i32, i32, i32
  }
  func.func @transform_1(%arg0: i32) -> (i32, i32, i32) {
    %c0_i32 = arith.constant 0 : i32
    %c0_i32_0 = arith.constant 0 : i32
    %c0_i32_1 = arith.constant 0 : i32
    return %c0_i32, %arg0, %c0_i32_0 : i32, i32, i32
  }
  func.func @transform_2(%arg0: i32) -> (i32, i32, i32) {
    %c0_i32 = arith.constant 0 : i32
    %c0_i32_0 = arith.constant 0 : i32
    %c0_i32_1 = arith.constant 0 : i32
    return %c0_i32, %arg0, %c0_i32_0 : i32, i32, i32
  }
  func.func @transform_3(%arg0: i32) -> (i32, i32) {
    %c0_i32 = arith.constant 0 : i32
    %c0_i32_0 = arith.constant 0 : i32
    return %arg0, %c0_i32 : i32, i32
  }
}

module attributes {stable_mosaic.version = 14 : i64} {
  func.func @_t2_body(%arg0: i32, %arg1: memref<2x5000x128xf32, #tpu.memory_space<vmem>>, %arg2: memref<5000x1xf32, #tpu.memory_space<vmem>>, %arg3: memref<1x256xf32, #tpu.memory_space<vmem>>, %arg4: memref<256x256xf32, #tpu.memory_space<vmem>>, %arg5: memref<2x5000x128xf32, #tpu.memory_space<vmem>>) attributes {dimension_semantics = [#tpu.dimension_semantics<arbitrary>], iteration_bounds = array<i64: 2>, scalar_prefetch = 0 : i64, scratch_operands = 0 : i64, tpu.core_type = #tpu.core_type<tc>, window_params = [{transform_indices = @transform_0, window_bounds = array<i64: 2, 5000, 128>}, {transform_indices = @transform_1, window_bounds = array<i64: 5000, 1>}, {pipeline_mode = #tpu.pipeline_mode<synchronous>, transform_indices = @transform_2, window_bounds = array<i64: 1, 256>}, {pipeline_mode = #tpu.pipeline_mode<synchronous>, transform_indices = @transform_3, window_bounds = array<i64: 256, 256>}, {transform_indices = @transform_4, window_bounds = array<i64: 2, 5000, 128>}]} {
    %get3A = arith.constant 0 : index
    %get3A_0 = arith.constant 0 : index
    %get3A_1 = arith.constant 0 : index
    %get3A_2 = vector.load %arg1[%get3A, %get3A_0, %get3A_1] : memref<2x5000x128xf32, #tpu.memory_space<vmem>>, vector<1x5000x128xf32>
    %get3A_3 = vector.shape_cast %get3A_2 : vector<1x5000x128xf32> to vector<5000x128xf32>
    %get3A_4 = arith.constant 1 : index
    %get3A_5 = arith.constant 0 : index
    %get3A_6 = arith.constant 0 : index
    %get3A_7 = vector.load %arg1[%get3A_4, %get3A_5, %get3A_6] : memref<2x5000x128xf32, #tpu.memory_space<vmem>>, vector<1x5000x128xf32>
    %get3A_8 = vector.shape_cast %get3A_7 : vector<1x5000x128xf32> to vector<5000x128xf32>
    %concatenate3A = tpu.concatenate %get3A_3, %get3A_8 in 1 : vector<5000x128xf32>, vector<5000x128xf32> -> vector<5000x256xf32>
    %get3A_9 = arith.constant 0 : index
    %get3A_10 = arith.constant 0 : index
    %get3A_11 = vector.load %arg2[%get3A_9, %get3A_10] : memref<5000x1xf32, #tpu.memory_space<vmem>>, vector<5000x1xf32>
    %mul3A = vector.broadcast %get3A_11 : vector<5000x1xf32> to vector<5000x256xf32>
    %mul3A_12 = arith.mulf %concatenate3A, %mul3A : vector<5000x256xf32>
    %get3A_13 = arith.constant 0 : index
    %get3A_14 = arith.constant 0 : index
    %get3A_15 = vector.load %arg3[%get3A_13, %get3A_14] : memref<1x256xf32, #tpu.memory_space<vmem>>, vector<1x256xf32>
    %add3A = vector.broadcast %get3A_15 : vector<1x256xf32> to vector<5000x256xf32>
    %add3A_16 = arith.addf %mul3A_12, %add3A : vector<5000x256xf32>
    %max3A = arith.constant 0.000000e+00 : f32
    %max3A_17 = vector.broadcast %max3A : f32 to vector<5000x256xf32>
    %max3A_18 = arith.maximumf %add3A_16, %max3A_17 : vector<5000x256xf32>
    %get3A_19 = arith.constant 0 : index
    %get3A_20 = arith.constant 0 : index
    %get3A_21 = vector.load %arg4[%get3A_19, %get3A_20] : memref<256x256xf32, #tpu.memory_space<vmem>>, vector<256x256xf32>
    %dot_general3A = arith.constant dense<0.000000e+00> : vector<5000x256xf32>
    %dot_general3A_22 = tpu.matmul %max3A_18, %get3A_21, %dot_general3A {dimension_numbers = #tpu.dot_dimension_numbers<[1], [0], [0], [1], [0, 0, 1, 1], [], []>, transpose_lhs_hint = false} : vector<5000x256xf32>, vector<256x256xf32>, vector<5000x256xf32> -> vector<5000x256xf32>
    %mul3A_23 = vector.broadcast %get3A_11 : vector<5000x1xf32> to vector<5000x256xf32>
    %mul3A_24 = arith.mulf %dot_general3A_22, %mul3A_23 : vector<5000x256xf32>
    %slice3A = vector.extract_strided_slice %mul3A_24 {offsets = [0, 0], sizes = [5000, 128], strides = [1, 1]} : vector<5000x256xf32> to vector<5000x128xf32>
    %swap3A = arith.constant 0 : index
    %swap3A_25 = arith.constant 0 : index
    %swap3A_26 = arith.constant 0 : index
    %swap3A_27 = vector.load %arg5[%swap3A, %swap3A_25, %swap3A_26] : memref<2x5000x128xf32, #tpu.memory_space<vmem>>, vector<1x5000x128xf32>
    %swap3A_28 = vector.shape_cast %swap3A_27 : vector<1x5000x128xf32> to vector<5000x128xf32>
    %swap3A_29 = vector.shape_cast %slice3A : vector<5000x128xf32> to vector<1x5000x128xf32>
    tpu.vector_store %arg5[%swap3A, %swap3A_25, %swap3A_26], %swap3A_29 {strides = array<i32>} : memref<2x5000x128xf32, #tpu.memory_space<vmem>>, vector<1x5000x128xf32>,
    %slice3A_30 = vector.extract_strided_slice %mul3A_24 {offsets = [0, 128], sizes = [5000, 128], strides = [1, 1]} : vector<5000x256xf32> to vector<5000x128xf32>
    %swap3A_31 = arith.constant 1 : index
    %swap3A_32 = arith.constant 0 : index
    %swap3A_33 = arith.constant 0 : index
    %swap3A_34 = vector.load %arg5[%swap3A_31, %swap3A_32, %swap3A_33] : memref<2x5000x128xf32, #tpu.memory_space<vmem>>, vector<1x5000x128xf32>
    %swap3A_35 = vector.shape_cast %swap3A_34 : vector<1x5000x128xf32> to vector<5000x128xf32>
    %swap3A_36 = vector.shape_cast %slice3A_30 : vector<5000x128xf32> to vector<1x5000x128xf32>
    tpu.vector_store %arg5[%swap3A_31, %swap3A_32, %swap3A_33], %swap3A_36 {strides = array<i32>} : memref<2x5000x128xf32, #tpu.memory_space<vmem>>, vector<1x5000x128xf32>,
    return
  }
  func.func @transform_0(%arg0: i32) -> (i32, i32, i32) {
    %c0_i32 = arith.constant 0 : i32
    %c0_i32_0 = arith.constant 0 : i32
    %c0_i32_1 = arith.constant 0 : i32
    return %c0_i32, %arg0, %c0_i32_0 : i32, i32, i32
  }
  func.func @transform_1(%arg0: i32) -> (i32, i32) {
    %c0_i32 = arith.constant 0 : i32
    %c0_i32_0 = arith.constant 0 : i32
    return %arg0, %c0_i32 : i32, i32
  }
  func.func @transform_2(%arg0: i32) -> (i32, i32) {
    %c0_i32 = arith.constant 0 : i32
    %c0_i32_0 = arith.constant 0 : i32
    %c0_i32_1 = arith.constant 0 : i32
    return %c0_i32, %c0_i32_0 : i32, i32
  }
  func.func @transform_3(%arg0: i32) -> (i32, i32) {
    %c0_i32 = arith.constant 0 : i32
    %c0_i32_0 = arith.constant 0 : i32
    %c0_i32_1 = arith.constant 0 : i32
    return %c0_i32, %c0_i32_0 : i32, i32
  }
  func.func @transform_4(%arg0: i32) -> (i32, i32, i32) {
    %c0_i32 = arith.constant 0 : i32
    %c0_i32_0 = arith.constant 0 : i32
    %c0_i32_1 = arith.constant 0 : i32
    return %c0_i32, %arg0, %c0_i32_0 : i32, i32, i32
  }
}

module attributes {stable_mosaic.version = 14 : i64} {
  func.func @_t3_body(%arg0: i32, %arg1: memref<2x5000x128xf32, #tpu.memory_space<vmem>>, %arg2: memref<5000x1xf32, #tpu.memory_space<vmem>>, %arg3: memref<1x256xf32, #tpu.memory_space<vmem>>, %arg4: memref<16x1xf32, #tpu.memory_space<vmem>>, %arg5: memref<64x256xf32, #tpu.memory_space<vmem>>, %arg6: memref<1x256xf32, #tpu.memory_space<vmem>>, %arg7: memref<5000x1xi32, #tpu.memory_space<vmem>>, %arg8: memref<256x256xf32, #tpu.memory_space<vmem>>, %arg9: memref<1x256xf32, #tpu.memory_space<vmem>>, %arg10: memref<256x128xf32, #tpu.memory_space<vmem>>, %arg11: memref<1x128xf32, #tpu.memory_space<vmem>>, %arg12: memref<5000x128xf32, #tpu.memory_space<vmem>>) attributes {dimension_semantics = [#tpu.dimension_semantics<arbitrary>], iteration_bounds = array<i64: 2>, scalar_prefetch = 0 : i64, scratch_operands = 0 : i64, tpu.core_type = #tpu.core_type<tc>, window_params = [{transform_indices = @transform_0, window_bounds = array<i64: 2, 5000, 128>}, {transform_indices = @transform_1, window_bounds = array<i64: 5000, 1>}, {pipeline_mode = #tpu.pipeline_mode<synchronous>, transform_indices = @transform_2, window_bounds = array<i64: 1, 256>}, {pipeline_mode = #tpu.pipeline_mode<synchronous>, transform_indices = @transform_3, window_bounds = array<i64: 16, 1>}, {pipeline_mode = #tpu.pipeline_mode<synchronous>, transform_indices = @transform_4, window_bounds = array<i64: 64, 256>}, {pipeline_mode = #tpu.pipeline_mode<synchronous>, transform_indices = @transform_5, window_bounds = array<i64: 1, 256>}, {transform_indices = @transform_6, window_bounds = array<i64: 5000, 1>}, {pipeline_mode = #tpu.pipeline_mode<synchronous>, transform_indices = @transform_7, window_bounds = array<i64: 256, 256>}, {pipeline_mode = #tpu.pipeline_mode<synchronous>, transform_indices = @transform_8, window_bounds = array<i64: 1, 256>}, {pipeline_mode = #tpu.pipeline_mode<synchronous>, transform_indices = @transform_9, window_bounds = array<i64: 256, 128>}, {pipeline_mode = #tpu.pipeline_mode<synchronous>, transform_indices = @transform_10, window_bounds = array<i64: 1, 128>}, {transform_indices = @transform_11, window_bounds = array<i64: 5000, 128>}]} {
    %iota3A = tpu.iota {dimensions = array<i32: 1>} : vector<1x32xi32>
    %convert_element_type3A = arith.sitofp %iota3A : vector<1x32xi32> to vector<1x32xf32>
    %mul3A = arith.constant -0.287823141 : f32
    %mul3A_0 = vector.broadcast %mul3A : f32 to vector<1x32xf32>
    %mul3A_1 = arith.mulf %convert_element_type3A, %mul3A_0 : vector<1x32xf32>
    %exp3A = math.exp %mul3A_1 : vector<1x32xf32>
    %get3A = arith.constant 0 : index
    %get3A_2 = arith.constant 0 : index
    %get3A_3 = vector.load %arg4[%get3A, %get3A_2] : memref<16x1xf32, #tpu.memory_space<vmem>>, vector<16x1xf32>
    %mul3A_4 = vector.broadcast %get3A_3 : vector<16x1xf32> to vector<16x32xf32>
    %mul3A_5 = vector.broadcast %exp3A : vector<1x32xf32> to vector<16x32xf32>
    %mul3A_6 = arith.mulf %mul3A_4, %mul3A_5 : vector<16x32xf32>
    %sin3A = math.sin %mul3A_6 : vector<16x32xf32>
    %cos3A = math.cos %mul3A_6 : vector<16x32xf32>
    %concatenate3A = tpu.concatenate %sin3A, %cos3A in 1 : vector<16x32xf32>, vector<16x32xf32> -> vector<16x64xf32>
    %get3A_7 = arith.constant 0 : index
    %get3A_8 = arith.constant 0 : index
    %get3A_9 = vector.load %arg5[%get3A_7, %get3A_8] : memref<64x256xf32, #tpu.memory_space<vmem>>, vector<64x256xf32>
    %dot_general3A = arith.constant dense<0.000000e+00> : vector<16x256xf32>
    %dot_general3A_10 = tpu.matmul %concatenate3A, %get3A_9, %dot_general3A {dimension_numbers = #tpu.dot_dimension_numbers<[1], [0], [0], [1], [0, 0, 1, 1], [], []>, transpose_lhs_hint = false} : vector<16x64xf32>, vector<64x256xf32>, vector<16x256xf32> -> vector<16x256xf32>
    %get3A_11 = arith.constant 0 : index
    %get3A_12 = arith.constant 0 : index
    %get3A_13 = vector.load %arg6[%get3A_11, %get3A_12] : memref<1x256xf32, #tpu.memory_space<vmem>>, vector<1x256xf32>
    %add3A = vector.broadcast %get3A_13 : vector<1x256xf32> to vector<16x256xf32>
    %add3A_14 = arith.addf %dot_general3A_10, %add3A : vector<16x256xf32>
    %neg3A = arith.constant 0.000000e+00 : f32
    %neg3A_15 = vector.broadcast %neg3A : f32 to vector<16x256xf32>
    %neg3A_16 = arith.subf %neg3A_15, %add3A_14 : vector<16x256xf32>
    %exp3A_17 = math.exp %neg3A_16 : vector<16x256xf32>
    %add3A_18 = arith.constant 1.000000e+00 : f32
    %add3A_19 = vector.broadcast %add3A_18 : f32 to vector<16x256xf32>
    %add3A_20 = arith.addf %add3A_19, %exp3A_17 : vector<16x256xf32>
    %div3A = arith.constant 1.000000e+00 : f32
    %div3A_21 = vector.broadcast %div3A : f32 to vector<16x256xf32>
    %div3A_22 = arith.divf %div3A_21, %add3A_20 : vector<16x256xf32>
    %mul3A_23 = arith.mulf %add3A_14, %div3A_22 : vector<16x256xf32>
    %get3A_24 = arith.constant 0 : index
    %get3A_25 = arith.constant 0 : index
    %get3A_26 = arith.constant 0 : index
    %get3A_27 = vector.load %arg1[%get3A_24, %get3A_25, %get3A_26] : memref<2x5000x128xf32, #tpu.memory_space<vmem>>, vector<1x5000x128xf32>
    %get3A_28 = vector.shape_cast %get3A_27 : vector<1x5000x128xf32> to vector<5000x128xf32>
    %get3A_29 = arith.constant 1 : index
    %get3A_30 = arith.constant 0 : index
    %get3A_31 = arith.constant 0 : index
    %get3A_32 = vector.load %arg1[%get3A_29, %get3A_30, %get3A_31] : memref<2x5000x128xf32, #tpu.memory_space<vmem>>, vector<1x5000x128xf32>
    %get3A_33 = vector.shape_cast %get3A_32 : vector<1x5000x128xf32> to vector<5000x128xf32>
    %concatenate3A_34 = tpu.concatenate %get3A_28, %get3A_33 in 1 : vector<5000x128xf32>, vector<5000x128xf32> -> vector<5000x256xf32>
    %get3A_35 = arith.constant 0 : index
    %get3A_36 = arith.constant 0 : index
    %get3A_37 = vector.load %arg2[%get3A_35, %get3A_36] : memref<5000x1xf32, #tpu.memory_space<vmem>>, vector<5000x1xf32>
    %mul3A_38 = vector.broadcast %get3A_37 : vector<5000x1xf32> to vector<5000x256xf32>
    %mul3A_39 = arith.mulf %concatenate3A_34, %mul3A_38 : vector<5000x256xf32>
    %get3A_40 = arith.constant 0 : index
    %get3A_41 = arith.constant 0 : index
    %get3A_42 = vector.load %arg3[%get3A_40, %get3A_41] : memref<1x256xf32, #tpu.memory_space<vmem>>, vector<1x256xf32>
    %add3A_43 = vector.broadcast %get3A_42 : vector<1x256xf32> to vector<5000x256xf32>
    %add3A_44 = arith.addf %mul3A_39, %add3A_43 : vector<5000x256xf32>
    %max3A = arith.constant 0.000000e+00 : f32
    %max3A_45 = vector.broadcast %max3A : f32 to vector<5000x256xf32>
    %max3A_46 = arith.maximumf %add3A_44, %max3A_45 : vector<5000x256xf32>
    %iota3A_47 = tpu.iota {dimensions = array<i32: 1>} : vector<1x16xi32>
    %get3A_48 = arith.constant 0 : index
    %get3A_49 = arith.constant 0 : index
    %get3A_50 = vector.load %arg7[%get3A_48, %get3A_49] : memref<5000x1xi32, #tpu.memory_space<vmem>>, vector<5000x1xi32>
    %eq3A = vector.broadcast %get3A_50 : vector<5000x1xi32> to vector<5000x16xi32>
    %eq3A_51 = vector.broadcast %iota3A_47 : vector<1x16xi32> to vector<5000x16xi32>
    %eq3A_52 = arith.cmpi eq, %eq3A, %eq3A_51 : vector<5000x16xi32>
    %convert_element_type3A_53 = arith.extui %eq3A_52 : vector<5000x16xi1> to vector<5000x16xi32>
    %convert_element_type3A_54 = arith.sitofp %convert_element_type3A_53 : vector<5000x16xi32> to vector<5000x16xf32>
    %dot_general3A_55 = arith.constant dense<0.000000e+00> : vector<5000x256xf32>
    %dot_general3A_56 = tpu.matmul %convert_element_type3A_54, %mul3A_23, %dot_general3A_55 {dimension_numbers = #tpu.dot_dimension_numbers<[1], [0], [0], [1], [0, 0, 1, 1], [], []>, transpose_lhs_hint = false} : vector<5000x16xf32>, vector<16x256xf32>, vector<5000x256xf32> -> vector<5000x256xf32>
    %add3A_57 = arith.addf %max3A_46, %dot_general3A_56 : vector<5000x256xf32>
    %get3A_58 = arith.constant 0 : index
    %get3A_59 = arith.constant 0 : index
    %get3A_60 = vector.load %arg8[%get3A_58, %get3A_59] : memref<256x256xf32, #tpu.memory_space<vmem>>, vector<256x256xf32>
    %dot_general3A_61 = arith.constant dense<0.000000e+00> : vector<5000x256xf32>
    %dot_general3A_62 = tpu.matmul %add3A_57, %get3A_60, %dot_general3A_61 {dimension_numbers = #tpu.dot_dimension_numbers<[1], [0], [0], [1], [0, 0, 1, 1], [], []>, transpose_lhs_hint = false} : vector<5000x256xf32>, vector<256x256xf32>, vector<5000x256xf32> -> vector<5000x256xf32>
    %get3A_63 = arith.constant 0 : index
    %get3A_64 = arith.constant 0 : index
    %get3A_65 = vector.load %arg9[%get3A_63, %get3A_64] : memref<1x256xf32, #tpu.memory_space<vmem>>, vector<1x256xf32>
    %add3A_66 = vector.broadcast %get3A_65 : vector<1x256xf32> to vector<5000x256xf32>
    %add3A_67 = arith.addf %dot_general3A_62, %add3A_66 : vector<5000x256xf32>
    %neg3A_68 = arith.constant 0.000000e+00 : f32
    %neg3A_69 = vector.broadcast %neg3A_68 : f32 to vector<5000x256xf32>
    %neg3A_70 = arith.subf %neg3A_69, %add3A_67 : vector<5000x256xf32>
    %exp3A_71 = math.exp %neg3A_70 : vector<5000x256xf32>
    %add3A_72 = arith.constant 1.000000e+00 : f32
    %add3A_73 = vector.broadcast %add3A_72 : f32 to vector<5000x256xf32>
    %add3A_74 = arith.addf %add3A_73, %exp3A_71 : vector<5000x256xf32>
    %div3A_75 = arith.constant 1.000000e+00 : f32
    %div3A_76 = vector.broadcast %div3A_75 : f32 to vector<5000x256xf32>
    %div3A_77 = arith.divf %div3A_76, %add3A_74 : vector<5000x256xf32>
    %mul3A_78 = arith.mulf %add3A_67, %div3A_77 : vector<5000x256xf32>
    %get3A_79 = arith.constant 0 : index
    %get3A_80 = arith.constant 0 : index
    %get3A_81 = vector.load %arg10[%get3A_79, %get3A_80] : memref<256x128xf32, #tpu.memory_space<vmem>>, vector<256x128xf32>
    %dot_general3A_82 = arith.constant dense<0.000000e+00> : vector<5000x128xf32>
    %dot_general3A_83 = tpu.matmul %mul3A_78, %get3A_81, %dot_general3A_82 {dimension_numbers = #tpu.dot_dimension_numbers<[1], [0], [0], [1], [0, 0, 1, 1], [], []>, transpose_lhs_hint = false} : vector<5000x256xf32>, vector<256x128xf32>, vector<5000x128xf32> -> vector<5000x128xf32>
    %get3A_84 = arith.constant 0 : index
    %get3A_85 = arith.constant 0 : index
    %get3A_86 = vector.load %arg11[%get3A_84, %get3A_85] : memref<1x128xf32, #tpu.memory_space<vmem>>, vector<1x128xf32>
    %add3A_87 = vector.broadcast %get3A_86 : vector<1x128xf32> to vector<5000x128xf32>
    %add3A_88 = arith.addf %dot_general3A_83, %add3A_87 : vector<5000x128xf32>
    %swap3A = arith.constant 0 : index
    %swap3A_89 = arith.constant 0 : index
    %swap3A_90 = vector.load %arg12[%swap3A, %swap3A_89] : memref<5000x128xf32, #tpu.memory_space<vmem>>, vector<5000x128xf32>
    tpu.vector_store %arg12[%swap3A, %swap3A_89], %add3A_88 {strides = array<i32>} : memref<5000x128xf32, #tpu.memory_space<vmem>>, vector<5000x128xf32>,
    return
  }
  func.func @transform_0(%arg0: i32) -> (i32, i32, i32) {
    %c0_i32 = arith.constant 0 : i32
    %c0_i32_0 = arith.constant 0 : i32
    %c0_i32_1 = arith.constant 0 : i32
    return %c0_i32, %arg0, %c0_i32_0 : i32, i32, i32
  }
  func.func @transform_1(%arg0: i32) -> (i32, i32) {
    %c0_i32 = arith.constant 0 : i32
    %c0_i32_0 = arith.constant 0 : i32
    return %arg0, %c0_i32 : i32, i32
  }
  func.func @transform_2(%arg0: i32) -> (i32, i32) {
    %c0_i32 = arith.constant 0 : i32
    %c0_i32_0 = arith.constant 0 : i32
    %c0_i32_1 = arith.constant 0 : i32
    return %c0_i32, %c0_i32_0 : i32, i32
  }
  func.func @transform_3(%arg0: i32) -> (i32, i32) {
    %c0_i32 = arith.constant 0 : i32
    %c0_i32_0 = arith.constant 0 : i32
    %c0_i32_1 = arith.constant 0 : i32
    return %c0_i32, %c0_i32_0 : i32, i32
  }
  func.func @transform_4(%arg0: i32) -> (i32, i32) {
    %c0_i32 = arith.constant 0 : i32
    %c0_i32_0 = arith.constant 0 : i32
    %c0_i32_1 = arith.constant 0 : i32
    return %c0_i32, %c0_i32_0 : i32, i32
  }
  func.func @transform_5(%arg0: i32) -> (i32, i32) {
    %c0_i32 = arith.constant 0 : i32
    %c0_i32_0 = arith.constant 0 : i32
    %c0_i32_1 = arith.constant 0 : i32
    return %c0_i32, %c0_i32_0 : i32, i32
  }
  func.func @transform_6(%arg0: i32) -> (i32, i32) {
    %c0_i32 = arith.constant 0 : i32
    %c0_i32_0 = arith.constant 0 : i32
    return %arg0, %c0_i32 : i32, i32
  }
  func.func @transform_7(%arg0: i32) -> (i32, i32) {
    %c0_i32 = arith.constant 0 : i32
    %c0_i32_0 = arith.constant 0 : i32
    %c0_i32_1 = arith.constant 0 : i32
    return %c0_i32, %c0_i32_0 : i32, i32
  }
  func.func @transform_8(%arg0: i32) -> (i32, i32) {
    %c0_i32 = arith.constant 0 : i32
    %c0_i32_0 = arith.constant 0 : i32
    %c0_i32_1 = arith.constant 0 : i32
    return %c0_i32, %c0_i32_0 : i32, i32
  }
  func.func @transform_9(%arg0: i32) -> (i32, i32) {
    %c0_i32 = arith.constant 0 : i32
    %c0_i32_0 = arith.constant 0 : i32
    %c0_i32_1 = arith.constant 0 : i32
    return %c0_i32, %c0_i32_0 : i32, i32
  }
  func.func @transform_10(%arg0: i32) -> (i32, i32) {
    %c0_i32 = arith.constant 0 : i32
    %c0_i32_0 = arith.constant 0 : i32
    %c0_i32_1 = arith.constant 0 : i32
    return %c0_i32, %c0_i32_0 : i32, i32
  }
  func.func @transform_11(%arg0: i32) -> (i32, i32) {
    %c0_i32 = arith.constant 0 : i32
    %c0_i32_0 = arith.constant 0 : i32
    return %arg0, %c0_i32 : i32, i32
  }
}

</mosaic_0001>

<sc_bundles>
// kernel: kernel.12.cloned.1.call-start
scs
__scs_entry_jumppad:
0x0: {  	(pc) =	sbr.rel $0x88, $3  }
0x1: {  	(tag) =	ssettag $0x0;
	lr =	simm.s32 $0x1  }
0x2: {  	[smem:$0x3F93] =	sst lr;
	_ =	strace $0xD0000000  }
0x3: {  	_ = 	snop  }
0x4: {  	_ = 	snop  }
0x5: {  	_ = 	snop  }
0x6: {  	_ = 	snop  }
0x7: {  	_ = 	snop  }
__scs_overlays_trampoline_lowered:
0x8: {  	[smem:$0x3FA2] =	sst s0  }
0x9: {  	[smem:$0x3FA3] =	sst s1  }
0xa: {  	[smem:$0x3FA4] =	sst s2  }
0xb: {  	[smem:$0x3FA5] =	sst s3  }
0xc: {  	[smem:$0x3FA6] =	sst s4  }
0xd: {  	[smem:$0x3FA7] =	sst s5  }
0xe: {  	[smem:$0x3FA8] =	sst s6  }
0xf: {  	[smem:$0x3FA9] =	sst s7  }
0x10: {  	[smem:$0x3FAA] =	sst s8  }
0x11: {  	[smem:$0x3FAB] =	sst s9;
	s0 =	simm.s32 @!p0 $0x0  }
0x12: {  	s1 =	sld [smem:$0x3F91];
	s0 =	simm.s32 @p0 $0x1  }
0x13: {  	[smem:$0x3FAC] =	sst s0;
	s0 =	simm.s32 @!p1 $0x0  }
0x14: {  	s2 =	sld [smem:$0x3F90];
	s0 =	simm.s32 @p1 $0x1  }
0x15: {  	[smem:$0x3FAD] =	sst s0;
	s0 =	simm.s32 @!p2 $0x0  }
0x16: {  	s3 =	sld [smem:$0x3FDB];
	s0 =	simm.s32 @p2 $0x1  }
0x17: {  	s4 =	simm.s32 $0x1BF5;
	[smem:$0x3FAF] =	sst s0  }
0x18: {  	s0 =	sld [smem:$0x3F92];
	_ =	swait.ge [sflag:s4], $0x0  }
0x19: {  	s7 =	sld [smem:$0x3F93]  }
0x1a: {  	s8 =	sadd.s32 $0xFFFFE003, lr  }
0x1b: {  	s9 =	sadd.s32 $0xFFFFFEF7, lr;
	s5 =	simm.s32 $0xFFFFFFFF;
	p2 =	slt.u32 s8, $0xFFFFF086  }
0x1c: {  	p1 =	slt.u32 s9, $0xF7A;
	s5 =	simm.s32 @!p2 $0x0  }
0x1d: {  	s5 =	simm.s32 @p1 $0x1;
	p0 =	seq.s32 s7, s2  }
0x1e: {  	s7 =	smul.u32 @!p0 $0xF7A, s2;
	p2 =	seq.s32 @!p0 s5, $0x0  }
0x1f: {  	s9 =	smul.u32 $0xF7A, s1;
	s8 =	simm.s32 @!p0 $0x1BF5;
	p2 =	por !p2, p0  }
0x20: {  	[sflag:s8] =	ssyncset.s32 @!p0 $0xFFFFF086;
	s6 =	sadd.s32 @!p0 s3, s7;
	s7 =	simm.s32 @!p0 $0x108  }
0x21: {  	s3 =	sadd.s32 s3, s9;
	s6 =	sadd.s32 @!p0 $0x88, s6;
	s7 =	simm.s32 @p2 $0x1082  }
0x22: {  	[simem:s7], [sflag:s8] =	dma.local @!p0 [hbm:s6], $0xF7A  }
0x23: {  	s9 =	sor.u32 $0xD0000000, s2;
	s6 =	simm.s32 $0x108;
	_ =	swait.ge @!p0 [sflag:s8], $0x0  }
0x24: {  	s3 =	sadd.s32 $0x88, s3;
	s6 =	simm.s32 @!p1 $0x1082;
	[sflag:s4] =	ssyncset.s32 $0xFFFFF086  }
0x25: {  	[simem:s6], [sflag:s4] =	dma.local [hbm:s3], $0xF7A  }
0x26: {  	[smem:$0x3F93] =	sst s1;
	(tag) =	ssettag s2;
	_ =	strace s9  }
0x27: {  	s1 =	sld [smem:$0x3FA3]  }
0x28: {  	s2 =	sld [smem:$0x3FA4]  }
0x29: {  	s4 =	sld [smem:$0x3FA6]  }
0x2a: {  	p0 =	seq.s32 s5, $0x0;
	s5 =	sld [smem:$0x3FA7]  }
0x2b: {  	s6 =	sld [smem:$0x3FA8]  }
0x2c: {  	s7 =	sld [smem:$0x3FA9]  }
0x2d: {  	s3 =	simm.s32 $0x108;
	s8 =	sld [smem:$0x3FAA]  }
0x2e: {  	s3 =	simm.s32 @!p0 $0x1082;
	s9 =	sld [smem:$0x3FAB]  }
0x2f: {  	lr =	sadd.s32 s0, s3;
	s0 =	sld [smem:$0x3FA2]  }
0x30: {  	s3 =	sld [smem:$0x3FA5]  }
0x31: {  	[smem:$0x3FAE] =	sst s10  }
0x32: {  	s10 =	sld [smem:$0x3FAC];
	_ =	sdelay $0x3  }
0x33: {  	p0 =	seq.s32 s10, $0x1;
	s10 =	sld [smem:$0x3FAE];
	_ =	sdelay $0x3  }
0x34: {  	[smem:$0x3FAE] =	sst s10  }
0x35: {  	s10 =	sld [smem:$0x3FAD];
	_ =	sdelay $0x3  }
0x36: {  	p1 =	seq.s32 s10, $0x1;
	s10 =	sld [smem:$0x3FAE];
	_ =	sdelay $0x3  }
0x37: {  	[smem:$0x3FAE] =	sst s10  }
0x38: {  	s10 =	sld [smem:$0x3FAF]  }
0x39: {  	_ = 	snop;
	(pc) =	sbr.ind lr, $3  }
0x3a: {  	_ = 	snop  }
0x3b: {  	_ = 	snop  }
0x3c: {  	p2 =	seq.s32 s10, $0x1;
	s10 =	sld [smem:$0x3FAE]  }
0x3d: {  	_ =	shalt  }
0x3e: {  	_ =	shalt  }
0x3f: {  	_ =	shalt  }
0x40: {  	_ =	shalt  }
0x41: {  	_ =	shalt  }
0x42: {  	_ =	shalt  }
0x43: {  	_ =	shalt  }
0x44: {  	_ =	shalt  }
0x45: {  	_ =	shalt  }
0x46: {  	_ =	shalt  }
0x47: {  	_ =	shalt  }
0x48: {  	_ =	shalt  }
0x49: {  	_ =	shalt  }
0x4a: {  	_ =	shalt  }
0x4b: {  	_ =	shalt  }
0x4c: {  	_ =	shalt  }
0x4d: {  	_ =	shalt  }
0x4e: {  	_ =	shalt  }
0x4f: {  	_ =	shalt  }
0x50: {  	_ =	shalt  }
0x51: {  	_ =	shalt  }
0x52: {  	_ =	shalt  }
0x53: {  	_ =	shalt  }
0x54: {  	_ =	shalt  }
0x55: {  	_ =	shalt  }
0x56: {  	_ =	shalt  }
0x57: {  	_ =	shalt  }
0x58: {  	_ =	shalt  }
0x59: {  	_ =	shalt  }
0x5a: {  	_ =	shalt  }
0x5b: {  	_ =	shalt  }
0x5c: {  	_ =	shalt  }
0x5d: {  	_ =	shalt  }
0x5e: {  	_ =	shalt  }
0x5f: {  	_ =	shalt  }
0x60: {  	_ =	shalt  }
0x61: {  	_ =	shalt  }
0x62: {  	_ =	shalt  }
0x63: {  	_ =	shalt  }
0x64: {  	_ =	shalt  }
0x65: {  	_ =	shalt  }
0x66: {  	_ =	shalt  }
0x67: {  	_ =	shalt  }
0x68: {  	_ =	shalt  }
0x69: {  	_ =	shalt  }
0x6a: {  	_ =	shalt  }
0x6b: {  	_ =	shalt  }
0x6c: {  	_ =	shalt  }
0x6d: {  	_ =	shalt  }
0x6e: {  	_ =	shalt  }
0x6f: {  	_ =	shalt  }
0x70: {  	_ =	shalt  }
0x71: {  	_ =	shalt  }
0x72: {  	_ =	shalt  }
0x73: {  	_ =	shalt  }
0x74: {  	_ =	shalt  }
0x75: {  	_ =	shalt  }
0x76: {  	_ =	shalt  }
0x77: {  	_ =	shalt  }
0x78: {  	_ =	shalt  }
0x79: {  	_ =	shalt  }
0x7a: {  	_ =	shalt  }
0x7b: {  	_ =	shalt  }
0x7c: {  	_ =	shalt  }
0x7d: {  	_ =	shalt  }
0x7e: {  	_ =	shalt  }
0x7f: {  	_ =	shalt  }
0x80: {  	_ =	shalt  }
0x81: {  	_ =	shalt  }
0x82: {  	_ =	shalt  }
0x83: {  	_ =	shalt  }
0x84: {  	_ =	shalt  }
0x85: {  	_ =	shalt  }
0x86: {  	_ =	shalt  }
0x87: {  	_ =	shalt  }
.Lfunc_end0:
.L_simem_size_0:
called_computation.1_lowered:
.L_overlay_start_0:
0x88: {  	s2 =	sld [smem:$0x3FD9]  }
0x89: {  	s3 =	sld [smem:$0x3FFE];
	_ =	sdelay $0x1  }
0x8a: {  	s1 =	srdreg.scid  }
0x8b: {  	s0 =	sand.u32 $0x1, s1  }
0x8c: {  	s17 =	sshll.u32 s0, $0xA;
	s2 =	sadd.s32 s3, s2  }
0x8d: {  	s2 =	sadd.s32 s2, s17  }
0x8e: {  	[smem:$0x3FBA] =	sst s2  }
0x8f: {  	_ = 	snop  }
0x90: {  	s2 =	sld [smem:$0x3FD0];
	(tm) =	ssettm $0x1  }
0x91: {  	s18 =	sld [smem:$0x3FFB];
	_ =	sdelay $0x3  }
0x92: {  	_ =	strace s18  }
0x93: {  	s3 =	sld [smem:$0x3FFC];
	_ =	sdelay $0x3  }
0x94: {  	_ =	strace s3  }
0x95: {  	s3 =	sld [smem:$0x3FFD];
	_ =	sdelay $0x3  }
0x96: {  	_ =	strace s3  }
0x97: {  	_ =	strace $0x8FFFFFFF  }
0x98: {  	s19 =	sld [smem:$0x3FDB];
	_ =	sdelay $0x1  }
0x99: {  	s4 =	simm.s32 $_scs_section_size  }
0x9a: {  	s5 =	simm.s32 $_size__tile_overlayer_lowered;
	s6 =	simm.s32 $_tile_overlayer_lowered  }
0x9b: {  	s22 =	simm.s32 $0x1BFF;
	s21 =	sshll.u32 s6, $0x1;
	s3 =	sadd.s32 s4, s19  }
0x9c: {  	s7 =	simm.s32 $0x0;
	s20 =	sshll.u32 s5, $0x1;
	s5 =	sadd.s32 s21, s3  }
0x9d: {  	[timem:s7], [sflag:s22] =	dma.local [hbm:s5], s20  }
0x9e: {  	_ =	swait.ge [sflag:s22], s20  }
0x9f: {  	s4 =	ssub.s32 $0x0, s20;
	[sflag:s22] =	ssyncset.done $0x0  }
0xa0: {  	[sflag:s22] =	ssyncadd.s32 s4;
	_ =	sdelay $0x1  }
0xa1: {  	s23 =	simm.s32 $0x1B8B  }
0xa2: {  	_ =	swait.ge [sflag:s23], $0x1  }
0xa3: {  	[sflag:s23] =	ssyncset.done $0x0  }
0xa4: {  	s25 =	simm.s32 $0x1B8E;
	s24 =	sld [smem:$0x3FFE];
	[sflag:s23] =	ssyncadd.s32 $0xFFFFFFFF  }
0xa5: {  	s26 =	simm.s32 $execute0_lowered;
	[smem:$0x3FD2] =	sst s25  }
0xa6: {  	s5 =	sshll.u32 s26, $0x1;
	_ =	strace $0x80000049;
	[dreg:$0x1] =	wrdreg $0xFFFFFFFF  }
0xa7: {  	s28 =	simm.s32 $_size_execute0_lowered;
	s3 =	sadd.s32 s3, s5;
	[dreg:$0x0] =	wrdreg $0x0  }
0xa8: {  	s5 =	sshll.u32 s28, $0x1;
	[dreg:$0x2] =	wrdreg s3  }
0xa9: {  	[dreg:$0x3] =	wrdreg s5  }
0xaa: {  	[dreg:$0x4] =	wrdreg $0xC0  }
0xab: {  	_ =	task [dreg:s7], $0x5FFFF  }
0xac: {  	[dreg:$0x1] =	wrdreg $0xFFFFFFFF  }
0xad: {  	[dreg:$0x0] =	wrdreg $0x60  }
0xae: {  	[dreg:$0x2] =	wrdreg s24  }
0xaf: {  	[dreg:$0x3] =	wrdreg s2  }
0xb0: {  	[dreg:$0x4] =	wrdreg $0xA4800  }
0xb1: {  	[dreg:$0x5] =	wrdreg $0x9  }
0xb2: {  	_ =	task.clear_ibuf [dreg:s7], $0x6FFFF;
	_ =	strace $0x90000049  }
0xb3: {  	s29 =	simm.s32 $0x9;
	_ =	strace $0x8000004B  }
0xb4: {  	_ =	swait.ge [sflag:s29], $0x1  }
0xb5: {  	[sflag:s29] =	ssyncadd.s32 $0xFFFFFFFF  }
0xb6: {  	_ =	strace $0x9000004B  }
0xb7: {  	_ =	sfence  }
0xb8: {  	s30 =	sld [smem:$0x0];
	_ =	sdelay $0x2  }
0xb9: {  	s31 =	sshll.u32 s1, $0xD;
	s1 =	sshrl.u32 s1, $0x2  }
0xba: {  	s3 =	sand.u32 $0x4000, s31;
	s1 =	sadd.s32 s1, s30  }
0xbb: {  	s0 =	sor.u32 s3, s0;
	s1 =	sshll.u32 s1, $0x11  }
0xbc: {  	s0 =	sor.u32 s1, s0  }
0xbd: {  	s0 =	sadd.s32 $0x8F2B, s0  }
0xbe: {  	[sflag:s0] =	ssyncadd.remote.s32 $0x1  }
0xbf: {  	_ =	sfence.sel $0xFFFF  }
0xc0: {  	[dreg:$0x0] =	wrdreg $0xFFFFFFFF;
	(pc) =	sbr.abs _section_cstart, $3  }
0xc1: {  	[dreg:$0x1] =	wrdreg $0xFFFFFFFF  }
0xc2: {  	_ =	task.clear_ibuf [dreg:s7], $0x2FFFF;
	_ =	strace $0x9FFFFFFF  }
0xc3: {  	(tm) =	ssettm $0x7FFFFFFF  }
tec
execute0_lowered:
.L_overlay_start_1:
0x0: {  	(tag) =	ssettag $0x1  }
0x1: {  	s6 =	rddreg [dreg:$0x0]  }
0x2: {  	s7 =	rddreg [dreg:$0x1]  }
0x3: {  	s1 =	rddreg [dreg:$0x2]  }
0x4: {  	s0 =	rddreg [dreg:$0x3]  }
0x5: {  	s3 =	simm.s32 $0x0;
	s2 =	srdreg.scid;
	s16 =	simm.s32 $0xA0  }
0x6: {  	s17 =	simm.s32 $0x400;
	[smem:$0x7FF] =	sst s3;
	s8 =	sand.u32 $0x1, s2  }
0x7: {  	s18 =	simm.s32 $0x0;
	s2 =	stileid.u32;
	s9 =	smul.u32 $0x140000, s8  }
0x8: {  	s11 =	sadd.s32 $0x17000, s6;
	s4 =	sadd.s32 $0x3400, s6;
	s10 =	smul.u32 $0x14000, s2  }
0x9: {  	s5 =	sadd.s32 $0xD200, s6;
	_ =	strace $0x8000004A;
	s12 =	smul.u32 $0x50000, s2  }
0xa: {  	s13 =	ssub.s32 $0x2, s8;
	s30 =	sshll.u32 s2, $0x6;
	s31 =	sshll.u32 s2, $0x1  }
0xb: {  	s8 =	sshll.u32 s8, $0x5;
	s14 =	sshrl.u32 s13, $0x1;
	s10 =	sadd.s32 s10, s9  }
0xc: {  	s12 =	sshrl.u32 s12, $0x2;
	s13 =	ssub.s32 s13, s14;
	s14 =	sadd.s32 s7, s31  }
.Ltmp0:
0xd: {  	s9 =	sshrl.u32 s9, $0x3;
	s7 =	sor.u32 $0x1C03, s30;
	(pc) =	sbr.rel .LBB2_1-.Ltmp0, $4  }
0xe: {  	s10 =	sshrl.u32 s10, $0x3;
	s12 =	sadd.s32 s12, s1;
	s8 =	sadd.s32 s8, s14  }
0xf: {  	s9 =	sadd.s32 s11, s9;
	s14 =	simm.s32 $0xA400;
	s15 =	sadd.s32 s10, s6  }
0x10: {  	s6 =	sadd.s32 s11, s10;
	s11 =	smax.u32 s13, $0x1;
	s12 =	sshrl.u32 s12, $0x3  }
0x11: {  	s13 =	simm.s32 $0x3;
	s10 =	sadd.s32 $0x67200, s15;
	s15 =	simm.s32 $0x100  }
.LBB2_3:
0x12: {  	_ = 	snop  }
.LBB2_6:
0x13: {  	s20 =	simm.s32 @p0 $0x0;
	[sflag:s22] =	ssyncset.done @p1 $0x0  }
0x14: {  	s21 =	simm.s32 @p0 $0x4;
	s23 =	sadd.s32 s4, s24;
	[sflag:s22] =	ssyncadd.s32 @p1 $0xFFFFB000  }
0x15: {  	[tilespmem:s20], [sflag:$0x4] =	stream.linear.gather @p0 [hbm4b:s23+s20], $0xA0, $0x38;
	[tilespmem:$0x1E480] =	vst v63  }
0x16: {  	_ =	swait.ge @p0 [sflag:s21], $0xA0  }
0x17: {  	[sflag:s21] =	ssyncset.done @p0 $0x0  }
0x18: {  	s22 =	sadd.s32 s5, s24;
	s24 =	simm.s32 @p0 $0x100;
	[sflag:s21] =	ssyncadd.s32 @p0 $0xFFFFFF60  }
0x19: {  	[tilespmem:s24], [sflag:$0x4] =	stream.linear.gather @p0 [hbm4b:s22+s20], $0xA0, $0x38;
	[tilespmem:$0x1E480] =	vst v63  }
0x1a: {  	_ =	swait.ge @p0 [sflag:s21], $0xA0  }
0x1b: {  	s25 =	simm.s32 @p0 $0xA0;
	[sflag:s21] =	ssyncset.done @p0 $0x0  }
0x1c: {  	s26 =	simm.s32 @p0 $0x400;
	s24 =	simm.s32 @p0 $0x2;
	[sflag:s21] =	ssyncadd.s32 @p0 $0xFFFFFF60  }
0x1d: {  	[tilespmem:s26], [sflag:$0x1] =	stream.indirect.gather @p0 [hbm4b:s9+s25], $0x80, s20, s25, $0xb8;
	[tilespmem:$0x1E480] =	vst v63  }
0x1e: {  	_ =	swait.ge @p0 [sflag:s24], $0x5000  }
0x1f: {  	[sflag:s24] =	ssyncset.done @p0 $0x0  }
0x20: {  	s21 =	simm.s32 @p0 $0x5400;
	s20 =	simm.s32 @p0 $0x300;
	[sflag:s24] =	ssyncadd.s32 @p0 $0xFFFFB000  }
0x21: {  	[spmem:s1] =	stream.indirect.scatter.add.f32 @p0 [tilespmem:s21], [sflag:$0x3], $0x80, s20, s25, $0xb8;
	[tilespmem:$0x1E480] =	vst v63  }
0x22: {  	s24 =	simm.s32 @!p0 $0x4;
	s20 =	simm.s32 @!p0 $0x0;
	s21 =	simm.s32 @!p0 $0x200  }
0x23: {  	[tilespmem:s21], [sflag:$0x4] =	stream.linear.gather @!p0 [hbm4b:s23+s20], $0xA0, $0x38;
	[tilespmem:$0x1E480] =	vst v63  }
0x24: {  	_ =	swait.ge @!p0 [sflag:s24], $0xA0  }
0x25: {  	[sflag:s24] =	ssyncset.done @!p0 $0x0  }
0x26: {  	s23 =	simm.s32 @!p0 $0x300;
	[sflag:s24] =	ssyncadd.s32 @!p0 $0xFFFFFF60  }
0x27: {  	[tilespmem:s23], [sflag:$0x4] =	stream.linear.gather @!p0 [hbm4b:s22+s20], $0xA0, $0x38;
	[tilespmem:$0x1E480] =	vst v63  }
0x28: {  	_ =	swait.ge @!p0 [sflag:s24], $0xA0  }
0x29: {  	s20 =	simm.s32 @!p0 $0x1;
	[sflag:s24] =	ssyncset.done @!p0 $0x0  }
0x2a: {  	s22 =	simm.s32 @!p0 $0xA0;
	s23 =	simm.s32 @!p0 $0x5400;
	[sflag:s24] =	ssyncadd.s32 @!p0 $0xFFFFFF60  }
0x2b: {  	[tilespmem:s23], [sflag:$0x2] =	stream.indirect.gather @!p0 [hbm4b:s9+s22], $0x80, s21, s22, $0xb8;
	[tilespmem:$0x1E480] =	vst v63  }
0x2c: {  	_ =	swait.ge @!p0 [sflag:s20], $0x5000  }
0x2d: {  	s24 =	simm.s32 @p0 $0x3;
	[sflag:s20] =	ssyncset.done @!p0 $0x0  }
0x2e: {  	s21 =	simm.s32 @!p0 $0x100;
	s23 =	simm.s32 @!p0 $0x400;
	[sflag:s20] =	ssyncadd.s32 @!p0 $0xFFFFB000  }
0x2f: {  	[spmem:s1] =	stream.indirect.scatter.add.f32 @!p0 [tilespmem:s23], [sflag:$0x4], $0x80, s21, s22, $0xb8;
	[tilespmem:$0x1E480] =	vst v63  }
0x30: {  	_ =	swait.ge [sflag:s24], $0x5000  }
0x31: {  	[sflag:s24] =	ssyncset.done $0x0  }
0x32: {  	[sflag:s24] =	ssyncadd.s32 $0xFFFFB000  }
.LBB2_7:
0x33: {  	s19 =	sand.u32 $0x1, s19  }
0x34: {  	p0 =	seq.s32 s19, $0x1  }
0x35: {  	s19 =	simm.s32 @p0 $0x2  }
0x36: {  	_ =	swait.ge @p0 [sflag:s19], $0x5000  }
0x37: {  	s20 =	simm.s32 @p0 $0x300;
	[sflag:s19] =	ssyncset.done @p0 $0x0  }
0x38: {  	s21 =	simm.s32 @p0 $0x5400;
	[sflag:s19] =	ssyncadd.s32 @p0 $0xFFFFB000;
	s19 =	simm.s32 @p0 $0xA0  }
0x39: {  	[spmem:s1] =	stream.indirect.scatter.add.f32 @p0 [tilespmem:s21], [sflag:$0x3], $0x80, s20, s19, $0xb8;
	[tilespmem:$0x1E480] =	vst v63  }
0x3a: {  	s19 =	simm.s32 @!p0 $0x1  }
0x3b: {  	_ =	swait.ge @!p0 [sflag:s19], $0x5000  }
0x3c: {  	s20 =	simm.s32 @!p0 $0x100;
	[sflag:s19] =	ssyncset.done @!p0 $0x0  }
0x3d: {  	s21 =	simm.s32 @!p0 $0x400;
	[sflag:s19] =	ssyncadd.s32 @!p0 $0xFFFFB000;
	s19 =	simm.s32 @!p0 $0xA0  }
0x3e: {  	[spmem:s1] =	stream.indirect.scatter.add.f32 @!p0 [tilespmem:s21], [sflag:$0x3], $0x80, s20, s19, $0xb8;
	[tilespmem:$0x1E480] =	vst v63  }
0x3f: {  	_ =	swait.ge [sflag:s13], $0x5000  }
0x40: {  	s18 =	sadd.s32 $0x1, s18;
	[sflag:s13] =	ssyncset.done $0x0  }
0x41: {  	p0 =	sne.s32 s18, s11;
	[sflag:s13] =	ssyncadd.s32 $0xFFFFB000  }
.Ltmp1:
0x42: {  	[bflag:$0x0] =	sbarrier.arrive $0xFFFF;
	(pc) =	sbr.rel @!p0 .LBB2_8-.Ltmp1, $4  }
0x43: {  	[hbm:s10], [sflag:s7] =	dma.local [spmem:s12], $0x2800  }
0x44: {  	_ =	swait.ge [sflag:s13], $0x2800  }
0x45: {  	[sflag:s13] =	ssyncset.done $0x0  }
0x46: {  	[sflag:s13] =	ssyncadd.s32 $0xFFFFD800  }
.LBB2_1:
0x47: {  	[spmem:s12], [sflag:s7] =	dma.local [hbm:s6], $0x2800  }
0x48: {  	_ =	swait.ge [sflag:s13], $0x2800  }
0x49: {  	[sflag:s13] =	ssyncset.done $0x0  }
0x4a: {  	[sflag:s13] =	ssyncadd.s32 $0xFFFFD800  }
0x4b: {  	[tilespmem:s14], [sflag:$0x3] =	stream.linear.gather [hbm4b:s8+s3], $0x10, $0x38;
	[tilespmem:$0x1E480] =	vst v63  }
0x4c: {  	_ =	swait.ge [sflag:s13], $0x10  }
0x4d: {  	[sflag:s13] =	ssyncset.done $0x0  }
0x4e: {  	[sflag:s13] =	ssyncadd.s32 $0xFFFFFFF0  }
0x4f: {  	[bflag:$0x0] =	sbarrier.arrive $0xFFFF  }
0x50: {  	v0 =	vld [tilespmem:$0xA400];
	_ =	sdelay $0x4  }
0x51: {  	(v2sf) =	vpush v0, $0x0;
	_ =	sdelay $0x3  }
0x52: {  	(v2sf) =	vpush v0, $0x1;
	_ =	sdelay $0xa  }
0x53: {  	s19 =	spop (v2sf)  }
0x54: {  	s20 =	smul.u32 $0xA0, s19;
	_ =	sdelay $0x1  }
0x55: {  	s19 =	sshrl.u32 s20, $0x3  }
0x56: {  	s21 =	spop (v2sf);
	s22 =	sadd.s32 s4, s19  }
0x57: {  	[tilespmem:s3], [sflag:$0x3] =	stream.linear.gather [hbm4b:s22+s3], $0xA0, $0x38;
	[tilespmem:$0x1E480] =	vst v63  }
0x58: {  	_ =	swait.ge [sflag:s13], $0xA0  }
0x59: {  	[sflag:s13] =	ssyncset.done $0x0  }
0x5a: {  	s19 =	sadd.s32 s5, s19;
	[sflag:s13] =	ssyncadd.s32 $0xFFFFFF60  }
0x5b: {  	[tilespmem:s15], [sflag:$0x3] =	stream.linear.gather [hbm4b:s19+s3], $0xA0, $0x38;
	[tilespmem:$0x1E480] =	vst v63  }
0x5c: {  	s19 =	sadd.s32 $0xFFFFFFFF, s21  }
0x5d: {  	p0 =	slt.s32 s19, $0x1  }
.Ltmp2:
0x5e: {  	_ = 	snop;
	(pc) =	sbr.rel @p0 .LBB2_7-.Ltmp2, $4  }
0x5f: {  	_ =	swait.ge [sflag:s13], $0xA0  }
0x60: {  	[sflag:s13] =	ssyncset.done $0x0  }
0x61: {  	[sflag:s13] =	ssyncadd.s32 $0xFFFFFF60  }
0x62: {  	[tilespmem:s17], [sflag:$0x1] =	stream.indirect.gather [hbm4b:s9+s16], $0x80, s3, s16, $0xb8;
	[tilespmem:$0x1E480] =	vst v63  }
0x63: {  	p2 =	sne.s32 s19, $0x1  }
.Ltmp3:
0x64: {  	_ = 	snop;
	(pc) =	sbr.rel @!p2 .LBB2_3-.Ltmp3, $4  }
0x65: {  	_ = 	snop  }
0x66: {  	s31 =	simm.s32 $0x0  }
0x67: {  	s21 =	sadd.s32 $0xA0, s20;
	s23 =	simm.s32 $0x1;
	s20 =	sand.u32 $0x1, s31  }
0x68: {  	p1 =	por $0x0, $0x0;
	s24 =	sshrl.u32 s21, $0x3;
	p0 =	seq.s32 s20, $0x1  }
0x69: {  	s20 =	simm.s32 @p0 $0x0;
	s22 =	simm.s32 @p0 $0x4;
	s25 =	sadd.s32 s4, s24  }
0x6a: {  	[tilespmem:s20], [sflag:$0x4] =	stream.linear.gather @p0 [hbm4b:s25+s20], $0xA0, $0x38;
	[tilespmem:$0x1E480] =	vst v63  }
0x6b: {  	_ =	swait.ge @p0 [sflag:s22], $0xA0  }
0x6c: {  	[sflag:s22] =	ssyncset.done @p0 $0x0  }
0x6d: {  	s24 =	sadd.s32 s5, s24;
	s26 =	simm.s32 @p0 $0x100;
	[sflag:s22] =	ssyncadd.s32 @p0 $0xFFFFFF60  }
0x6e: {  	[tilespmem:s26], [sflag:$0x4] =	stream.linear.gather @p0 [hbm4b:s24+s20], $0xA0, $0x38;
	[tilespmem:$0x1E480] =	vst v63  }
0x6f: {  	_ =	swait.ge @p0 [sflag:s22], $0xA0  }
0x70: {  	s28 =	simm.s32 @p0 $0xA0;
	[sflag:s22] =	ssyncset.done @p0 $0x0  }
0x71: {  	s29 =	simm.s32 @p0 $0x400;
	s26 =	simm.s32 @p0 $0x2;
	[sflag:s22] =	ssyncadd.s32 @p0 $0xFFFFFF60  }
0x72: {  	[tilespmem:s29], [sflag:$0x1] =	stream.indirect.gather @p0 [hbm4b:s9+s28], $0x80, s20, s28, $0xb8;
	[tilespmem:$0x1E480] =	vst v63  }
0x73: {  	_ =	swait.ge @p0 [sflag:s26], $0x5000  }
0x74: {  	[sflag:s26] =	ssyncset.done @p0 $0x0  }
0x75: {  	s22 =	simm.s32 @p0 $0x5400;
	s20 =	simm.s32 @p0 $0x300;
	[sflag:s26] =	ssyncadd.s32 @p0 $0xFFFFB000  }
0x76: {  	[spmem:s1] =	stream.indirect.scatter.add.f32 @p0 [tilespmem:s22], [sflag:$0x3], $0x80, s20, s28, $0xb8;
	[tilespmem:$0x1E480] =	vst v63  }
0x77: {  	s26 =	simm.s32 @!p0 $0x200;
	s20 =	simm.s32 @!p0 $0x0;
	s22 =	simm.s32 @!p0 $0x4  }
0x78: {  	[tilespmem:s26], [sflag:$0x4] =	stream.linear.gather @!p0 [hbm4b:s25+s20], $0xA0, $0x38;
	[tilespmem:$0x1E480] =	vst v63  }
0x79: {  	_ =	swait.ge @!p0 [sflag:s22], $0xA0  }
0x7a: {  	[sflag:s22] =	ssyncset.done @!p0 $0x0  }
0x7b: {  	s25 =	simm.s32 @!p0 $0x300;
	[sflag:s22] =	ssyncadd.s32 @!p0 $0xFFFFFF60  }
0x7c: {  	[tilespmem:s25], [sflag:$0x4] =	stream.linear.gather @!p0 [hbm4b:s24+s20], $0xA0, $0x38;
	[tilespmem:$0x1E480] =	vst v63  }
0x7d: {  	s23 =	sand.u32 $0x1, s23;
	p2 =	sne.s32 s19, $0x2;
	_ =	swait.ge @!p0 [sflag:s22], $0xA0  }
0x7e: {  	s21 =	sadd.s32 $0xA0, s21;
	s24 =	simm.s32 @!p0 $0x1;
	[sflag:s22] =	ssyncset.done @!p0 $0x0  }
0x7f: {  	s25 =	simm.s32 @!p0 $0xA0;
	s20 =	simm.s32 @!p0 $0x5400;
	[sflag:s22] =	ssyncadd.s32 @!p0 $0xFFFFFF60  }
0x80: {  	[tilespmem:s20], [sflag:$0x2] =	stream.indirect.gather @!p0 [hbm4b:s9+s25], $0x80, s26, s25, $0xb8;
	[tilespmem:$0x1E480] =	vst v63  }
.Ltmp4:
0x81: {  	p1 =	por $0x1, $0x1;
	_ =	swait.ge @!p0 [sflag:s24], $0x5000;
	(pc) =	sbr.rel @!p2 .LBB2_6-.Ltmp4, $4  }
0x82: {  	s28 =	simm.s32 @!p0 $0x400;
	s22 =	simm.s32 @p0 $0x3;
	[sflag:s24] =	ssyncset.done @!p0 $0x0  }
0x83: {  	s20 =	simm.s32 $0x2;
	s26 =	simm.s32 @!p0 $0x100;
	[sflag:s24] =	ssyncadd.s32 @!p0 $0xFFFFB000  }
0x84: {  	[spmem:s1] =	stream.indirect.scatter.add.f32 @!p0 [tilespmem:s28], [sflag:$0x4], $0x80, s26, s25, $0xb8;
	[tilespmem:$0x1E480] =	vst v63  }
0x85: {  	s24 =	sshrl.u32 s21, $0x3;
	p0 =	seq.s32 s23, $0x1;
	_ =	swait.ge [sflag:s22], $0x5000  }
.LBB2_5:
0x86: {  	s25 =	simm.s32 @p0 $0x0  }
0x87: {  	s26 =	simm.s32 @p0 $0x4;
	[sflag:s22] =	ssyncset.done $0x0;
	s23 =	smov.u32 s20  }
0x88: {  	s20 =	sadd.s32 $0x1, s20;
	s28 =	sadd.s32 s4, s24;
	[sflag:s22] =	ssyncadd.s32 $0xFFFFB000  }
0x89: {  	[tilespmem:s25], [sflag:$0x4] =	stream.linear.gather @p0 [hbm4b:s28+s25], $0xA0, $0x38;
	[tilespmem:$0x1E480] =	vst v63  }
0x8a: {  	p2 =	sne.s32 s19, s20;
	_ =	swait.ge @p0 [sflag:s26], $0xA0  }
0x8b: {  	s24 =	sadd.s32 s5, s24;
	s22 =	simm.s32 @p0 $0x100;
	[sflag:s26] =	ssyncset.done @p0 $0x0  }
0x8c: {  	[sflag:s26] =	ssyncadd.s32 @p0 $0xFFFFFF60  }
0x8d: {  	[tilespmem:s22], [sflag:$0x4] =	stream.linear.gather @p0 [hbm4b:s24+s25], $0xA0, $0x38;
	[tilespmem:$0x1E480] =	vst v63  }
0x8e: {  	s22 =	simm.s32 @p0 $0x2;
	_ =	swait.ge @p0 [sflag:s26], $0xA0  }
0x8f: {  	s29 =	simm.s32 @p0 $0xA0;
	s30 =	simm.s32 @p0 $0x400;
	[sflag:s26] =	ssyncset.done @p0 $0x0  }
0x90: {  	[sflag:s26] =	ssyncadd.s32 @p0 $0xFFFFFF60  }
0x91: {  	[tilespmem:s30], [sflag:$0x1] =	stream.indirect.gather @p0 [hbm4b:s9+s29], $0x80, s25, s29, $0xb8;
	[tilespmem:$0x1E480] =	vst v63  }
0x92: {  	_ =	swait.ge @p0 [sflag:s22], $0x5000  }
0x93: {  	s26 =	simm.s32 @p0 $0x5400;
	s25 =	simm.s32 @p0 $0x300;
	[sflag:s22] =	ssyncset.done @p0 $0x0  }
0x94: {  	[sflag:s22] =	ssyncadd.s32 @p0 $0xFFFFB000  }
0x95: {  	[spmem:s1] =	stream.indirect.scatter.add.f32 @p0 [tilespmem:s26], [sflag:$0x3], $0x80, s25, s29, $0xb8;
	[tilespmem:$0x1E480] =	vst v63  }
0x96: {  	s22 =	simm.s32 @!p0 $0x4;
	s25 =	simm.s32 @!p0 $0x0;
	s26 =	simm.s32 @!p0 $0x200  }
0x97: {  	[tilespmem:s26], [sflag:$0x4] =	stream.linear.gather @!p0 [hbm4b:s28+s25], $0xA0, $0x38;
	[tilespmem:$0x1E480] =	vst v63  }
0x98: {  	_ =	swait.ge @!p0 [sflag:s22], $0xA0  }
0x99: {  	s28 =	simm.s32 @!p0 $0x300;
	[sflag:s22] =	ssyncset.done @!p0 $0x0  }
0x9a: {  	[sflag:s22] =	ssyncadd.s32 @!p0 $0xFFFFFF60  }
0x9b: {  	[tilespmem:s28], [sflag:$0x4] =	stream.linear.gather @!p0 [hbm4b:s24+s25], $0xA0, $0x38;
	[tilespmem:$0x1E480] =	vst v63  }
0x9c: {  	s24 =	simm.s32 @!p0 $0x1;
	_ =	swait.ge @!p0 [sflag:s22], $0xA0  }
0x9d: {  	s25 =	simm.s32 @!p0 $0xA0;
	s28 =	simm.s32 @!p0 $0x5400;
	[sflag:s22] =	ssyncset.done @!p0 $0x0  }
0x9e: {  	[sflag:s22] =	ssyncadd.s32 @!p0 $0xFFFFFF60  }
0x9f: {  	[tilespmem:s28], [sflag:$0x2] =	stream.indirect.gather @!p0 [hbm4b:s9+s25], $0x80, s26, s25, $0xb8;
	[tilespmem:$0x1E480] =	vst v63  }
.Ltmp5:
0xa0: {  	s21 =	sadd.s32 $0xA0, s21;
	_ =	swait.ge @!p0 [sflag:s24], $0x5000;
	(pc) =	sbr.rel @p2 .LBB2_5-.Ltmp5, $4  }
0xa1: {  	s26 =	simm.s32 @!p0 $0x100;
	s28 =	simm.s32 @!p0 $0x400;
	[sflag:s24] =	ssyncset.done @!p0 $0x0  }
0xa2: {  	s23 =	sand.u32 $0x1, s23;
	s22 =	simm.s32 @p0 $0x3;
	[sflag:s24] =	ssyncadd.s32 @!p0 $0xFFFFB000  }
0xa3: {  	[spmem:s1] =	stream.indirect.scatter.add.f32 @!p0 [tilespmem:s28], [sflag:$0x4], $0x80, s26, s25, $0xb8;
	[tilespmem:$0x1E480] =	vst v63  }
0xa4: {  	s24 =	sshrl.u32 s21, $0x3;
	p0 =	seq.s32 s23, $0x1;
	_ =	swait.ge [sflag:s22], $0x5000  }
.Ltmp6:
0xa5: {  	_ = 	snop;
	(pc) =	sbr.rel .LBB2_6-.Ltmp6, $1  }
0xa6: {  	_ =	sdelay $0x3  }
.LBB2_8:
0xa7: {  	_ =	sfence.sel $0x180000  }
0xa8: {  	[bflag:$0x0] =	sbarrier.arrive $0xFFFF  }
0xa9: {  	p0 =	sne.s32 s2, $0x0;
	_ =	strace $0x9000004A  }
0xaa: {  	s0 =	sadd.s32 @!p0 $0x100000, s0;
	[bflag:$0x2] =	sbarrier.arrive $0xFFFF  }
0xab: {  	[sflag:s0] =	ssyncadd.tile.s32 @!p0 $0x1;
	_ =	shalt  }
.Lfunc_end2:
_tile_overlayer_lowered:
.L_overlay_start_2:
0xac: {  	(tag) =	ssettag $0x2  }
0xad: {  	s0 =	rddreg [dreg:$0x0];
	s2 =	stileid.u32  }
0xae: {  	s1 =	rddreg [dreg:$0x1];
	p0 =	sne.s32 s2, $0x0  }
0xaf: {  	s3 =	rddreg [dreg:$0x2];
	[bflag:$0x3] =	sbarrier.arrive $0xFFFF;
	s2 =	simm.s32 @!p0 $0x1C03  }
0xb0: {  	[timem:s3], [sflag:s2] =	dma.local @!p0 [hbm:s0], s1  }
0xb1: {  	s0 =	simm.s32 @!p0 $0x3  }
0xb2: {  	_ =	swait.ge @!p0 [sflag:s0], s1  }
0xb3: {  	s1 =	ssub.s32 @!p0 $0x0, s1;
	[sflag:s0] =	ssyncset.done @!p0 $0x0  }
0xb4: {  	[sflag:s0] =	ssyncadd.s32 @!p0 s1  }
0xb5: {  	[bflag:$0x3] =	sbarrier.arrive $0xFFFF  }
0xb6: {  	_ =	shalt  }

// kernel: kernel.15.cloned.1.call-start
scs
__scs_entry_jumppad:
0x0: {  	(pc) =	sbr.rel $0x88, $3  }
0x1: {  	(tag) =	ssettag $0x0;
	lr =	simm.s32 $0x1  }
0x2: {  	[smem:$0x3F93] =	sst lr;
	_ =	strace $0xD0000000  }
0x3: {  	_ = 	snop  }
0x4: {  	_ = 	snop  }
0x5: {  	_ = 	snop  }
0x6: {  	_ = 	snop  }
0x7: {  	_ = 	snop  }
__scs_overlays_trampoline_lowered:
0x8: {  	[smem:$0x3FA2] =	sst s0  }
0x9: {  	[smem:$0x3FA3] =	sst s1  }
0xa: {  	[smem:$0x3FA4] =	sst s2  }
0xb: {  	[smem:$0x3FA5] =	sst s3  }
0xc: {  	[smem:$0x3FA6] =	sst s4  }
0xd: {  	[smem:$0x3FA7] =	sst s5  }
0xe: {  	[smem:$0x3FA8] =	sst s6  }
0xf: {  	[smem:$0x3FA9] =	sst s7  }
0x10: {  	[smem:$0x3FAA] =	sst s8  }
0x11: {  	[smem:$0x3FAB] =	sst s9;
	s0 =	simm.s32 @!p0 $0x0  }
0x12: {  	s1 =	sld [smem:$0x3F91];
	s0 =	simm.s32 @p0 $0x1  }
0x13: {  	[smem:$0x3FAC] =	sst s0;
	s0 =	simm.s32 @!p1 $0x0  }
0x14: {  	s2 =	sld [smem:$0x3F90];
	s0 =	simm.s32 @p1 $0x1  }
0x15: {  	[smem:$0x3FAD] =	sst s0;
	s0 =	simm.s32 @!p2 $0x0  }
0x16: {  	s3 =	sld [smem:$0x3FDB];
	s0 =	simm.s32 @p2 $0x1  }
0x17: {  	s4 =	simm.s32 $0x1BF5;
	[smem:$0x3FAF] =	sst s0  }
0x18: {  	s0 =	sld [smem:$0x3F92];
	_ =	swait.ge [sflag:s4], $0x0  }
0x19: {  	s7 =	sld [smem:$0x3F93]  }
0x1a: {  	s8 =	sadd.s32 $0xFFFFE003, lr  }
0x1b: {  	s9 =	sadd.s32 $0xFFFFFEF7, lr;
	s5 =	simm.s32 $0xFFFFFFFF;
	p2 =	slt.u32 s8, $0xFFFFF086  }
0x1c: {  	p1 =	slt.u32 s9, $0xF7A;
	s5 =	simm.s32 @!p2 $0x0  }
0x1d: {  	s5 =	simm.s32 @p1 $0x1;
	p0 =	seq.s32 s7, s2  }
0x1e: {  	s7 =	smul.u32 @!p0 $0xF7A, s2;
	p2 =	seq.s32 @!p0 s5, $0x0  }
0x1f: {  	s9 =	smul.u32 $0xF7A, s1;
	s8 =	simm.s32 @!p0 $0x1BF5;
	p2 =	por !p2, p0  }
0x20: {  	[sflag:s8] =	ssyncset.s32 @!p0 $0xFFFFF086;
	s6 =	sadd.s32 @!p0 s3, s7;
	s7 =	simm.s32 @!p0 $0x108  }
0x21: {  	s3 =	sadd.s32 s3, s9;
	s6 =	sadd.s32 @!p0 $0x88, s6;
	s7 =	simm.s32 @p2 $0x1082  }
0x22: {  	[simem:s7], [sflag:s8] =	dma.local @!p0 [hbm:s6], $0xF7A  }
0x23: {  	s9 =	sor.u32 $0xD0000000, s2;
	s6 =	simm.s32 $0x108;
	_ =	swait.ge @!p0 [sflag:s8], $0x0  }
0x24: {  	s3 =	sadd.s32 $0x88, s3;
	s6 =	simm.s32 @!p1 $0x1082;
	[sflag:s4] =	ssyncset.s32 $0xFFFFF086  }
0x25: {  	[simem:s6], [sflag:s4] =	dma.local [hbm:s3], $0xF7A  }
0x26: {  	[smem:$0x3F93] =	sst s1;
	(tag) =	ssettag s2;
	_ =	strace s9  }
0x27: {  	s1 =	sld [smem:$0x3FA3]  }
0x28: {  	s2 =	sld [smem:$0x3FA4]  }
0x29: {  	s4 =	sld [smem:$0x3FA6]  }
0x2a: {  	p0 =	seq.s32 s5, $0x0;
	s5 =	sld [smem:$0x3FA7]  }
0x2b: {  	s6 =	sld [smem:$0x3FA8]  }
0x2c: {  	s7 =	sld [smem:$0x3FA9]  }
0x2d: {  	s3 =	simm.s32 $0x108;
	s8 =	sld [smem:$0x3FAA]  }
0x2e: {  	s3 =	simm.s32 @!p0 $0x1082;
	s9 =	sld [smem:$0x3FAB]  }
0x2f: {  	lr =	sadd.s32 s0, s3;
	s0 =	sld [smem:$0x3FA2]  }
0x30: {  	s3 =	sld [smem:$0x3FA5]  }
0x31: {  	[smem:$0x3FAE] =	sst s10  }
0x32: {  	s10 =	sld [smem:$0x3FAC];
	_ =	sdelay $0x3  }
0x33: {  	p0 =	seq.s32 s10, $0x1;
	s10 =	sld [smem:$0x3FAE];
	_ =	sdelay $0x3  }
0x34: {  	[smem:$0x3FAE] =	sst s10  }
0x35: {  	s10 =	sld [smem:$0x3FAD];
	_ =	sdelay $0x3  }
0x36: {  	p1 =	seq.s32 s10, $0x1;
	s10 =	sld [smem:$0x3FAE];
	_ =	sdelay $0x3  }
0x37: {  	[smem:$0x3FAE] =	sst s10  }
0x38: {  	s10 =	sld [smem:$0x3FAF]  }
0x39: {  	_ = 	snop;
	(pc) =	sbr.ind lr, $3  }
0x3a: {  	_ = 	snop  }
0x3b: {  	_ = 	snop  }
0x3c: {  	p2 =	seq.s32 s10, $0x1;
	s10 =	sld [smem:$0x3FAE]  }
0x3d: {  	_ =	shalt  }
0x3e: {  	_ =	shalt  }
0x3f: {  	_ =	shalt  }
0x40: {  	_ =	shalt  }
0x41: {  	_ =	shalt  }
0x42: {  	_ =	shalt  }
0x43: {  	_ =	shalt  }
0x44: {  	_ =	shalt  }
0x45: {  	_ =	shalt  }
0x46: {  	_ =	shalt  }
0x47: {  	_ =	shalt  }
0x48: {  	_ =	shalt  }
0x49: {  	_ =	shalt  }
0x4a: {  	_ =	shalt  }
0x4b: {  	_ =	shalt  }
0x4c: {  	_ =	shalt  }
0x4d: {  	_ =	shalt  }
0x4e: {  	_ =	shalt  }
0x4f: {  	_ =	shalt  }
0x50: {  	_ =	shalt  }
0x51: {  	_ =	shalt  }
0x52: {  	_ =	shalt  }
0x53: {  	_ =	shalt  }
0x54: {  	_ =	shalt  }
0x55: {  	_ =	shalt  }
0x56: {  	_ =	shalt  }
0x57: {  	_ =	shalt  }
0x58: {  	_ =	shalt  }
0x59: {  	_ =	shalt  }
0x5a: {  	_ =	shalt  }
0x5b: {  	_ =	shalt  }
0x5c: {  	_ =	shalt  }
0x5d: {  	_ =	shalt  }
0x5e: {  	_ =	shalt  }
0x5f: {  	_ =	shalt  }
0x60: {  	_ =	shalt  }
0x61: {  	_ =	shalt  }
0x62: {  	_ =	shalt  }
0x63: {  	_ =	shalt  }
0x64: {  	_ =	shalt  }
0x65: {  	_ =	shalt  }
0x66: {  	_ =	shalt  }
0x67: {  	_ =	shalt  }
0x68: {  	_ =	shalt  }
0x69: {  	_ =	shalt  }
0x6a: {  	_ =	shalt  }
0x6b: {  	_ =	shalt  }
0x6c: {  	_ =	shalt  }
0x6d: {  	_ =	shalt  }
0x6e: {  	_ =	shalt  }
0x6f: {  	_ =	shalt  }
0x70: {  	_ =	shalt  }
0x71: {  	_ =	shalt  }
0x72: {  	_ =	shalt  }
0x73: {  	_ =	shalt  }
0x74: {  	_ =	shalt  }
0x75: {  	_ =	shalt  }
0x76: {  	_ =	shalt  }
0x77: {  	_ =	shalt  }
0x78: {  	_ =	shalt  }
0x79: {  	_ =	shalt  }
0x7a: {  	_ =	shalt  }
0x7b: {  	_ =	shalt  }
0x7c: {  	_ =	shalt  }
0x7d: {  	_ =	shalt  }
0x7e: {  	_ =	shalt  }
0x7f: {  	_ =	shalt  }
0x80: {  	_ =	shalt  }
0x81: {  	_ =	shalt  }
0x82: {  	_ =	shalt  }
0x83: {  	_ =	shalt  }
0x84: {  	_ =	shalt  }
0x85: {  	_ =	shalt  }
0x86: {  	_ =	shalt  }
0x87: {  	_ =	shalt  }
.Lfunc_end0:
.L_simem_size_0:
called_computation.2_lowered:
.L_overlay_start_0:
0x88: {  	s2 =	sld [smem:$0x3FD9]  }
0x89: {  	s3 =	sld [smem:$0x3FFE];
	_ =	sdelay $0x1  }
0x8a: {  	s1 =	srdreg.scid  }
0x8b: {  	s0 =	sand.u32 $0x1, s1  }
0x8c: {  	s16 =	sshll.u32 s0, $0xA;
	s2 =	sadd.s32 s3, s2  }
0x8d: {  	s2 =	sadd.s32 s2, s16  }
0x8e: {  	[smem:$0x3FBA] =	sst s2  }
0x8f: {  	_ = 	snop  }
0x90: {  	(tm) =	ssettm $0x1  }
0x91: {  	s17 =	sld [smem:$0x3FFB];
	_ =	sdelay $0x3  }
0x92: {  	_ =	strace s17  }
0x93: {  	s2 =	sld [smem:$0x3FFC];
	_ =	sdelay $0x3  }
0x94: {  	_ =	strace s2  }
0x95: {  	s2 =	sld [smem:$0x3FFD];
	_ =	sdelay $0x3  }
0x96: {  	_ =	strace s2  }
0x97: {  	_ =	strace $0x8FFFFFFF  }
0x98: {  	s18 =	sld [smem:$0x3FDB];
	_ =	sdelay $0x1  }
0x99: {  	s19 =	simm.s32 $_scs_section_size  }
0x9a: {  	s4 =	simm.s32 $_size__tile_overlayer_lowered;
	s5 =	simm.s32 $_tile_overlayer_lowered  }
0x9b: {  	s22 =	simm.s32 $0x1BFF;
	s21 =	sshll.u32 s5, $0x1;
	s2 =	sadd.s32 s19, s18  }
0x9c: {  	s6 =	simm.s32 $0x0;
	s20 =	sshll.u32 s4, $0x1;
	s4 =	sadd.s32 s21, s2  }
0x9d: {  	[timem:s6], [sflag:s22] =	dma.local [hbm:s4], s20  }
0x9e: {  	_ =	swait.ge [sflag:s22], s20  }
0x9f: {  	s3 =	ssub.s32 $0x0, s20;
	[sflag:s22] =	ssyncset.done $0x0  }
0xa0: {  	[sflag:s22] =	ssyncadd.s32 s3;
	_ =	sdelay $0x1  }
0xa1: {  	s23 =	simm.s32 $0x1B8B  }
0xa2: {  	_ =	swait.ge [sflag:s23], $0x1  }
0xa3: {  	[sflag:s23] =	ssyncset.done $0x0  }
0xa4: {  	s25 =	simm.s32 $0x1B8E;
	s24 =	sld [smem:$0x3FFE];
	[sflag:s23] =	ssyncadd.s32 $0xFFFFFFFF  }
0xa5: {  	s26 =	simm.s32 $execute0_lowered;
	[smem:$0x3FD2] =	sst s25  }
0xa6: {  	s4 =	sshll.u32 s26, $0x1;
	_ =	strace $0x8000004C;
	[dreg:$0x1] =	wrdreg $0xFFFFFFFF  }
0xa7: {  	s28 =	simm.s32 $_size_execute0_lowered;
	s2 =	sadd.s32 s2, s4;
	[dreg:$0x0] =	wrdreg $0x0  }
0xa8: {  	s4 =	sshll.u32 s28, $0x1;
	[dreg:$0x2] =	wrdreg s2  }
0xa9: {  	[dreg:$0x3] =	wrdreg s4  }
0xaa: {  	[dreg:$0x4] =	wrdreg $0xC0  }
0xab: {  	_ =	task [dreg:s6], $0x5FFFF  }
0xac: {  	[dreg:$0x1] =	wrdreg $0xFFFFFFFF  }
0xad: {  	[dreg:$0x0] =	wrdreg $0x60  }
0xae: {  	[dreg:$0x2] =	wrdreg s24  }
0xaf: {  	[dreg:$0x3] =	wrdreg $0xA4800  }
0xb0: {  	[dreg:$0x4] =	wrdreg $0x9  }
0xb1: {  	_ =	task.clear_ibuf [dreg:s6], $0x5FFFF;
	_ =	strace $0x9000004C  }
0xb2: {  	s29 =	simm.s32 $0x9;
	_ =	strace $0x8000004E  }
0xb3: {  	_ =	swait.ge [sflag:s29], $0x1  }
0xb4: {  	[sflag:s29] =	ssyncadd.s32 $0xFFFFFFFF  }
0xb5: {  	_ =	strace $0x9000004E  }
0xb6: {  	_ =	sfence  }
0xb7: {  	s30 =	sld [smem:$0x0];
	_ =	sdelay $0x2  }
0xb8: {  	s31 =	sshll.u32 s1, $0xD;
	s1 =	sshrl.u32 s1, $0x2  }
0xb9: {  	s3 =	sand.u32 $0x4000, s31;
	s1 =	sadd.s32 s1, s30  }
0xba: {  	s0 =	sor.u32 s3, s0;
	s1 =	sshll.u32 s1, $0x11  }
0xbb: {  	s0 =	sor.u32 s1, s0  }
0xbc: {  	s0 =	sadd.s32 $0x8F2B, s0  }
0xbd: {  	[sflag:s0] =	ssyncadd.remote.s32 $0x1  }
0xbe: {  	_ =	sfence.sel $0xFFFF  }
0xbf: {  	[dreg:$0x0] =	wrdreg $0xFFFFFFFF;
	(pc) =	sbr.abs _section_cstart, $3  }
0xc0: {  	[dreg:$0x1] =	wrdreg $0xFFFFFFFF  }
0xc1: {  	_ =	task.clear_ibuf [dreg:s6], $0x2FFFF;
	_ =	strace $0x9FFFFFFF  }
0xc2: {  	(tm) =	ssettm $0x7FFFFFFF  }
0xc3: {  	_ =	shalt  }
tec
execute0_lowered:
.L_overlay_start_1:
0x0: {  	(tag) =	ssettag $0x1  }
0x1: {  	s6 =	rddreg [dreg:$0x0]  }
0x2: {  	s1 =	rddreg [dreg:$0x1]  }
0x3: {  	s0 =	rddreg [dreg:$0x2];
	s3 =	simm.s32 $0x0  }
0x4: {  	s2 =	srdreg.scid;
	s16 =	simm.s32 $0xA0;
	s17 =	simm.s32 $0x400  }
0x5: {  	s18 =	simm.s32 $0x0;
	[smem:$0x7FF] =	sst s3;
	s7 =	sand.u32 $0x1, s2  }
0x6: {  	s2 =	stileid.u32;
	s9 =	sadd.s32 $0x17000, s6;
	s4 =	sadd.s32 $0x3400, s6  }
0x7: {  	s5 =	sadd.s32 $0xD200, s6;
	s8 =	smul.u32 $0x140000, s7;
	_ =	strace $0x8000004D  }
0x8: {  	s10 =	smul.u32 $0x14000, s2;
	s11 =	sshll.u32 s2, $0x1;
	s12 =	ssub.s32 $0x2, s7  }
0x9: {  	s13 =	smul.u32 $0x50000, s2;
	s7 =	sshll.u32 s7, $0x5;
	s30 =	sshll.u32 s2, $0x6  }
0xa: {  	s11 =	sadd.s32 s11, s6;
	s14 =	sshrl.u32 s12, $0x1;
	s10 =	sadd.s32 s10, s8  }
0xb: {  	s12 =	ssub.s32 s12, s14;
	s29 =	sshrl.u32 s13, $0x2;
	s11 =	sadd.s32 s7, s11  }
.Ltmp0:
0xc: {  	s31 =	sshrl.u32 s8, $0x3;
	s7 =	sor.u32 $0x1C03, s30;
	(pc) =	sbr.rel .LBB2_1-.Ltmp0, $4  }
0xd: {  	s14 =	simm.s32 $0xA400;
	s10 =	sshrl.u32 s10, $0x3;
	s13 =	sadd.s32 s29, s1  }
0xe: {  	s8 =	sadd.s32 $0x67000, s11;
	s11 =	smax.u32 s12, $0x1;
	s15 =	sadd.s32 s10, s6  }
0xf: {  	s6 =	sadd.s32 s9, s10;
	s9 =	sadd.s32 s9, s31;
	s12 =	sshrl.u32 s13, $0x3  }
0x10: {  	s13 =	simm.s32 $0x3;
	s10 =	sadd.s32 $0x67200, s15;
	s15 =	simm.s32 $0x100  }
.LBB2_3:
0x11: {  	_ = 	snop  }
.LBB2_6:
0x12: {  	s20 =	simm.s32 @p0 $0x0;
	[sflag:s22] =	ssyncset.done @p1 $0x0  }
0x13: {  	s21 =	simm.s32 @p0 $0x4;
	s23 =	sadd.s32 s4, s24;
	[sflag:s22] =	ssyncadd.s32 @p1 $0xFFFFB000  }
0x14: {  	[tilespmem:s20], [sflag:$0x4] =	stream.linear.gather @p0 [hbm4b:s23+s20], $0xA0, $0x38;
	[tilespmem:$0x1E480] =	vst v63  }
0x15: {  	_ =	swait.ge @p0 [sflag:s21], $0xA0  }
0x16: {  	[sflag:s21] =	ssyncset.done @p0 $0x0  }
0x17: {  	s22 =	sadd.s32 s5, s24;
	s24 =	simm.s32 @p0 $0x100;
	[sflag:s21] =	ssyncadd.s32 @p0 $0xFFFFFF60  }
0x18: {  	[tilespmem:s24], [sflag:$0x4] =	stream.linear.gather @p0 [hbm4b:s22+s20], $0xA0, $0x38;
	[tilespmem:$0x1E480] =	vst v63  }
0x19: {  	_ =	swait.ge @p0 [sflag:s21], $0xA0  }
0x1a: {  	s25 =	simm.s32 @p0 $0xA0;
	[sflag:s21] =	ssyncset.done @p0 $0x0  }
0x1b: {  	s26 =	simm.s32 @p0 $0x400;
	s24 =	simm.s32 @p0 $0x2;
	[sflag:s21] =	ssyncadd.s32 @p0 $0xFFFFFF60  }
0x1c: {  	[tilespmem:s26], [sflag:$0x1] =	stream.indirect.gather @p0 [hbm4b:s9+s25], $0x80, s20, s25, $0xb8;
	[tilespmem:$0x1E480] =	vst v63  }
0x1d: {  	_ =	swait.ge @p0 [sflag:s24], $0x5000  }
0x1e: {  	[sflag:s24] =	ssyncset.done @p0 $0x0  }
0x1f: {  	s21 =	simm.s32 @p0 $0x5400;
	s20 =	simm.s32 @p0 $0x300;
	[sflag:s24] =	ssyncadd.s32 @p0 $0xFFFFB000  }
0x20: {  	[spmem:s1] =	stream.indirect.scatter.add.f32 @p0 [tilespmem:s21], [sflag:$0x3], $0x80, s20, s25, $0xb8;
	[tilespmem:$0x1E480] =	vst v63  }
0x21: {  	s24 =	simm.s32 @!p0 $0x4;
	s20 =	simm.s32 @!p0 $0x0;
	s21 =	simm.s32 @!p0 $0x200  }
0x22: {  	[tilespmem:s21], [sflag:$0x4] =	stream.linear.gather @!p0 [hbm4b:s23+s20], $0xA0, $0x38;
	[tilespmem:$0x1E480] =	vst v63  }
0x23: {  	_ =	swait.ge @!p0 [sflag:s24], $0xA0  }
0x24: {  	[sflag:s24] =	ssyncset.done @!p0 $0x0  }
0x25: {  	s23 =	simm.s32 @!p0 $0x300;
	[sflag:s24] =	ssyncadd.s32 @!p0 $0xFFFFFF60  }
0x26: {  	[tilespmem:s23], [sflag:$0x4] =	stream.linear.gather @!p0 [hbm4b:s22+s20], $0xA0, $0x38;
	[tilespmem:$0x1E480] =	vst v63  }
0x27: {  	_ =	swait.ge @!p0 [sflag:s24], $0xA0  }
0x28: {  	s20 =	simm.s32 @!p0 $0x1;
	[sflag:s24] =	ssyncset.done @!p0 $0x0  }
0x29: {  	s22 =	simm.s32 @!p0 $0xA0;
	s23 =	simm.s32 @!p0 $0x5400;
	[sflag:s24] =	ssyncadd.s32 @!p0 $0xFFFFFF60  }
0x2a: {  	[tilespmem:s23], [sflag:$0x2] =	stream.indirect.gather @!p0 [hbm4b:s9+s22], $0x80, s21, s22, $0xb8;
	[tilespmem:$0x1E480] =	vst v63  }
0x2b: {  	_ =	swait.ge @!p0 [sflag:s20], $0x5000  }
0x2c: {  	s24 =	simm.s32 @p0 $0x3;
	[sflag:s20] =	ssyncset.done @!p0 $0x0  }
0x2d: {  	s21 =	simm.s32 @!p0 $0x100;
	s23 =	simm.s32 @!p0 $0x400;
	[sflag:s20] =	ssyncadd.s32 @!p0 $0xFFFFB000  }
0x2e: {  	[spmem:s1] =	stream.indirect.scatter.add.f32 @!p0 [tilespmem:s23], [sflag:$0x4], $0x80, s21, s22, $0xb8;
	[tilespmem:$0x1E480] =	vst v63  }
0x2f: {  	_ =	swait.ge [sflag:s24], $0x5000  }
0x30: {  	[sflag:s24] =	ssyncset.done $0x0  }
0x31: {  	[sflag:s24] =	ssyncadd.s32 $0xFFFFB000  }
.LBB2_7:
0x32: {  	s19 =	sand.u32 $0x1, s19  }
0x33: {  	p0 =	seq.s32 s19, $0x1  }
0x34: {  	s19 =	simm.s32 @p0 $0x2  }
0x35: {  	_ =	swait.ge @p0 [sflag:s19], $0x5000  }
0x36: {  	s20 =	simm.s32 @p0 $0x300;
	[sflag:s19] =	ssyncset.done @p0 $0x0  }
0x37: {  	s21 =	simm.s32 @p0 $0x5400;
	[sflag:s19] =	ssyncadd.s32 @p0 $0xFFFFB000;
	s19 =	simm.s32 @p0 $0xA0  }
0x38: {  	[spmem:s1] =	stream.indirect.scatter.add.f32 @p0 [tilespmem:s21], [sflag:$0x3], $0x80, s20, s19, $0xb8;
	[tilespmem:$0x1E480] =	vst v63  }
0x39: {  	s19 =	simm.s32 @!p0 $0x1  }
0x3a: {  	_ =	swait.ge @!p0 [sflag:s19], $0x5000  }
0x3b: {  	s20 =	simm.s32 @!p0 $0x100;
	[sflag:s19] =	ssyncset.done @!p0 $0x0  }
0x3c: {  	s21 =	simm.s32 @!p0 $0x400;
	[sflag:s19] =	ssyncadd.s32 @!p0 $0xFFFFB000;
	s19 =	simm.s32 @!p0 $0xA0  }
0x3d: {  	[spmem:s1] =	stream.indirect.scatter.add.f32 @!p0 [tilespmem:s21], [sflag:$0x3], $0x80, s20, s19, $0xb8;
	[tilespmem:$0x1E480] =	vst v63  }
0x3e: {  	_ =	swait.ge [sflag:s13], $0x5000  }
0x3f: {  	s18 =	sadd.s32 $0x1, s18;
	[sflag:s13] =	ssyncset.done $0x0  }
0x40: {  	p0 =	sne.s32 s18, s11;
	[sflag:s13] =	ssyncadd.s32 $0xFFFFB000  }
.Ltmp1:
0x41: {  	[bflag:$0x0] =	sbarrier.arrive $0xFFFF;
	(pc) =	sbr.rel @!p0 .LBB2_8-.Ltmp1, $4  }
0x42: {  	[hbm:s10], [sflag:s7] =	dma.local [spmem:s12], $0x2800  }
0x43: {  	_ =	swait.ge [sflag:s13], $0x2800  }
0x44: {  	[sflag:s13] =	ssyncset.done $0x0  }
0x45: {  	[sflag:s13] =	ssyncadd.s32 $0xFFFFD800  }
.LBB2_1:
0x46: {  	[spmem:s12], [sflag:s7] =	dma.local [hbm:s6], $0x2800  }
0x47: {  	_ =	swait.ge [sflag:s13], $0x2800  }
0x48: {  	[sflag:s13] =	ssyncset.done $0x0  }
0x49: {  	[sflag:s13] =	ssyncadd.s32 $0xFFFFD800  }
0x4a: {  	[tilespmem:s14], [sflag:$0x3] =	stream.linear.gather [hbm4b:s8+s3], $0x10, $0x38;
	[tilespmem:$0x1E480] =	vst v63  }
0x4b: {  	_ =	swait.ge [sflag:s13], $0x10  }
0x4c: {  	[sflag:s13] =	ssyncset.done $0x0  }
0x4d: {  	[sflag:s13] =	ssyncadd.s32 $0xFFFFFFF0  }
0x4e: {  	[bflag:$0x0] =	sbarrier.arrive $0xFFFF  }
0x4f: {  	v0 =	vld [tilespmem:$0xA400];
	_ =	sdelay $0x4  }
0x50: {  	(v2sf) =	vpush v0, $0x0;
	_ =	sdelay $0x3  }
0x51: {  	(v2sf) =	vpush v0, $0x1;
	_ =	sdelay $0xa  }
0x52: {  	s19 =	spop (v2sf)  }
0x53: {  	s20 =	smul.u32 $0xA0, s19;
	_ =	sdelay $0x1  }
0x54: {  	s19 =	sshrl.u32 s20, $0x3  }
0x55: {  	s21 =	spop (v2sf);
	s22 =	sadd.s32 s4, s19  }
0x56: {  	[tilespmem:s3], [sflag:$0x3] =	stream.linear.gather [hbm4b:s22+s3], $0xA0, $0x38;
	[tilespmem:$0x1E480] =	vst v63  }
0x57: {  	_ =	swait.ge [sflag:s13], $0xA0  }
0x58: {  	[sflag:s13] =	ssyncset.done $0x0  }
0x59: {  	s19 =	sadd.s32 s5, s19;
	[sflag:s13] =	ssyncadd.s32 $0xFFFFFF60  }
0x5a: {  	[tilespmem:s15], [sflag:$0x3] =	stream.linear.gather [hbm4b:s19+s3], $0xA0, $0x38;
	[tilespmem:$0x1E480] =	vst v63  }
0x5b: {  	s19 =	sadd.s32 $0xFFFFFFFF, s21  }
0x5c: {  	p0 =	slt.s32 s19, $0x1  }
.Ltmp2:
0x5d: {  	_ = 	snop;
	(pc) =	sbr.rel @p0 .LBB2_7-.Ltmp2, $4  }
0x5e: {  	_ =	swait.ge [sflag:s13], $0xA0  }
0x5f: {  	[sflag:s13] =	ssyncset.done $0x0  }
0x60: {  	[sflag:s13] =	ssyncadd.s32 $0xFFFFFF60  }
0x61: {  	[tilespmem:s17], [sflag:$0x1] =	stream.indirect.gather [hbm4b:s9+s16], $0x80, s3, s16, $0xb8;
	[tilespmem:$0x1E480] =	vst v63  }
0x62: {  	p2 =	sne.s32 s19, $0x1  }
.Ltmp3:
0x63: {  	_ = 	snop;
	(pc) =	sbr.rel @!p2 .LBB2_3-.Ltmp3, $4  }
0x64: {  	_ = 	snop  }
0x65: {  	s31 =	simm.s32 $0x0  }
0x66: {  	s21 =	sadd.s32 $0xA0, s20;
	s23 =	simm.s32 $0x1;
	s20 =	sand.u32 $0x1, s31  }
0x67: {  	p1 =	por $0x0, $0x0;
	s24 =	sshrl.u32 s21, $0x3;
	p0 =	seq.s32 s20, $0x1  }
0x68: {  	s20 =	simm.s32 @p0 $0x0;
	s22 =	simm.s32 @p0 $0x4;
	s25 =	sadd.s32 s4, s24  }
0x69: {  	[tilespmem:s20], [sflag:$0x4] =	stream.linear.gather @p0 [hbm4b:s25+s20], $0xA0, $0x38;
	[tilespmem:$0x1E480] =	vst v63  }
0x6a: {  	_ =	swait.ge @p0 [sflag:s22], $0xA0  }
0x6b: {  	[sflag:s22] =	ssyncset.done @p0 $0x0  }
0x6c: {  	s24 =	sadd.s32 s5, s24;
	s26 =	simm.s32 @p0 $0x100;
	[sflag:s22] =	ssyncadd.s32 @p0 $0xFFFFFF60  }
0x6d: {  	[tilespmem:s26], [sflag:$0x4] =	stream.linear.gather @p0 [hbm4b:s24+s20], $0xA0, $0x38;
	[tilespmem:$0x1E480] =	vst v63  }
0x6e: {  	_ =	swait.ge @p0 [sflag:s22], $0xA0  }
0x6f: {  	s28 =	simm.s32 @p0 $0xA0;
	[sflag:s22] =	ssyncset.done @p0 $0x0  }
0x70: {  	s29 =	simm.s32 @p0 $0x400;
	s26 =	simm.s32 @p0 $0x2;
	[sflag:s22] =	ssyncadd.s32 @p0 $0xFFFFFF60  }
0x71: {  	[tilespmem:s29], [sflag:$0x1] =	stream.indirect.gather @p0 [hbm4b:s9+s28], $0x80, s20, s28, $0xb8;
	[tilespmem:$0x1E480] =	vst v63  }
0x72: {  	_ =	swait.ge @p0 [sflag:s26], $0x5000  }
0x73: {  	[sflag:s26] =	ssyncset.done @p0 $0x0  }
0x74: {  	s22 =	simm.s32 @p0 $0x5400;
	s20 =	simm.s32 @p0 $0x300;
	[sflag:s26] =	ssyncadd.s32 @p0 $0xFFFFB000  }
0x75: {  	[spmem:s1] =	stream.indirect.scatter.add.f32 @p0 [tilespmem:s22], [sflag:$0x3], $0x80, s20, s28, $0xb8;
	[tilespmem:$0x1E480] =	vst v63  }
0x76: {  	s26 =	simm.s32 @!p0 $0x200;
	s20 =	simm.s32 @!p0 $0x0;
	s22 =	simm.s32 @!p0 $0x4  }
0x77: {  	[tilespmem:s26], [sflag:$0x4] =	stream.linear.gather @!p0 [hbm4b:s25+s20], $0xA0, $0x38;
	[tilespmem:$0x1E480] =	vst v63  }
0x78: {  	_ =	swait.ge @!p0 [sflag:s22], $0xA0  }
0x79: {  	[sflag:s22] =	ssyncset.done @!p0 $0x0  }
0x7a: {  	s25 =	simm.s32 @!p0 $0x300;
	[sflag:s22] =	ssyncadd.s32 @!p0 $0xFFFFFF60  }
0x7b: {  	[tilespmem:s25], [sflag:$0x4] =	stream.linear.gather @!p0 [hbm4b:s24+s20], $0xA0, $0x38;
	[tilespmem:$0x1E480] =	vst v63  }
0x7c: {  	s23 =	sand.u32 $0x1, s23;
	p2 =	sne.s32 s19, $0x2;
	_ =	swait.ge @!p0 [sflag:s22], $0xA0  }
0x7d: {  	s21 =	sadd.s32 $0xA0, s21;
	s24 =	simm.s32 @!p0 $0x1;
	[sflag:s22] =	ssyncset.done @!p0 $0x0  }
0x7e: {  	s25 =	simm.s32 @!p0 $0xA0;
	s20 =	simm.s32 @!p0 $0x5400;
	[sflag:s22] =	ssyncadd.s32 @!p0 $0xFFFFFF60  }
0x7f: {  	[tilespmem:s20], [sflag:$0x2] =	stream.indirect.gather @!p0 [hbm4b:s9+s25], $0x80, s26, s25, $0xb8;
	[tilespmem:$0x1E480] =	vst v63  }
.Ltmp4:
0x80: {  	p1 =	por $0x1, $0x1;
	_ =	swait.ge @!p0 [sflag:s24], $0x5000;
	(pc) =	sbr.rel @!p2 .LBB2_6-.Ltmp4, $4  }
0x81: {  	s28 =	simm.s32 @!p0 $0x400;
	s22 =	simm.s32 @p0 $0x3;
	[sflag:s24] =	ssyncset.done @!p0 $0x0  }
0x82: {  	s20 =	simm.s32 $0x2;
	s26 =	simm.s32 @!p0 $0x100;
	[sflag:s24] =	ssyncadd.s32 @!p0 $0xFFFFB000  }
0x83: {  	[spmem:s1] =	stream.indirect.scatter.add.f32 @!p0 [tilespmem:s28], [sflag:$0x4], $0x80, s26, s25, $0xb8;
	[tilespmem:$0x1E480] =	vst v63  }
0x84: {  	s24 =	sshrl.u32 s21, $0x3;
	p0 =	seq.s32 s23, $0x1;
	_ =	swait.ge [sflag:s22], $0x5000  }
.LBB2_5:
0x85: {  	s25 =	simm.s32 @p0 $0x0  }
0x86: {  	s26 =	simm.s32 @p0 $0x4;
	[sflag:s22] =	ssyncset.done $0x0;
	s23 =	smov.u32 s20  }
0x87: {  	s20 =	sadd.s32 $0x1, s20;
	s28 =	sadd.s32 s4, s24;
	[sflag:s22] =	ssyncadd.s32 $0xFFFFB000  }
0x88: {  	[tilespmem:s25], [sflag:$0x4] =	stream.linear.gather @p0 [hbm4b:s28+s25], $0xA0, $0x38;
	[tilespmem:$0x1E480] =	vst v63  }
0x89: {  	p2 =	sne.s32 s19, s20;
	_ =	swait.ge @p0 [sflag:s26], $0xA0  }
0x8a: {  	s24 =	sadd.s32 s5, s24;
	s22 =	simm.s32 @p0 $0x100;
	[sflag:s26] =	ssyncset.done @p0 $0x0  }
0x8b: {  	[sflag:s26] =	ssyncadd.s32 @p0 $0xFFFFFF60  }
0x8c: {  	[tilespmem:s22], [sflag:$0x4] =	stream.linear.gather @p0 [hbm4b:s24+s25], $0xA0, $0x38;
	[tilespmem:$0x1E480] =	vst v63  }
0x8d: {  	s22 =	simm.s32 @p0 $0x2;
	_ =	swait.ge @p0 [sflag:s26], $0xA0  }
0x8e: {  	s29 =	simm.s32 @p0 $0xA0;
	s30 =	simm.s32 @p0 $0x400;
	[sflag:s26] =	ssyncset.done @p0 $0x0  }
0x8f: {  	[sflag:s26] =	ssyncadd.s32 @p0 $0xFFFFFF60  }
0x90: {  	[tilespmem:s30], [sflag:$0x1] =	stream.indirect.gather @p0 [hbm4b:s9+s29], $0x80, s25, s29, $0xb8;
	[tilespmem:$0x1E480] =	vst v63  }
0x91: {  	_ =	swait.ge @p0 [sflag:s22], $0x5000  }
0x92: {  	s26 =	simm.s32 @p0 $0x5400;
	s25 =	simm.s32 @p0 $0x300;
	[sflag:s22] =	ssyncset.done @p0 $0x0  }
0x93: {  	[sflag:s22] =	ssyncadd.s32 @p0 $0xFFFFB000  }
0x94: {  	[spmem:s1] =	stream.indirect.scatter.add.f32 @p0 [tilespmem:s26], [sflag:$0x3], $0x80, s25, s29, $0xb8;
	[tilespmem:$0x1E480] =	vst v63  }
0x95: {  	s22 =	simm.s32 @!p0 $0x4;
	s25 =	simm.s32 @!p0 $0x0;
	s26 =	simm.s32 @!p0 $0x200  }
0x96: {  	[tilespmem:s26], [sflag:$0x4] =	stream.linear.gather @!p0 [hbm4b:s28+s25], $0xA0, $0x38;
	[tilespmem:$0x1E480] =	vst v63  }
0x97: {  	_ =	swait.ge @!p0 [sflag:s22], $0xA0  }
0x98: {  	s28 =	simm.s32 @!p0 $0x300;
	[sflag:s22] =	ssyncset.done @!p0 $0x0  }
0x99: {  	[sflag:s22] =	ssyncadd.s32 @!p0 $0xFFFFFF60  }
0x9a: {  	[tilespmem:s28], [sflag:$0x4] =	stream.linear.gather @!p0 [hbm4b:s24+s25], $0xA0, $0x38;
	[tilespmem:$0x1E480] =	vst v63  }
0x9b: {  	s24 =	simm.s32 @!p0 $0x1;
	_ =	swait.ge @!p0 [sflag:s22], $0xA0  }
0x9c: {  	s25 =	simm.s32 @!p0 $0xA0;
	s28 =	simm.s32 @!p0 $0x5400;
	[sflag:s22] =	ssyncset.done @!p0 $0x0  }
0x9d: {  	[sflag:s22] =	ssyncadd.s32 @!p0 $0xFFFFFF60  }
0x9e: {  	[tilespmem:s28], [sflag:$0x2] =	stream.indirect.gather @!p0 [hbm4b:s9+s25], $0x80, s26, s25, $0xb8;
	[tilespmem:$0x1E480] =	vst v63  }
.Ltmp5:
0x9f: {  	s21 =	sadd.s32 $0xA0, s21;
	_ =	swait.ge @!p0 [sflag:s24], $0x5000;
	(pc) =	sbr.rel @p2 .LBB2_5-.Ltmp5, $4  }
0xa0: {  	s26 =	simm.s32 @!p0 $0x100;
	s28 =	simm.s32 @!p0 $0x400;
	[sflag:s24] =	ssyncset.done @!p0 $0x0  }
0xa1: {  	s23 =	sand.u32 $0x1, s23;
	s22 =	simm.s32 @p0 $0x3;
	[sflag:s24] =	ssyncadd.s32 @!p0 $0xFFFFB000  }
0xa2: {  	[spmem:s1] =	stream.indirect.scatter.add.f32 @!p0 [tilespmem:s28], [sflag:$0x4], $0x80, s26, s25, $0xb8;
	[tilespmem:$0x1E480] =	vst v63  }
0xa3: {  	s24 =	sshrl.u32 s21, $0x3;
	p0 =	seq.s32 s23, $0x1;
	_ =	swait.ge [sflag:s22], $0x5000  }
.Ltmp6:
0xa4: {  	_ = 	snop;
	(pc) =	sbr.rel .LBB2_6-.Ltmp6, $1  }
0xa5: {  	_ =	sdelay $0x3  }
.LBB2_8:
0xa6: {  	_ =	sfence.sel $0x180000  }
0xa7: {  	[bflag:$0x0] =	sbarrier.arrive $0xFFFF  }
0xa8: {  	p0 =	sne.s32 s2, $0x0;
	_ =	strace $0x9000004D  }
0xa9: {  	s0 =	sadd.s32 @!p0 $0x100000, s0;
	[bflag:$0x2] =	sbarrier.arrive $0xFFFF  }
0xaa: {  	[sflag:s0] =	ssyncadd.tile.s32 @!p0 $0x1;
	_ =	shalt  }
.Lfunc_end2:
_tile_overlayer_lowered:
.L_overlay_start_2:
0xab: {  	(tag) =	ssettag $0x2  }
0xac: {  	s0 =	rddreg [dreg:$0x0];
	s2 =	stileid.u32  }
0xad: {  	s1 =	rddreg [dreg:$0x1];
	p0 =	sne.s32 s2, $0x0  }
0xae: {  	s3 =	rddreg [dreg:$0x2];
	[bflag:$0x3] =	sbarrier.arrive $0xFFFF;
	s2 =	simm.s32 @!p0 $0x1C03  }
0xaf: {  	[timem:s3], [sflag:s2] =	dma.local @!p0 [hbm:s0], s1  }
0xb0: {  	s0 =	simm.s32 @!p0 $0x3  }
0xb1: {  	_ =	swait.ge @!p0 [sflag:s0], s1  }
0xb2: {  	s1 =	ssub.s32 @!p0 $0x0, s1;
	[sflag:s0] =	ssyncset.done @!p0 $0x0  }
0xb3: {  	[sflag:s0] =	ssyncadd.s32 @!p0 s1  }
0xb4: {  	[bflag:$0x3] =	sbarrier.arrive $0xFFFF  }
0xb5: {  	_ =	shalt  }

// kernel: kernel.9.cloned.1.call-start
scs
__scs_entry_jumppad:
0x0: {  	(pc) =	sbr.rel $0x88, $3  }
0x1: {  	(tag) =	ssettag $0x0;
	lr =	simm.s32 $0x1  }
0x2: {  	[smem:$0x3F93] =	sst lr;
	_ =	strace $0xD0000000  }
0x3: {  	_ = 	snop  }
0x4: {  	_ = 	snop  }
0x5: {  	_ = 	snop  }
0x6: {  	_ = 	snop  }
0x7: {  	_ = 	snop  }
__scs_overlays_trampoline_lowered:
0x8: {  	[smem:$0x3FA2] =	sst s0  }
0x9: {  	[smem:$0x3FA3] =	sst s1  }
0xa: {  	[smem:$0x3FA4] =	sst s2  }
0xb: {  	[smem:$0x3FA5] =	sst s3  }
0xc: {  	[smem:$0x3FA6] =	sst s4  }
0xd: {  	[smem:$0x3FA7] =	sst s5  }
0xe: {  	[smem:$0x3FA8] =	sst s6  }
0xf: {  	[smem:$0x3FA9] =	sst s7  }
0x10: {  	[smem:$0x3FAA] =	sst s8  }
0x11: {  	[smem:$0x3FAB] =	sst s9;
	s0 =	simm.s32 @!p0 $0x0  }
0x12: {  	s1 =	sld [smem:$0x3F91];
	s0 =	simm.s32 @p0 $0x1  }
0x13: {  	[smem:$0x3FAC] =	sst s0;
	s0 =	simm.s32 @!p1 $0x0  }
0x14: {  	s2 =	sld [smem:$0x3F90];
	s0 =	simm.s32 @p1 $0x1  }
0x15: {  	[smem:$0x3FAD] =	sst s0;
	s0 =	simm.s32 @!p2 $0x0  }
0x16: {  	s3 =	sld [smem:$0x3FDB];
	s0 =	simm.s32 @p2 $0x1  }
0x17: {  	s4 =	simm.s32 $0x1BF5;
	[smem:$0x3FAF] =	sst s0  }
0x18: {  	s0 =	sld [smem:$0x3F92];
	_ =	swait.ge [sflag:s4], $0x0  }
0x19: {  	s7 =	sld [smem:$0x3F93]  }
0x1a: {  	s8 =	sadd.s32 $0xFFFFE003, lr  }
0x1b: {  	s9 =	sadd.s32 $0xFFFFFEF7, lr;
	s5 =	simm.s32 $0xFFFFFFFF;
	p2 =	slt.u32 s8, $0xFFFFF086  }
0x1c: {  	p1 =	slt.u32 s9, $0xF7A;
	s5 =	simm.s32 @!p2 $0x0  }
0x1d: {  	s5 =	simm.s32 @p1 $0x1;
	p0 =	seq.s32 s7, s2  }
0x1e: {  	s7 =	smul.u32 @!p0 $0xF7A, s2;
	p2 =	seq.s32 @!p0 s5, $0x0  }
0x1f: {  	s9 =	smul.u32 $0xF7A, s1;
	s8 =	simm.s32 @!p0 $0x1BF5;
	p2 =	por !p2, p0  }
0x20: {  	[sflag:s8] =	ssyncset.s32 @!p0 $0xFFFFF086;
	s6 =	sadd.s32 @!p0 s3, s7;
	s7 =	simm.s32 @!p0 $0x108  }
0x21: {  	s3 =	sadd.s32 s3, s9;
	s6 =	sadd.s32 @!p0 $0x88, s6;
	s7 =	simm.s32 @p2 $0x1082  }
0x22: {  	[simem:s7], [sflag:s8] =	dma.local @!p0 [hbm:s6], $0xF7A  }
0x23: {  	s9 =	sor.u32 $0xD0000000, s2;
	s6 =	simm.s32 $0x108;
	_ =	swait.ge @!p0 [sflag:s8], $0x0  }
0x24: {  	s3 =	sadd.s32 $0x88, s3;
	s6 =	simm.s32 @!p1 $0x1082;
	[sflag:s4] =	ssyncset.s32 $0xFFFFF086  }
0x25: {  	[simem:s6], [sflag:s4] =	dma.local [hbm:s3], $0xF7A  }
0x26: {  	[smem:$0x3F93] =	sst s1;
	(tag) =	ssettag s2;
	_ =	strace s9  }
0x27: {  	s1 =	sld [smem:$0x3FA3]  }
0x28: {  	s2 =	sld [smem:$0x3FA4]  }
0x29: {  	s4 =	sld [smem:$0x3FA6]  }
0x2a: {  	p0 =	seq.s32 s5, $0x0;
	s5 =	sld [smem:$0x3FA7]  }
0x2b: {  	s6 =	sld [smem:$0x3FA8]  }
0x2c: {  	s7 =	sld [smem:$0x3FA9]  }
0x2d: {  	s3 =	simm.s32 $0x108;
	s8 =	sld [smem:$0x3FAA]  }
0x2e: {  	s3 =	simm.s32 @!p0 $0x1082;
	s9 =	sld [smem:$0x3FAB]  }
0x2f: {  	lr =	sadd.s32 s0, s3;
	s0 =	sld [smem:$0x3FA2]  }
0x30: {  	s3 =	sld [smem:$0x3FA5]  }
0x31: {  	[smem:$0x3FAE] =	sst s10  }
0x32: {  	s10 =	sld [smem:$0x3FAC];
	_ =	sdelay $0x3  }
0x33: {  	p0 =	seq.s32 s10, $0x1;
	s10 =	sld [smem:$0x3FAE];
	_ =	sdelay $0x3  }
0x34: {  	[smem:$0x3FAE] =	sst s10  }
0x35: {  	s10 =	sld [smem:$0x3FAD];
	_ =	sdelay $0x3  }
0x36: {  	p1 =	seq.s32 s10, $0x1;
	s10 =	sld [smem:$0x3FAE];
	_ =	sdelay $0x3  }
0x37: {  	[smem:$0x3FAE] =	sst s10  }
0x38: {  	s10 =	sld [smem:$0x3FAF]  }
0x39: {  	_ = 	snop;
	(pc) =	sbr.ind lr, $3  }
0x3a: {  	_ = 	snop  }
0x3b: {  	_ = 	snop  }
0x3c: {  	p2 =	seq.s32 s10, $0x1;
	s10 =	sld [smem:$0x3FAE]  }
0x3d: {  	_ =	shalt  }
0x3e: {  	_ =	shalt  }
0x3f: {  	_ =	shalt  }
0x40: {  	_ =	shalt  }
0x41: {  	_ =	shalt  }
0x42: {  	_ =	shalt  }
0x43: {  	_ =	shalt  }
0x44: {  	_ =	shalt  }
0x45: {  	_ =	shalt  }
0x46: {  	_ =	shalt  }
0x47: {  	_ =	shalt  }
0x48: {  	_ =	shalt  }
0x49: {  	_ =	shalt  }
0x4a: {  	_ =	shalt  }
0x4b: {  	_ =	shalt  }
0x4c: {  	_ =	shalt  }
0x4d: {  	_ =	shalt  }
0x4e: {  	_ =	shalt  }
0x4f: {  	_ =	shalt  }
0x50: {  	_ =	shalt  }
0x51: {  	_ =	shalt  }
0x52: {  	_ =	shalt  }
0x53: {  	_ =	shalt  }
0x54: {  	_ =	shalt  }
0x55: {  	_ =	shalt  }
0x56: {  	_ =	shalt  }
0x57: {  	_ =	shalt  }
0x58: {  	_ =	shalt  }
0x59: {  	_ =	shalt  }
0x5a: {  	_ =	shalt  }
0x5b: {  	_ =	shalt  }
0x5c: {  	_ =	shalt  }
0x5d: {  	_ =	shalt  }
0x5e: {  	_ =	shalt  }
0x5f: {  	_ =	shalt  }
0x60: {  	_ =	shalt  }
0x61: {  	_ =	shalt  }
0x62: {  	_ =	shalt  }
0x63: {  	_ =	shalt  }
0x64: {  	_ =	shalt  }
0x65: {  	_ =	shalt  }
0x66: {  	_ =	shalt  }
0x67: {  	_ =	shalt  }
0x68: {  	_ =	shalt  }
0x69: {  	_ =	shalt  }
0x6a: {  	_ =	shalt  }
0x6b: {  	_ =	shalt  }
0x6c: {  	_ =	shalt  }
0x6d: {  	_ =	shalt  }
0x6e: {  	_ =	shalt  }
0x6f: {  	_ =	shalt  }
0x70: {  	_ =	shalt  }
0x71: {  	_ =	shalt  }
0x72: {  	_ =	shalt  }
0x73: {  	_ =	shalt  }
0x74: {  	_ =	shalt  }
0x75: {  	_ =	shalt  }
0x76: {  	_ =	shalt  }
0x77: {  	_ =	shalt  }
0x78: {  	_ =	shalt  }
0x79: {  	_ =	shalt  }
0x7a: {  	_ =	shalt  }
0x7b: {  	_ =	shalt  }
0x7c: {  	_ =	shalt  }
0x7d: {  	_ =	shalt  }
0x7e: {  	_ =	shalt  }
0x7f: {  	_ =	shalt  }
0x80: {  	_ =	shalt  }
0x81: {  	_ =	shalt  }
0x82: {  	_ =	shalt  }
0x83: {  	_ =	shalt  }
0x84: {  	_ =	shalt  }
0x85: {  	_ =	shalt  }
0x86: {  	_ =	shalt  }
0x87: {  	_ =	shalt  }
.Lfunc_end0:
.L_simem_size_0:
called_computation_lowered:
.L_overlay_start_0:
0x88: {  	s2 =	sld [smem:$0x3FD9]  }
0x89: {  	s3 =	sld [smem:$0x3FFE];
	_ =	sdelay $0x1  }
0x8a: {  	s1 =	srdreg.scid  }
0x8b: {  	s0 =	sand.u32 $0x1, s1  }
0x8c: {  	s17 =	sshll.u32 s0, $0xA;
	s2 =	sadd.s32 s3, s2  }
0x8d: {  	s2 =	sadd.s32 s2, s17  }
0x8e: {  	[smem:$0x3FBA] =	sst s2  }
0x8f: {  	_ = 	snop  }
0x90: {  	s2 =	sld [smem:$0x3FD0];
	(tm) =	ssettm $0x1  }
0x91: {  	s18 =	sld [smem:$0x3FFB];
	_ =	sdelay $0x3  }
0x92: {  	_ =	strace s18  }
0x93: {  	s3 =	sld [smem:$0x3FFC];
	_ =	sdelay $0x3  }
0x94: {  	_ =	strace s3  }
0x95: {  	s3 =	sld [smem:$0x3FFD];
	_ =	sdelay $0x3  }
0x96: {  	_ =	strace s3  }
0x97: {  	_ =	strace $0x8FFFFFFF  }
0x98: {  	s19 =	sld [smem:$0x3FDB];
	_ =	sdelay $0x1  }
0x99: {  	s4 =	simm.s32 $_scs_section_size  }
0x9a: {  	s5 =	simm.s32 $_size__tile_overlayer_lowered;
	s6 =	simm.s32 $_tile_overlayer_lowered  }
0x9b: {  	s22 =	simm.s32 $0x1BFF;
	s21 =	sshll.u32 s6, $0x1;
	s3 =	sadd.s32 s4, s19  }
0x9c: {  	s7 =	simm.s32 $0x0;
	s20 =	sshll.u32 s5, $0x1;
	s5 =	sadd.s32 s21, s3  }
0x9d: {  	[timem:s7], [sflag:s22] =	dma.local [hbm:s5], s20  }
0x9e: {  	_ =	swait.ge [sflag:s22], s20  }
0x9f: {  	s4 =	ssub.s32 $0x0, s20;
	[sflag:s22] =	ssyncset.done $0x0  }
0xa0: {  	[sflag:s22] =	ssyncadd.s32 s4;
	_ =	sdelay $0x1  }
0xa1: {  	s23 =	simm.s32 $0x1B8B  }
0xa2: {  	_ =	swait.ge [sflag:s23], $0x1  }
0xa3: {  	[sflag:s23] =	ssyncset.done $0x0  }
0xa4: {  	s25 =	simm.s32 $0x1B8E;
	s24 =	sld [smem:$0x3FFE];
	[sflag:s23] =	ssyncadd.s32 $0xFFFFFFFF  }
0xa5: {  	s26 =	simm.s32 $execute0_lowered;
	[smem:$0x3FD2] =	sst s25  }
0xa6: {  	s5 =	sshll.u32 s26, $0x1;
	_ =	strace $0x80000046;
	[dreg:$0x1] =	wrdreg $0xFFFFFFFF  }
0xa7: {  	s28 =	simm.s32 $_size_execute0_lowered;
	s3 =	sadd.s32 s3, s5;
	[dreg:$0x0] =	wrdreg $0x0  }
0xa8: {  	s5 =	sshll.u32 s28, $0x1;
	[dreg:$0x2] =	wrdreg s3  }
0xa9: {  	[dreg:$0x3] =	wrdreg s5  }
0xaa: {  	[dreg:$0x4] =	wrdreg $0xC0  }
0xab: {  	_ =	task [dreg:s7], $0x5FFFF  }
0xac: {  	[dreg:$0x1] =	wrdreg $0xFFFFFFFF  }
0xad: {  	[dreg:$0x0] =	wrdreg $0x60  }
0xae: {  	[dreg:$0x2] =	wrdreg s24  }
0xaf: {  	[dreg:$0x3] =	wrdreg s2  }
0xb0: {  	[dreg:$0x4] =	wrdreg $0xA4800  }
0xb1: {  	[dreg:$0x5] =	wrdreg $0x9  }
0xb2: {  	_ =	task.clear_ibuf [dreg:s7], $0x6FFFF;
	_ =	strace $0x90000046  }
0xb3: {  	s29 =	simm.s32 $0x9;
	_ =	strace $0x80000048  }
0xb4: {  	_ =	swait.ge [sflag:s29], $0x1  }
0xb5: {  	[sflag:s29] =	ssyncadd.s32 $0xFFFFFFFF  }
0xb6: {  	_ =	strace $0x90000048  }
0xb7: {  	_ =	sfence  }
0xb8: {  	s30 =	sld [smem:$0x0];
	_ =	sdelay $0x2  }
0xb9: {  	s31 =	sshll.u32 s1, $0xD;
	s1 =	sshrl.u32 s1, $0x2  }
0xba: {  	s3 =	sand.u32 $0x4000, s31;
	s1 =	sadd.s32 s1, s30  }
0xbb: {  	s0 =	sor.u32 s3, s0;
	s1 =	sshll.u32 s1, $0x11  }
0xbc: {  	s0 =	sor.u32 s1, s0  }
0xbd: {  	s0 =	sadd.s32 $0x8F2B, s0  }
0xbe: {  	[sflag:s0] =	ssyncadd.remote.s32 $0x1  }
0xbf: {  	_ =	sfence.sel $0xFFFF  }
0xc0: {  	[dreg:$0x0] =	wrdreg $0xFFFFFFFF;
	(pc) =	sbr.abs _section_cstart, $3  }
0xc1: {  	[dreg:$0x1] =	wrdreg $0xFFFFFFFF  }
0xc2: {  	_ =	task.clear_ibuf [dreg:s7], $0x2FFFF;
	_ =	strace $0x9FFFFFFF  }
0xc3: {  	(tm) =	ssettm $0x7FFFFFFF  }
tec
execute0_lowered:
.L_overlay_start_1:
0x0: {  	(tag) =	ssettag $0x1  }
0x1: {  	s6 =	rddreg [dreg:$0x0]  }
0x2: {  	s1 =	rddreg [dreg:$0x1]  }
0x3: {  	s2 =	rddreg [dreg:$0x2]  }
0x4: {  	s0 =	rddreg [dreg:$0x3]  }
0x5: {  	s4 =	simm.s32 $0x0;
	s3 =	srdreg.scid;
	s16 =	simm.s32 $0xA0  }
0x6: {  	s17 =	simm.s32 $0x400;
	s18 =	simm.s32 $0x0;
	[smem:$0x7FF] =	sst s4  }
0x7: {  	s7 =	sand.u32 $0x1, s3;
	s3 =	stileid.u32;
	s10 =	sadd.s32 $0x17200, s6  }
0x8: {  	s5 =	sadd.s32 $0xD200, s6;
	s8 =	smul.u32 $0x140000, s7;
	_ =	strace $0x80000047  }
0x9: {  	s9 =	smul.u32 $0x14000, s3;
	s11 =	sshll.u32 s3, $0x1;
	s12 =	ssub.s32 $0x2, s7  }
0xa: {  	s13 =	smul.u32 $0x50000, s3;
	s7 =	sshll.u32 s7, $0x5;
	s30 =	sshll.u32 s3, $0x6  }
0xb: {  	s11 =	sadd.s32 s11, s6;
	s14 =	sshrl.u32 s12, $0x1;
	s9 =	sadd.s32 s9, s8  }
0xc: {  	s12 =	ssub.s32 s12, s14;
	s29 =	sshrl.u32 s13, $0x2;
	s11 =	sadd.s32 s7, s11  }
.Ltmp0:
0xd: {  	s31 =	sshrl.u32 s8, $0x3;
	s7 =	sor.u32 $0x1C03, s30;
	(pc) =	sbr.rel .LBB2_1-.Ltmp0, $4  }
0xe: {  	s14 =	simm.s32 $0xA400;
	s9 =	sshrl.u32 s9, $0x3;
	s13 =	sadd.s32 s29, s2  }
0xf: {  	s8 =	sadd.s32 $0x17000, s11;
	s11 =	smax.u32 s12, $0x1;
	s15 =	sadd.s32 s9, s6  }
0x10: {  	s6 =	sadd.s32 s10, s9;
	s9 =	sadd.s32 s10, s31;
	s12 =	sshrl.u32 s13, $0x3  }
0x11: {  	s13 =	simm.s32 $0x3;
	s10 =	sadd.s32 $0x67200, s15;
	s15 =	simm.s32 $0x100  }
.LBB2_3:
0x12: {  	_ = 	snop  }
.LBB2_6:
0x13: {  	s20 =	simm.s32 @p0 $0x0;
	[sflag:s22] =	ssyncset.done @p1 $0x0  }
0x14: {  	s21 =	simm.s32 @p0 $0x4;
	s23 =	sadd.s32 s1, s24;
	[sflag:s22] =	ssyncadd.s32 @p1 $0xFFFFB000  }
0x15: {  	[tilespmem:s20], [sflag:$0x4] =	stream.linear.gather @p0 [hbm4b:s23+s20], $0xA0, $0x38;
	[tilespmem:$0x1E480] =	vst v63  }
0x16: {  	_ =	swait.ge @p0 [sflag:s21], $0xA0  }
0x17: {  	[sflag:s21] =	ssyncset.done @p0 $0x0  }
0x18: {  	s22 =	sadd.s32 s5, s24;
	s24 =	simm.s32 @p0 $0x100;
	[sflag:s21] =	ssyncadd.s32 @p0 $0xFFFFFF60  }
0x19: {  	[tilespmem:s24], [sflag:$0x4] =	stream.linear.gather @p0 [hbm4b:s22+s20], $0xA0, $0x38;
	[tilespmem:$0x1E480] =	vst v63  }
0x1a: {  	_ =	swait.ge @p0 [sflag:s21], $0xA0  }
0x1b: {  	s25 =	simm.s32 @p0 $0xA0;
	[sflag:s21] =	ssyncset.done @p0 $0x0  }
0x1c: {  	s26 =	simm.s32 @p0 $0x400;
	s24 =	simm.s32 @p0 $0x2;
	[sflag:s21] =	ssyncadd.s32 @p0 $0xFFFFFF60  }
0x1d: {  	[tilespmem:s26], [sflag:$0x1] =	stream.indirect.gather @p0 [hbm4b:s9+s25], $0x80, s20, s25, $0xb8;
	[tilespmem:$0x1E480] =	vst v63  }
0x1e: {  	_ =	swait.ge @p0 [sflag:s24], $0x5000  }
0x1f: {  	[sflag:s24] =	ssyncset.done @p0 $0x0  }
0x20: {  	s21 =	simm.s32 @p0 $0x5400;
	s20 =	simm.s32 @p0 $0x300;
	[sflag:s24] =	ssyncadd.s32 @p0 $0xFFFFB000  }
0x21: {  	[spmem:s2] =	stream.indirect.scatter.add.f32 @p0 [tilespmem:s21], [sflag:$0x3], $0x80, s20, s25, $0xb8;
	[tilespmem:$0x1E480] =	vst v63  }
0x22: {  	s24 =	simm.s32 @!p0 $0x4;
	s20 =	simm.s32 @!p0 $0x0;
	s21 =	simm.s32 @!p0 $0x200  }
0x23: {  	[tilespmem:s21], [sflag:$0x4] =	stream.linear.gather @!p0 [hbm4b:s23+s20], $0xA0, $0x38;
	[tilespmem:$0x1E480] =	vst v63  }
0x24: {  	_ =	swait.ge @!p0 [sflag:s24], $0xA0  }
0x25: {  	[sflag:s24] =	ssyncset.done @!p0 $0x0  }
0x26: {  	s23 =	simm.s32 @!p0 $0x300;
	[sflag:s24] =	ssyncadd.s32 @!p0 $0xFFFFFF60  }
0x27: {  	[tilespmem:s23], [sflag:$0x4] =	stream.linear.gather @!p0 [hbm4b:s22+s20], $0xA0, $0x38;
	[tilespmem:$0x1E480] =	vst v63  }
0x28: {  	_ =	swait.ge @!p0 [sflag:s24], $0xA0  }
0x29: {  	s20 =	simm.s32 @!p0 $0x1;
	[sflag:s24] =	ssyncset.done @!p0 $0x0  }
0x2a: {  	s22 =	simm.s32 @!p0 $0xA0;
	s23 =	simm.s32 @!p0 $0x5400;
	[sflag:s24] =	ssyncadd.s32 @!p0 $0xFFFFFF60  }
0x2b: {  	[tilespmem:s23], [sflag:$0x2] =	stream.indirect.gather @!p0 [hbm4b:s9+s22], $0x80, s21, s22, $0xb8;
	[tilespmem:$0x1E480] =	vst v63  }
0x2c: {  	_ =	swait.ge @!p0 [sflag:s20], $0x5000  }
0x2d: {  	s24 =	simm.s32 @p0 $0x3;
	[sflag:s20] =	ssyncset.done @!p0 $0x0  }
0x2e: {  	s21 =	simm.s32 @!p0 $0x100;
	s23 =	simm.s32 @!p0 $0x400;
	[sflag:s20] =	ssyncadd.s32 @!p0 $0xFFFFB000  }
0x2f: {  	[spmem:s2] =	stream.indirect.scatter.add.f32 @!p0 [tilespmem:s23], [sflag:$0x4], $0x80, s21, s22, $0xb8;
	[tilespmem:$0x1E480] =	vst v63  }
0x30: {  	_ =	swait.ge [sflag:s24], $0x5000  }
0x31: {  	[sflag:s24] =	ssyncset.done $0x0  }
0x32: {  	[sflag:s24] =	ssyncadd.s32 $0xFFFFB000  }
.LBB2_7:
0x33: {  	s19 =	sand.u32 $0x1, s19  }
0x34: {  	p0 =	seq.s32 s19, $0x1  }
0x35: {  	s19 =	simm.s32 @p0 $0x2  }
0x36: {  	_ =	swait.ge @p0 [sflag:s19], $0x5000  }
0x37: {  	s20 =	simm.s32 @p0 $0x300;
	[sflag:s19] =	ssyncset.done @p0 $0x0  }
0x38: {  	s21 =	simm.s32 @p0 $0x5400;
	[sflag:s19] =	ssyncadd.s32 @p0 $0xFFFFB000;
	s19 =	simm.s32 @p0 $0xA0  }
0x39: {  	[spmem:s2] =	stream.indirect.scatter.add.f32 @p0 [tilespmem:s21], [sflag:$0x3], $0x80, s20, s19, $0xb8;
	[tilespmem:$0x1E480] =	vst v63  }
0x3a: {  	s19 =	simm.s32 @!p0 $0x1  }
0x3b: {  	_ =	swait.ge @!p0 [sflag:s19], $0x5000  }
0x3c: {  	s20 =	simm.s32 @!p0 $0x100;
	[sflag:s19] =	ssyncset.done @!p0 $0x0  }
0x3d: {  	s21 =	simm.s32 @!p0 $0x400;
	[sflag:s19] =	ssyncadd.s32 @!p0 $0xFFFFB000;
	s19 =	simm.s32 @!p0 $0xA0  }
0x3e: {  	[spmem:s2] =	stream.indirect.scatter.add.f32 @!p0 [tilespmem:s21], [sflag:$0x3], $0x80, s20, s19, $0xb8;
	[tilespmem:$0x1E480] =	vst v63  }
0x3f: {  	_ =	swait.ge [sflag:s13], $0x5000  }
0x40: {  	s18 =	sadd.s32 $0x1, s18;
	[sflag:s13] =	ssyncset.done $0x0  }
0x41: {  	p0 =	sne.s32 s18, s11;
	[sflag:s13] =	ssyncadd.s32 $0xFFFFB000  }
.Ltmp1:
0x42: {  	[bflag:$0x0] =	sbarrier.arrive $0xFFFF;
	(pc) =	sbr.rel @!p0 .LBB2_8-.Ltmp1, $4  }
0x43: {  	[hbm:s10], [sflag:s7] =	dma.local [spmem:s12], $0x2800  }
0x44: {  	_ =	swait.ge [sflag:s13], $0x2800  }
0x45: {  	[sflag:s13] =	ssyncset.done $0x0  }
0x46: {  	[sflag:s13] =	ssyncadd.s32 $0xFFFFD800  }
.LBB2_1:
0x47: {  	[spmem:s12], [sflag:s7] =	dma.local [hbm:s6], $0x2800  }
0x48: {  	_ =	swait.ge [sflag:s13], $0x2800  }
0x49: {  	[sflag:s13] =	ssyncset.done $0x0  }
0x4a: {  	[sflag:s13] =	ssyncadd.s32 $0xFFFFD800  }
0x4b: {  	[tilespmem:s14], [sflag:$0x3] =	stream.linear.gather [hbm4b:s8+s4], $0x10, $0x38;
	[tilespmem:$0x1E480] =	vst v63  }
0x4c: {  	_ =	swait.ge [sflag:s13], $0x10  }
0x4d: {  	[sflag:s13] =	ssyncset.done $0x0  }
0x4e: {  	[sflag:s13] =	ssyncadd.s32 $0xFFFFFFF0  }
0x4f: {  	[bflag:$0x0] =	sbarrier.arrive $0xFFFF  }
0x50: {  	v0 =	vld [tilespmem:$0xA400];
	_ =	sdelay $0x4  }
0x51: {  	(v2sf) =	vpush v0, $0x0;
	_ =	sdelay $0x3  }
0x52: {  	(v2sf) =	vpush v0, $0x1;
	_ =	sdelay $0xa  }
0x53: {  	s19 =	spop (v2sf)  }
0x54: {  	s20 =	smul.u32 $0xA0, s19;
	_ =	sdelay $0x1  }
0x55: {  	s19 =	sshrl.u32 s20, $0x3  }
0x56: {  	s21 =	spop (v2sf);
	s22 =	sadd.s32 s1, s19  }
0x57: {  	[tilespmem:s4], [sflag:$0x3] =	stream.linear.gather [hbm4b:s22+s4], $0xA0, $0x38;
	[tilespmem:$0x1E480] =	vst v63  }
0x58: {  	_ =	swait.ge [sflag:s13], $0xA0  }
0x59: {  	[sflag:s13] =	ssyncset.done $0x0  }
0x5a: {  	s19 =	sadd.s32 s5, s19;
	[sflag:s13] =	ssyncadd.s32 $0xFFFFFF60  }
0x5b: {  	[tilespmem:s15], [sflag:$0x3] =	stream.linear.gather [hbm4b:s19+s4], $0xA0, $0x38;
	[tilespmem:$0x1E480] =	vst v63  }
0x5c: {  	s19 =	sadd.s32 $0xFFFFFFFF, s21  }
0x5d: {  	p0 =	slt.s32 s19, $0x1  }
.Ltmp2:
0x5e: {  	_ = 	snop;
	(pc) =	sbr.rel @p0 .LBB2_7-.Ltmp2, $4  }
0x5f: {  	_ =	swait.ge [sflag:s13], $0xA0  }
0x60: {  	[sflag:s13] =	ssyncset.done $0x0  }
0x61: {  	[sflag:s13] =	ssyncadd.s32 $0xFFFFFF60  }
0x62: {  	[tilespmem:s17], [sflag:$0x1] =	stream.indirect.gather [hbm4b:s9+s16], $0x80, s4, s16, $0xb8;
	[tilespmem:$0x1E480] =	vst v63  }
0x63: {  	p2 =	sne.s32 s19, $0x1  }
.Ltmp3:
0x64: {  	_ = 	snop;
	(pc) =	sbr.rel @!p2 .LBB2_3-.Ltmp3, $4  }
0x65: {  	_ = 	snop  }
0x66: {  	s31 =	simm.s32 $0x0  }
0x67: {  	s21 =	sadd.s32 $0xA0, s20;
	s23 =	simm.s32 $0x1;
	s20 =	sand.u32 $0x1, s31  }
0x68: {  	p1 =	por $0x0, $0x0;
	s24 =	sshrl.u32 s21, $0x3;
	p0 =	seq.s32 s20, $0x1  }
0x69: {  	s20 =	simm.s32 @p0 $0x0;
	s22 =	simm.s32 @p0 $0x4;
	s25 =	sadd.s32 s1, s24  }
0x6a: {  	[tilespmem:s20], [sflag:$0x4] =	stream.linear.gather @p0 [hbm4b:s25+s20], $0xA0, $0x38;
	[tilespmem:$0x1E480] =	vst v63  }
0x6b: {  	_ =	swait.ge @p0 [sflag:s22], $0xA0  }
0x6c: {  	[sflag:s22] =	ssyncset.done @p0 $0x0  }
0x6d: {  	s24 =	sadd.s32 s5, s24;
	s26 =	simm.s32 @p0 $0x100;
	[sflag:s22] =	ssyncadd.s32 @p0 $0xFFFFFF60  }
0x6e: {  	[tilespmem:s26], [sflag:$0x4] =	stream.linear.gather @p0 [hbm4b:s24+s20], $0xA0, $0x38;
	[tilespmem:$0x1E480] =	vst v63  }
0x6f: {  	_ =	swait.ge @p0 [sflag:s22], $0xA0  }
0x70: {  	s28 =	simm.s32 @p0 $0xA0;
	[sflag:s22] =	ssyncset.done @p0 $0x0  }
0x71: {  	s29 =	simm.s32 @p0 $0x400;
	s26 =	simm.s32 @p0 $0x2;
	[sflag:s22] =	ssyncadd.s32 @p0 $0xFFFFFF60  }
0x72: {  	[tilespmem:s29], [sflag:$0x1] =	stream.indirect.gather @p0 [hbm4b:s9+s28], $0x80, s20, s28, $0xb8;
	[tilespmem:$0x1E480] =	vst v63  }
0x73: {  	_ =	swait.ge @p0 [sflag:s26], $0x5000  }
0x74: {  	[sflag:s26] =	ssyncset.done @p0 $0x0  }
0x75: {  	s22 =	simm.s32 @p0 $0x5400;
	s20 =	simm.s32 @p0 $0x300;
	[sflag:s26] =	ssyncadd.s32 @p0 $0xFFFFB000  }
0x76: {  	[spmem:s2] =	stream.indirect.scatter.add.f32 @p0 [tilespmem:s22], [sflag:$0x3], $0x80, s20, s28, $0xb8;
	[tilespmem:$0x1E480] =	vst v63  }
0x77: {  	s26 =	simm.s32 @!p0 $0x200;
	s20 =	simm.s32 @!p0 $0x0;
	s22 =	simm.s32 @!p0 $0x4  }
0x78: {  	[tilespmem:s26], [sflag:$0x4] =	stream.linear.gather @!p0 [hbm4b:s25+s20], $0xA0, $0x38;
	[tilespmem:$0x1E480] =	vst v63  }
0x79: {  	_ =	swait.ge @!p0 [sflag:s22], $0xA0  }
0x7a: {  	[sflag:s22] =	ssyncset.done @!p0 $0x0  }
0x7b: {  	s25 =	simm.s32 @!p0 $0x300;
	[sflag:s22] =	ssyncadd.s32 @!p0 $0xFFFFFF60  }
0x7c: {  	[tilespmem:s25], [sflag:$0x4] =	stream.linear.gather @!p0 [hbm4b:s24+s20], $0xA0, $0x38;
	[tilespmem:$0x1E480] =	vst v63  }
0x7d: {  	s23 =	sand.u32 $0x1, s23;
	p2 =	sne.s32 s19, $0x2;
	_ =	swait.ge @!p0 [sflag:s22], $0xA0  }
0x7e: {  	s21 =	sadd.s32 $0xA0, s21;
	s24 =	simm.s32 @!p0 $0x1;
	[sflag:s22] =	ssyncset.done @!p0 $0x0  }
0x7f: {  	s25 =	simm.s32 @!p0 $0xA0;
	s20 =	simm.s32 @!p0 $0x5400;
	[sflag:s22] =	ssyncadd.s32 @!p0 $0xFFFFFF60  }
0x80: {  	[tilespmem:s20], [sflag:$0x2] =	stream.indirect.gather @!p0 [hbm4b:s9+s25], $0x80, s26, s25, $0xb8;
	[tilespmem:$0x1E480] =	vst v63  }
.Ltmp4:
0x81: {  	p1 =	por $0x1, $0x1;
	_ =	swait.ge @!p0 [sflag:s24], $0x5000;
	(pc) =	sbr.rel @!p2 .LBB2_6-.Ltmp4, $4  }
0x82: {  	s28 =	simm.s32 @!p0 $0x400;
	s22 =	simm.s32 @p0 $0x3;
	[sflag:s24] =	ssyncset.done @!p0 $0x0  }
0x83: {  	s20 =	simm.s32 $0x2;
	s26 =	simm.s32 @!p0 $0x100;
	[sflag:s24] =	ssyncadd.s32 @!p0 $0xFFFFB000  }
0x84: {  	[spmem:s2] =	stream.indirect.scatter.add.f32 @!p0 [tilespmem:s28], [sflag:$0x4], $0x80, s26, s25, $0xb8;
	[tilespmem:$0x1E480] =	vst v63  }
0x85: {  	s24 =	sshrl.u32 s21, $0x3;
	p0 =	seq.s32 s23, $0x1;
	_ =	swait.ge [sflag:s22], $0x5000  }
.LBB2_5:
0x86: {  	s25 =	simm.s32 @p0 $0x0  }
0x87: {  	s26 =	simm.s32 @p0 $0x4;
	[sflag:s22] =	ssyncset.done $0x0;
	s23 =	smov.u32 s20  }
0x88: {  	s20 =	sadd.s32 $0x1, s20;
	s28 =	sadd.s32 s1, s24;
	[sflag:s22] =	ssyncadd.s32 $0xFFFFB000  }
0x89: {  	[tilespmem:s25], [sflag:$0x4] =	stream.linear.gather @p0 [hbm4b:s28+s25], $0xA0, $0x38;
	[tilespmem:$0x1E480] =	vst v63  }
0x8a: {  	p2 =	sne.s32 s19, s20;
	_ =	swait.ge @p0 [sflag:s26], $0xA0  }
0x8b: {  	s24 =	sadd.s32 s5, s24;
	s22 =	simm.s32 @p0 $0x100;
	[sflag:s26] =	ssyncset.done @p0 $0x0  }
0x8c: {  	[sflag:s26] =	ssyncadd.s32 @p0 $0xFFFFFF60  }
0x8d: {  	[tilespmem:s22], [sflag:$0x4] =	stream.linear.gather @p0 [hbm4b:s24+s25], $0xA0, $0x38;
	[tilespmem:$0x1E480] =	vst v63  }
0x8e: {  	s22 =	simm.s32 @p0 $0x2;
	_ =	swait.ge @p0 [sflag:s26], $0xA0  }
0x8f: {  	s29 =	simm.s32 @p0 $0xA0;
	s30 =	simm.s32 @p0 $0x400;
	[sflag:s26] =	ssyncset.done @p0 $0x0  }
0x90: {  	[sflag:s26] =	ssyncadd.s32 @p0 $0xFFFFFF60  }
0x91: {  	[tilespmem:s30], [sflag:$0x1] =	stream.indirect.gather @p0 [hbm4b:s9+s29], $0x80, s25, s29, $0xb8;
	[tilespmem:$0x1E480] =	vst v63  }
0x92: {  	_ =	swait.ge @p0 [sflag:s22], $0x5000  }
0x93: {  	s26 =	simm.s32 @p0 $0x5400;
	s25 =	simm.s32 @p0 $0x300;
	[sflag:s22] =	ssyncset.done @p0 $0x0  }
0x94: {  	[sflag:s22] =	ssyncadd.s32 @p0 $0xFFFFB000  }
0x95: {  	[spmem:s2] =	stream.indirect.scatter.add.f32 @p0 [tilespmem:s26], [sflag:$0x3], $0x80, s25, s29, $0xb8;
	[tilespmem:$0x1E480] =	vst v63  }
0x96: {  	s22 =	simm.s32 @!p0 $0x4;
	s25 =	simm.s32 @!p0 $0x0;
	s26 =	simm.s32 @!p0 $0x200  }
0x97: {  	[tilespmem:s26], [sflag:$0x4] =	stream.linear.gather @!p0 [hbm4b:s28+s25], $0xA0, $0x38;
	[tilespmem:$0x1E480] =	vst v63  }
0x98: {  	_ =	swait.ge @!p0 [sflag:s22], $0xA0  }
0x99: {  	s28 =	simm.s32 @!p0 $0x300;
	[sflag:s22] =	ssyncset.done @!p0 $0x0  }
0x9a: {  	[sflag:s22] =	ssyncadd.s32 @!p0 $0xFFFFFF60  }
0x9b: {  	[tilespmem:s28], [sflag:$0x4] =	stream.linear.gather @!p0 [hbm4b:s24+s25], $0xA0, $0x38;
	[tilespmem:$0x1E480] =	vst v63  }
0x9c: {  	s24 =	simm.s32 @!p0 $0x1;
	_ =	swait.ge @!p0 [sflag:s22], $0xA0  }
0x9d: {  	s25 =	simm.s32 @!p0 $0xA0;
	s28 =	simm.s32 @!p0 $0x5400;
	[sflag:s22] =	ssyncset.done @!p0 $0x0  }
0x9e: {  	[sflag:s22] =	ssyncadd.s32 @!p0 $0xFFFFFF60  }
0x9f: {  	[tilespmem:s28], [sflag:$0x2] =	stream.indirect.gather @!p0 [hbm4b:s9+s25], $0x80, s26, s25, $0xb8;
	[tilespmem:$0x1E480] =	vst v63  }
.Ltmp5:
0xa0: {  	s21 =	sadd.s32 $0xA0, s21;
	_ =	swait.ge @!p0 [sflag:s24], $0x5000;
	(pc) =	sbr.rel @p2 .LBB2_5-.Ltmp5, $4  }
0xa1: {  	s26 =	simm.s32 @!p0 $0x100;
	s28 =	simm.s32 @!p0 $0x400;
	[sflag:s24] =	ssyncset.done @!p0 $0x0  }
0xa2: {  	s23 =	sand.u32 $0x1, s23;
	s22 =	simm.s32 @p0 $0x3;
	[sflag:s24] =	ssyncadd.s32 @!p0 $0xFFFFB000  }
0xa3: {  	[spmem:s2] =	stream.indirect.scatter.add.f32 @!p0 [tilespmem:s28], [sflag:$0x4], $0x80, s26, s25, $0xb8;
	[tilespmem:$0x1E480] =	vst v63  }
0xa4: {  	s24 =	sshrl.u32 s21, $0x3;
	p0 =	seq.s32 s23, $0x1;
	_ =	swait.ge [sflag:s22], $0x5000  }
.Ltmp6:
0xa5: {  	_ = 	snop;
	(pc) =	sbr.rel .LBB2_6-.Ltmp6, $1  }
0xa6: {  	_ =	sdelay $0x3  }
.LBB2_8:
0xa7: {  	_ =	sfence.sel $0x180000  }
0xa8: {  	[bflag:$0x0] =	sbarrier.arrive $0xFFFF  }
0xa9: {  	p0 =	sne.s32 s3, $0x0;
	_ =	strace $0x90000047  }
0xaa: {  	s0 =	sadd.s32 @!p0 $0x100000, s0;
	[bflag:$0x2] =	sbarrier.arrive $0xFFFF  }
0xab: {  	[sflag:s0] =	ssyncadd.tile.s32 @!p0 $0x1;
	_ =	shalt  }
.Lfunc_end2:
_tile_overlayer_lowered:
.L_overlay_start_2:
0xac: {  	(tag) =	ssettag $0x2  }
0xad: {  	s0 =	rddreg [dreg:$0x0];
	s2 =	stileid.u32  }
0xae: {  	s1 =	rddreg [dreg:$0x1];
	p0 =	sne.s32 s2, $0x0  }
0xaf: {  	s3 =	rddreg [dreg:$0x2];
	[bflag:$0x3] =	sbarrier.arrive $0xFFFF;
	s2 =	simm.s32 @!p0 $0x1C03  }
0xb0: {  	[timem:s3], [sflag:s2] =	dma.local @!p0 [hbm:s0], s1  }
0xb1: {  	s0 =	simm.s32 @!p0 $0x3  }
0xb2: {  	_ =	swait.ge @!p0 [sflag:s0], s1  }
0xb3: {  	s1 =	ssub.s32 @!p0 $0x0, s1;
	[sflag:s0] =	ssyncset.done @!p0 $0x0  }
0xb4: {  	[sflag:s0] =	ssyncadd.s32 @!p0 s1  }
0xb5: {  	[bflag:$0x3] =	sbarrier.arrive $0xFFFF  }
0xb6: {  	_ =	shalt  }

</sc_bundles>
